<compile_context>
chip_gen: v7x
topology: tpu7x:2x2x1
jax: 0.10.2.dev20260603
libtpu: 0.0.44.dev20260713+nightly
codegen_flags: <defaults>
</compile_context>

<pallas_src>
import jax
import jax.numpy as jnp
from jax import lax
from jax.experimental import pallas as pl
from jax.experimental.pallas import tpu as pltpu
from jax.experimental.pallas import tpu_sc as plsc

N_CLASSES = 19
N_BINS = 10
H = 512
W = 512
BATCH = 8
ROWS = 256
RSTEPS = H // ROWS
NBLOCKS = BATCH * RSTEPS
SLICE_BLOCKS = (12, 3)
LAST_BLOCKS = 1

NUM_TILES = 32
LANES = 16


def _dense_body(x_ref, t_ref, out_ref):
    t = t_ref[0]
    x0 = x_ref[0, 0]
    m = x0
    tv = x0
    s = jnp.exp(x0)
    for c in range(1, N_CLASSES):
        xc = x_ref[0, c]
        m = jnp.maximum(m, xc)
        tv = jnp.where(t == c, xc, tv)
        s = s + jnp.exp(xc)
    ps = jnp.exp(m) / s
    correct = (tv == m).astype(jnp.int32)
    b = jnp.minimum(lax.convert_element_type(ps * 10.0, jnp.int32), 9)
    key = b * 2 + correct
    packed = lax.bitcast_convert_type(
        (lax.bitcast_convert_type(ps, jnp.int32) & -32) | key, jnp.float32)
    out_ref[...] = packed


def _dense_call(output, target, start, nblk):
    def in_map(n, start=start):
        g = start + n
        return (g // RSTEPS, 0, g % RSTEPS, 0)

    def t_map(n, start=start):
        g = start + n
        return (g // RSTEPS, g % RSTEPS, 0)

    return pl.pallas_call(
        _dense_body,
        grid=(nblk,),
        in_specs=[
            pl.BlockSpec((1, N_CLASSES, ROWS, W), in_map),
            pl.BlockSpec((1, ROWS, W), t_map),
        ],
        out_specs=pl.BlockSpec((ROWS, W), lambda n: (n, 0)),
        out_shape=jax.ShapeDtypeStruct((nblk * ROWS, W), jnp.float32),
        compiler_params=pltpu.CompilerParams(
            dimension_semantics=("arbitrary",)),
    )(output, target)


def _make_hist_body(tile_rows):
    def _hist_body(packed_hbm, conf_out, cnt_out, buf, conf_acc, cnt_acc):
        nc = 2
        wid = lax.axis_index("s") * nc + lax.axis_index("c")
        lanes = lax.iota(jnp.int32, LANES)
        ones = jnp.full((LANES,), 1.0, jnp.float32)
        zero16 = jnp.zeros((LANES,), jnp.float32)
        for r in range(N_BINS):
            conf_acc[pl.ds(r * LANES, LANES)] = zero16
        for r in range(2 * N_BINS):
            cnt_acc[pl.ds(r * LANES, LANES)] = zero16

        pltpu.sync_copy(packed_hbm.at[pl.ds(wid * tile_rows, tile_rows)], buf)

        @plsc.parallel_loop(0, tile_rows * W // LANES, unroll=8)
        def vec_body(j):
            row = lax.shift_right_logical(j, 5)
            col = lax.shift_left(lax.bitwise_and(j, 31), 4)
            v = buf[row, pl.ds(col, LANES)]
            vi = plsc.bitcast(v, jnp.int32)
            key = lax.bitwise_and(vi, 31)
            b = lax.shift_right_logical(key, 1)
            conf_idx = lax.shift_left(b, 4) + lanes
            cnt_idx = lax.shift_left(key, 4) + lanes
            plsc.addupdate_scatter(conf_acc, [conf_idx], v)
            plsc.addupdate_scatter(cnt_acc, [cnt_idx], ones)

        pltpu.sync_copy(conf_acc, conf_out.at[wid])
        pltpu.sync_copy(cnt_acc, cnt_out.at[wid])

    return _hist_body


def _hist_call(packed, nblk):
    tile_rows = nblk * ROWS // NUM_TILES
    mesh = plsc.VectorSubcoreMesh(core_axis_name="c", subcore_axis_name="s",
                                  num_cores=2, num_subcores=16)
    f = pl.kernel(
        _make_hist_body(tile_rows),
        out_type=[
            jax.ShapeDtypeStruct((NUM_TILES, N_BINS * LANES), jnp.float32),
            jax.ShapeDtypeStruct((NUM_TILES, 2 * N_BINS * LANES), jnp.float32),
        ],
        mesh=mesh,
        scratch_types=[
            pltpu.VMEM((tile_rows, W), jnp.float32),
            pltpu.VMEM((N_BINS * LANES,), jnp.float32),
            pltpu.VMEM((2 * N_BINS * LANES,), jnp.float32),
        ],
        compiler_params=pltpu.CompilerParams(needs_layout_passes=False),
    )
    return f(packed)


def _final_body(*refs):
    nslices = len(SLICE_BLOCKS)
    conf_refs = refs[:nslices]
    cnt_refs = refs[nslices:2 * nslices]
    packed_ref = refs[2 * nslices]
    out_ref = refs[2 * nslices + 1]
    conf_t = jnp.sum(conf_refs[0][...], axis=0)
    cnt_t = jnp.sum(cnt_refs[0][...], axis=0)
    for k in range(1, nslices):
        conf_t = conf_t + jnp.sum(conf_refs[k][...], axis=0)
        cnt_t = cnt_t + jnp.sum(cnt_refs[k][...], axis=0)
    pk = packed_ref[...]
    vi = lax.bitcast_convert_type(pk, jnp.int32)
    key = vi & 31
    corr = (key & 1).astype(jnp.float32)
    bn = lax.shift_right_logical(key, 1)
    zf = jnp.zeros_like(pk)
    of = jnp.ones_like(pk)
    ns = []
    accs = []
    confs = []
    for b in range(N_BINS):
        n0 = jnp.sum(cnt_t[2 * b * LANES:(2 * b + 1) * LANES])
        n1 = jnp.sum(cnt_t[(2 * b + 1) * LANES:(2 * b + 2) * LANES])
        msk = bn == b
        ce = jnp.sum(jnp.where(msk, pk, zf))
        ne = jnp.sum(jnp.where(msk, of, zf))
        ae = jnp.sum(jnp.where(msk, corr, zf))
        ns.append(n0 + n1 + ne)
        accs.append(n1 + ae)
        confs.append(jnp.sum(conf_t[b * LANES:(b + 1) * LANES]) + ce)
    total = ns[0]
    for b in range(1, N_BINS):
        total = total + ns[b]
    ece = jnp.float32(0.0)
    for b in range(N_BINS):
        denom = ns[b] + 1e-13
        avg_acc = accs[b] / denom
        avg_conf = confs[b] / denom
        diff = jnp.abs(avg_acc - avg_conf)
        ece = ece + diff * diff * (ns[b] / total)
    out_ref[0, 0] = ece


def _final_call(confs, cnts, packed_b):
    nslices = len(SLICE_BLOCKS)
    in_specs = [pl.BlockSpec(c.shape, lambda i: (0, 0)) for c in confs]
    in_specs += [pl.BlockSpec(c.shape, lambda i: (0, 0)) for c in cnts]
    last_blk = packed_b.shape[0] // ROWS - 1
    in_specs.append(
        pl.BlockSpec((ROWS, W), lambda i, last_blk=last_blk: (last_blk, 0)))
    return pl.pallas_call(
        _final_body,
        grid=(1,),
        in_specs=in_specs,
        out_specs=pl.BlockSpec((1, 1), lambda i: (0, 0),
                               memory_space=pltpu.SMEM),
        out_shape=jax.ShapeDtypeStruct((1, 1), jnp.float32),
    )(*confs, *cnts, packed_b)


def kernel(output, target):
    target = target.astype(jnp.int32)
    confs = []
    cnts = []
    start = 0
    for nblk in SLICE_BLOCKS:
        packed = _dense_call(output, target, start, nblk)
        conf, cnt = _hist_call(packed, nblk)
        confs.append(conf)
        cnts.append(cnt)
        start += nblk
    packed_last = _dense_call(output, target, start, LAST_BLOCKS)
    ece = _final_call(confs, cnts, packed_last)
    return ece[0, 0]

# --- scband reference (transcript-rebuilt; emitter-appended) ---
"""Pipeline reference for scband-eceloss-38706245272183 (READ-ONLY COPY).

The authoritative reference and input builder live on the scoring server;
editing this copy changes nothing except your own understanding.
"""

import jax, jax.numpy as jnp
import numpy as np

N_BINS = 10

def setup_inputs(seed: int = 0) -> dict:
    key = jax.random.key(seed)
    k1, k2 = jax.random.split(key)
    output = jax.random.normal(k1, (8, 19, 512, 512), dtype=jnp.float32)
    target = jax.random.randint(k2, (8, 512, 512), 0, 19, dtype=jnp.int64)
    return {"output": output, "target": target}

def reference(output, target):
    probs = jax.nn.softmax(output, axis=1)
    predicted_score = jnp.max(probs, axis=1)
    predicted_label = jnp.argmax(probs, axis=1)
    bounds = jnp.linspace(0.0, 1.0, N_BINS + 1)
    lowers = bounds[:-1]
    uppers = bounds[1:]
    ps = predicted_score.reshape(-1)
    correct = (predicted_label == target).reshape(-1)
    mask = (ps[None, :] > lowers[:, None]) & (ps[None, :] <= uppers[:, None])
    conf_sum = jnp.sum(jnp.where(mask, ps[None, :], 0.0), axis=1)
    no_pred = jnp.sum(mask, axis=1).astype(jnp.float32)
    no_acc = jnp.sum(mask & correct[None, :], axis=1).astype(jnp.float32)
    avg_acc = no_acc / (no_pred + 1e-13)
    avg_conf = conf_sum / (no_pred + 1e-13)
    overall_ece = jnp.sum(jnp.abs(avg_acc - avg_conf) ** 2 * (no_pred / jnp.sum(no_pred)))
    return overall_ece

if __name__ == "__main__":
    import jax
    _d = setup_inputs()
    print(jax.jit(kernel)(*tuple(_d.values())))

</pallas_src>

<mosaic_0001>
#map = affine_map<(d0, d1) -> (0, 0)>
module attributes {stable_mosaic.version = 14 : i64} {
  func.func @_hist_body(%arg0: i32, %arg1: i32, %arg2: memref<768x512xf32, #tpu.memory_space<hbm>>, %arg3: memref<32x160xf32, #tpu.memory_space<hbm>>, %arg4: memref<32x320xf32, #tpu.memory_space<hbm>>, %arg5: memref<24x512xf32, #tpu.memory_space<vmem>>, %arg6: memref<160xf32, #tpu.memory_space<vmem>>, %arg7: memref<320xf32, #tpu.memory_space<vmem>>) attributes {dimension_semantics = [#tpu.dimension_semantics<core_parallel>, #tpu.dimension_semantics<subcore_parallel>], iteration_bounds = array<i64: 2, 16>, scalar_prefetch = 0 : i64, scratch_operands = 3 : i64, tpu.core_type = #tpu.core_type<sc_vector_subcore>, window_params = [{transform_indices = #map}, {transform_indices = #map}, {transform_indices = #map}]} {
    %mul3A = arith.constant 2 : i32
    %mul3A_0 = arith.muli %arg1, %mul3A : i32
    %add3A = arith.addi %mul3A_0, %arg0 : i32
    %iota3A = tpu.iota {dimensions = array<i32: 0>} : vector<16xi32>
    %broadcast_in_dim3A = arith.constant 1.000000e+00 : f32
    %broadcast_in_dim3A_1 = vector.broadcast %broadcast_in_dim3A : f32 to vector<16xf32>
    %broadcast_in_dim3A_2 = arith.constant 0.000000e+00 : f32
    %broadcast_in_dim3A_3 = vector.broadcast %broadcast_in_dim3A_2 : f32 to vector<16xf32>
    %swap3A = arith.constant 0 : index
    %swap3A_4 = tpu.vector_load %arg6[%swap3A] {strides = array<i32>} : memref<160xf32, #tpu.memory_space<vmem>>, vector<16xf32>,
    tpu.vector_store %arg6[%swap3A], %broadcast_in_dim3A_3 {strides = array<i32>} : memref<160xf32, #tpu.memory_space<vmem>>, vector<16xf32>,
    %swap3A_5 = arith.constant 16 : index
    %swap3A_6 = tpu.vector_load %arg6[%swap3A_5] {strides = array<i32>} : memref<160xf32, #tpu.memory_space<vmem>>, vector<16xf32>,
    tpu.vector_store %arg6[%swap3A_5], %broadcast_in_dim3A_3 {strides = array<i32>} : memref<160xf32, #tpu.memory_space<vmem>>, vector<16xf32>,
    %swap3A_7 = arith.constant 32 : index
    %swap3A_8 = tpu.vector_load %arg6[%swap3A_7] {strides = array<i32>} : memref<160xf32, #tpu.memory_space<vmem>>, vector<16xf32>,
    tpu.vector_store %arg6[%swap3A_7], %broadcast_in_dim3A_3 {strides = array<i32>} : memref<160xf32, #tpu.memory_space<vmem>>, vector<16xf32>,
    %swap3A_9 = arith.constant 48 : index
    %swap3A_10 = tpu.vector_load %arg6[%swap3A_9] {strides = array<i32>} : memref<160xf32, #tpu.memory_space<vmem>>, vector<16xf32>,
    tpu.vector_store %arg6[%swap3A_9], %broadcast_in_dim3A_3 {strides = array<i32>} : memref<160xf32, #tpu.memory_space<vmem>>, vector<16xf32>,
    %swap3A_11 = arith.constant 64 : index
    %swap3A_12 = tpu.vector_load %arg6[%swap3A_11] {strides = array<i32>} : memref<160xf32, #tpu.memory_space<vmem>>, vector<16xf32>,
    tpu.vector_store %arg6[%swap3A_11], %broadcast_in_dim3A_3 {strides = array<i32>} : memref<160xf32, #tpu.memory_space<vmem>>, vector<16xf32>,
    %swap3A_13 = arith.constant 80 : index
    %swap3A_14 = tpu.vector_load %arg6[%swap3A_13] {strides = array<i32>} : memref<160xf32, #tpu.memory_space<vmem>>, vector<16xf32>,
    tpu.vector_store %arg6[%swap3A_13], %broadcast_in_dim3A_3 {strides = array<i32>} : memref<160xf32, #tpu.memory_space<vmem>>, vector<16xf32>,
    %swap3A_15 = arith.constant 96 : index
    %swap3A_16 = tpu.vector_load %arg6[%swap3A_15] {strides = array<i32>} : memref<160xf32, #tpu.memory_space<vmem>>, vector<16xf32>,
    tpu.vector_store %arg6[%swap3A_15], %broadcast_in_dim3A_3 {strides = array<i32>} : memref<160xf32, #tpu.memory_space<vmem>>, vector<16xf32>,
    %swap3A_17 = arith.constant 112 : index
    %swap3A_18 = tpu.vector_load %arg6[%swap3A_17] {strides = array<i32>} : memref<160xf32, #tpu.memory_space<vmem>>, vector<16xf32>,
    tpu.vector_store %arg6[%swap3A_17], %broadcast_in_dim3A_3 {strides = array<i32>} : memref<160xf32, #tpu.memory_space<vmem>>, vector<16xf32>,
    %swap3A_19 = arith.constant 128 : index
    %swap3A_20 = tpu.vector_load %arg6[%swap3A_19] {strides = array<i32>} : memref<160xf32, #tpu.memory_space<vmem>>, vector<16xf32>,
    tpu.vector_store %arg6[%swap3A_19], %broadcast_in_dim3A_3 {strides = array<i32>} : memref<160xf32, #tpu.memory_space<vmem>>, vector<16xf32>,
    %swap3A_21 = arith.constant 144 : index
    %swap3A_22 = tpu.vector_load %arg6[%swap3A_21] {strides = array<i32>} : memref<160xf32, #tpu.memory_space<vmem>>, vector<16xf32>,
    tpu.vector_store %arg6[%swap3A_21], %broadcast_in_dim3A_3 {strides = array<i32>} : memref<160xf32, #tpu.memory_space<vmem>>, vector<16xf32>,
    %swap3A_23 = arith.constant 0 : index
    %swap3A_24 = tpu.vector_load %arg7[%swap3A_23] {strides = array<i32>} : memref<320xf32, #tpu.memory_space<vmem>>, vector<16xf32>,
    tpu.vector_store %arg7[%swap3A_23], %broadcast_in_dim3A_3 {strides = array<i32>} : memref<320xf32, #tpu.memory_space<vmem>>, vector<16xf32>,
    %swap3A_25 = arith.constant 16 : index
    %swap3A_26 = tpu.vector_load %arg7[%swap3A_25] {strides = array<i32>} : memref<320xf32, #tpu.memory_space<vmem>>, vector<16xf32>,
    tpu.vector_store %arg7[%swap3A_25], %broadcast_in_dim3A_3 {strides = array<i32>} : memref<320xf32, #tpu.memory_space<vmem>>, vector<16xf32>,
    %swap3A_27 = arith.constant 32 : index
    %swap3A_28 = tpu.vector_load %arg7[%swap3A_27] {strides = array<i32>} : memref<320xf32, #tpu.memory_space<vmem>>, vector<16xf32>,
    tpu.vector_store %arg7[%swap3A_27], %broadcast_in_dim3A_3 {strides = array<i32>} : memref<320xf32, #tpu.memory_space<vmem>>, vector<16xf32>,
    %swap3A_29 = arith.constant 48 : index
    %swap3A_30 = tpu.vector_load %arg7[%swap3A_29] {strides = array<i32>} : memref<320xf32, #tpu.memory_space<vmem>>, vector<16xf32>,
    tpu.vector_store %arg7[%swap3A_29], %broadcast_in_dim3A_3 {strides = array<i32>} : memref<320xf32, #tpu.memory_space<vmem>>, vector<16xf32>,
    %swap3A_31 = arith.constant 64 : index
    %swap3A_32 = tpu.vector_load %arg7[%swap3A_31] {strides = array<i32>} : memref<320xf32, #tpu.memory_space<vmem>>, vector<16xf32>,
    tpu.vector_store %arg7[%swap3A_31], %broadcast_in_dim3A_3 {strides = array<i32>} : memref<320xf32, #tpu.memory_space<vmem>>, vector<16xf32>,
    %swap3A_33 = arith.constant 80 : index
    %swap3A_34 = tpu.vector_load %arg7[%swap3A_33] {strides = array<i32>} : memref<320xf32, #tpu.memory_space<vmem>>, vector<16xf32>,
    tpu.vector_store %arg7[%swap3A_33], %broadcast_in_dim3A_3 {strides = array<i32>} : memref<320xf32, #tpu.memory_space<vmem>>, vector<16xf32>,
    %swap3A_35 = arith.constant 96 : index
    %swap3A_36 = tpu.vector_load %arg7[%swap3A_35] {strides = array<i32>} : memref<320xf32, #tpu.memory_space<vmem>>, vector<16xf32>,
    tpu.vector_store %arg7[%swap3A_35], %broadcast_in_dim3A_3 {strides = array<i32>} : memref<320xf32, #tpu.memory_space<vmem>>, vector<16xf32>,
    %swap3A_37 = arith.constant 112 : index
    %swap3A_38 = tpu.vector_load %arg7[%swap3A_37] {strides = array<i32>} : memref<320xf32, #tpu.memory_space<vmem>>, vector<16xf32>,
    tpu.vector_store %arg7[%swap3A_37], %broadcast_in_dim3A_3 {strides = array<i32>} : memref<320xf32, #tpu.memory_space<vmem>>, vector<16xf32>,
    %swap3A_39 = arith.constant 128 : index
    %swap3A_40 = tpu.vector_load %arg7[%swap3A_39] {strides = array<i32>} : memref<320xf32, #tpu.memory_space<vmem>>, vector<16xf32>,
    tpu.vector_store %arg7[%swap3A_39], %broadcast_in_dim3A_3 {strides = array<i32>} : memref<320xf32, #tpu.memory_space<vmem>>, vector<16xf32>,
    %swap3A_41 = arith.constant 144 : index
    %swap3A_42 = tpu.vector_load %arg7[%swap3A_41] {strides = array<i32>} : memref<320xf32, #tpu.memory_space<vmem>>, vector<16xf32>,
    tpu.vector_store %arg7[%swap3A_41], %broadcast_in_dim3A_3 {strides = array<i32>} : memref<320xf32, #tpu.memory_space<vmem>>, vector<16xf32>,
    %swap3A_43 = arith.constant 160 : index
    %swap3A_44 = tpu.vector_load %arg7[%swap3A_43] {strides = array<i32>} : memref<320xf32, #tpu.memory_space<vmem>>, vector<16xf32>,
    tpu.vector_store %arg7[%swap3A_43], %broadcast_in_dim3A_3 {strides = array<i32>} : memref<320xf32, #tpu.memory_space<vmem>>, vector<16xf32>,
    %swap3A_45 = arith.constant 176 : index
    %swap3A_46 = tpu.vector_load %arg7[%swap3A_45] {strides = array<i32>} : memref<320xf32, #tpu.memory_space<vmem>>, vector<16xf32>,
    tpu.vector_store %arg7[%swap3A_45], %broadcast_in_dim3A_3 {strides = array<i32>} : memref<320xf32, #tpu.memory_space<vmem>>, vector<16xf32>,
    %swap3A_47 = arith.constant 192 : index
    %swap3A_48 = tpu.vector_load %arg7[%swap3A_47] {strides = array<i32>} : memref<320xf32, #tpu.memory_space<vmem>>, vector<16xf32>,
    tpu.vector_store %arg7[%swap3A_47], %broadcast_in_dim3A_3 {strides = array<i32>} : memref<320xf32, #tpu.memory_space<vmem>>, vector<16xf32>,
    %swap3A_49 = arith.constant 208 : index
    %swap3A_50 = tpu.vector_load %arg7[%swap3A_49] {strides = array<i32>} : memref<320xf32, #tpu.memory_space<vmem>>, vector<16xf32>,
    tpu.vector_store %arg7[%swap3A_49], %broadcast_in_dim3A_3 {strides = array<i32>} : memref<320xf32, #tpu.memory_space<vmem>>, vector<16xf32>,
    %swap3A_51 = arith.constant 224 : index
    %swap3A_52 = tpu.vector_load %arg7[%swap3A_51] {strides = array<i32>} : memref<320xf32, #tpu.memory_space<vmem>>, vector<16xf32>,
    tpu.vector_store %arg7[%swap3A_51], %broadcast_in_dim3A_3 {strides = array<i32>} : memref<320xf32, #tpu.memory_space<vmem>>, vector<16xf32>,
    %swap3A_53 = arith.constant 240 : index
    %swap3A_54 = tpu.vector_load %arg7[%swap3A_53] {strides = array<i32>} : memref<320xf32, #tpu.memory_space<vmem>>, vector<16xf32>,
    tpu.vector_store %arg7[%swap3A_53], %broadcast_in_dim3A_3 {strides = array<i32>} : memref<320xf32, #tpu.memory_space<vmem>>, vector<16xf32>,
    %swap3A_55 = arith.constant 256 : index
    %swap3A_56 = tpu.vector_load %arg7[%swap3A_55] {strides = array<i32>} : memref<320xf32, #tpu.memory_space<vmem>>, vector<16xf32>,
    tpu.vector_store %arg7[%swap3A_55], %broadcast_in_dim3A_3 {strides = array<i32>} : memref<320xf32, #tpu.memory_space<vmem>>, vector<16xf32>,
    %swap3A_57 = arith.constant 272 : index
    %swap3A_58 = tpu.vector_load %arg7[%swap3A_57] {strides = array<i32>} : memref<320xf32, #tpu.memory_space<vmem>>, vector<16xf32>,
    tpu.vector_store %arg7[%swap3A_57], %broadcast_in_dim3A_3 {strides = array<i32>} : memref<320xf32, #tpu.memory_space<vmem>>, vector<16xf32>,
    %swap3A_59 = arith.constant 288 : index
    %swap3A_60 = tpu.vector_load %arg7[%swap3A_59] {strides = array<i32>} : memref<320xf32, #tpu.memory_space<vmem>>, vector<16xf32>,
    tpu.vector_store %arg7[%swap3A_59], %broadcast_in_dim3A_3 {strides = array<i32>} : memref<320xf32, #tpu.memory_space<vmem>>, vector<16xf32>,
    %swap3A_61 = arith.constant 304 : index
    %swap3A_62 = tpu.vector_load %arg7[%swap3A_61] {strides = array<i32>} : memref<320xf32, #tpu.memory_space<vmem>>, vector<16xf32>,
    tpu.vector_store %arg7[%swap3A_61], %broadcast_in_dim3A_3 {strides = array<i32>} : memref<320xf32, #tpu.memory_space<vmem>>, vector<16xf32>,
    %mul3A_63 = arith.constant 24 : i32
    %mul3A_64 = arith.muli %add3A, %mul3A_63 : i32
    "tpu.region"() ({
      %run_scoped3A = tpu.sem_alloc : memref<!tpu.dma_semaphore, #tpu.memory_space<semaphore_mem>>
      %dma_start3A = arith.constant 0 : i32
      %dma_start3A_67 = tpu.memref_slice %arg2[%mul3A_64, %dma_start3A] : memref<768x512xf32, #tpu.memory_space<hbm>> -> memref<24x512xf32, #tpu.memory_space<hbm>>
      %dma_start3A_68 = arith.constant 0 : i32
      %dma_start3A_69 = tpu.memref_slice %arg2[%mul3A_64, %dma_start3A_68] : memref<768x512xf32, #tpu.memory_space<hbm>> -> memref<24x512xf32, #tpu.memory_space<hbm>>
      tpu.enqueue_dma source(%dma_start3A_69 : memref<24x512xf32, #tpu.memory_space<hbm>>) target(%arg5 : memref<24x512xf32, #tpu.memory_space<vmem>>) target_semaphore(%run_scoped3A : memref<!tpu.dma_semaphore, #tpu.memory_space<semaphore_mem>>)
      %dma_wait3A = arith.constant 0 : i32
      %dma_wait3A_70 = tpu.memref_slice %arg2[%mul3A_64, %dma_wait3A] : memref<768x512xf32, #tpu.memory_space<hbm>> -> memref<24x512xf32, #tpu.memory_space<hbm>>
      %dma_wait3A_71 = arith.constant 0 : i32
      %dma_wait3A_72 = tpu.memref_slice %arg2[%mul3A_64, %dma_wait3A_71] : memref<768x512xf32, #tpu.memory_space<hbm>> -> memref<24x512xf32, #tpu.memory_space<hbm>>
      tpu.wait_dma2 semaphore(%run_scoped3A : memref<!tpu.dma_semaphore, #tpu.memory_space<semaphore_mem>>) src(%dma_wait3A_72 : memref<24x512xf32, #tpu.memory_space<hbm>>) dst(%arg5 : memref<24x512xf32, #tpu.memory_space<vmem>>)
      tpu.yield
    }) : () -> ()
    %parallel_loop3A = arith.constant 0 : i32
    %parallel_loop3A_65 = arith.constant 768 : i32
    %parallel_loop3A_66 = arith.constant 1 : i32
    scf.for %parallel_loop3A_67 = %parallel_loop3A to %parallel_loop3A_65 step %parallel_loop3A_66  : i32 {
      %parallel_loop3A_68 = arith.constant 5 : i32
      %parallel_loop3A_69 = arith.shrui %parallel_loop3A_67, %parallel_loop3A_68 : i32
      %parallel_loop3A_70 = arith.constant 31 : i32
      %parallel_loop3A_71 = arith.andi %parallel_loop3A_67, %parallel_loop3A_70 : i32
      %parallel_loop3A_72 = arith.constant 4 : i32
      %parallel_loop3A_73 = arith.shli %parallel_loop3A_71, %parallel_loop3A_72 : i32
      %parallel_loop3A_74 = arith.index_cast %parallel_loop3A_69 : i32 to index
      %parallel_loop3A_75 = arith.index_cast %parallel_loop3A_73 : i32 to index
      %parallel_loop3A_76 = tpu.vector_load %arg5[%parallel_loop3A_74, %parallel_loop3A_75] {strides = array<i32>} : memref<24x512xf32, #tpu.memory_space<vmem>>, vector<16xf32>,
      %parallel_loop3A_77 = vector.bitcast %parallel_loop3A_76 : vector<16xf32> to vector<16xi32>
      %parallel_loop3A_78 = arith.constant 31 : i32
      %parallel_loop3A_79 = vector.broadcast %parallel_loop3A_78 : i32 to vector<16xi32>
      %parallel_loop3A_80 = arith.andi %parallel_loop3A_77, %parallel_loop3A_79 : vector<16xi32>
      %parallel_loop3A_81 = arith.constant 1 : i32
      %parallel_loop3A_82 = vector.broadcast %parallel_loop3A_81 : i32 to vector<16xi32>
      %parallel_loop3A_83 = arith.shrui %parallel_loop3A_80, %parallel_loop3A_82 : vector<16xi32>
      %parallel_loop3A_84 = arith.constant 4 : i32
      %parallel_loop3A_85 = vector.broadcast %parallel_loop3A_84 : i32 to vector<16xi32>
      %parallel_loop3A_86 = arith.shli %parallel_loop3A_83, %parallel_loop3A_85 : vector<16xi32>
      %parallel_loop3A_87 = arith.addi %parallel_loop3A_86, %iota3A : vector<16xi32>
      %parallel_loop3A_88 = arith.constant 4 : i32
      %parallel_loop3A_89 = vector.broadcast %parallel_loop3A_88 : i32 to vector<16xi32>
      %parallel_loop3A_90 = arith.shli %parallel_loop3A_80, %parallel_loop3A_89 : vector<16xi32>
      %parallel_loop3A_91 = arith.addi %parallel_loop3A_90, %iota3A : vector<16xi32>
      tpu.vector_store_idx %arg6[%parallel_loop3A_87], %parallel_loop3A_76 {add = true} : memref<160xf32, #tpu.memory_space<vmem>>[vector<16xi32>], vector<16xf32>,
      tpu.vector_store_idx %arg7[%parallel_loop3A_91], %broadcast_in_dim3A_1 {add = true} : memref<320xf32, #tpu.memory_space<vmem>>[vector<16xi32>], vector<16xf32>,
    } {sc.loop_unroll_factor = 8 : i64, sc.parallel_access}
    "tpu.region"() ({
      %run_scoped3A = tpu.sem_alloc : memref<!tpu.dma_semaphore, #tpu.memory_space<semaphore_mem>>
      %dma_start3A = arith.constant 0 : i32
      %dma_start3A_67 = tpu.memref_slice %arg3[%add3A, %dma_start3A] : memref<32x160xf32, #tpu.memory_space<hbm>> -> memref<1x160xf32, #tpu.memory_space<hbm>>
      %dma_start3A_68 = tpu.memref_squeeze %dma_start3A_67 : memref<1x160xf32, #tpu.memory_space<hbm>> -> memref<160xf32, #tpu.memory_space<hbm>>
      %dma_start3A_69 = arith.constant 0 : i32
      %dma_start3A_70 = tpu.memref_slice %arg3[%add3A, %dma_start3A_69] : memref<32x160xf32, #tpu.memory_space<hbm>> -> memref<1x160xf32, #tpu.memory_space<hbm>>
      %dma_start3A_71 = tpu.memref_squeeze %dma_start3A_70 : memref<1x160xf32, #tpu.memory_space<hbm>> -> memref<160xf32, #tpu.memory_space<hbm>>
      tpu.enqueue_dma source(%arg6 : memref<160xf32, #tpu.memory_space<vmem>>) target(%dma_start3A_71 : memref<160xf32, #tpu.memory_space<hbm>>) target_semaphore(%run_scoped3A : memref<!tpu.dma_semaphore, #tpu.memory_space<semaphore_mem>>)
      %dma_wait3A = arith.constant 0 : i32
      %dma_wait3A_72 = tpu.memref_slice %arg3[%add3A, %dma_wait3A] : memref<32x160xf32, #tpu.memory_space<hbm>> -> memref<1x160xf32, #tpu.memory_space<hbm>>
      %dma_wait3A_73 = tpu.memref_squeeze %dma_wait3A_72 : memref<1x160xf32, #tpu.memory_space<hbm>> -> memref<160xf32, #tpu.memory_space<hbm>>
      %dma_wait3A_74 = arith.constant 0 : i32
      %dma_wait3A_75 = tpu.memref_slice %arg3[%add3A, %dma_wait3A_74] : memref<32x160xf32, #tpu.memory_space<hbm>> -> memref<1x160xf32, #tpu.memory_space<hbm>>
      %dma_wait3A_76 = tpu.memref_squeeze %dma_wait3A_75 : memref<1x160xf32, #tpu.memory_space<hbm>> -> memref<160xf32, #tpu.memory_space<hbm>>
      tpu.wait_dma2 semaphore(%run_scoped3A : memref<!tpu.dma_semaphore, #tpu.memory_space<semaphore_mem>>) src(%arg6 : memref<160xf32, #tpu.memory_space<vmem>>) dst(%dma_wait3A_76 : memref<160xf32, #tpu.memory_space<hbm>>)
      tpu.yield
    }) : () -> ()
    "tpu.region"() ({
      %run_scoped3A = tpu.sem_alloc : memref<!tpu.dma_semaphore, #tpu.memory_space<semaphore_mem>>
      %dma_start3A = arith.constant 0 : i32
      %dma_start3A_67 = tpu.memref_slice %arg4[%add3A, %dma_start3A] : memref<32x320xf32, #tpu.memory_space<hbm>> -> memref<1x320xf32, #tpu.memory_space<hbm>>
      %dma_start3A_68 = tpu.memref_squeeze %dma_start3A_67 : memref<1x320xf32, #tpu.memory_space<hbm>> -> memref<320xf32, #tpu.memory_space<hbm>>
      %dma_start3A_69 = arith.constant 0 : i32
      %dma_start3A_70 = tpu.memref_slice %arg4[%add3A, %dma_start3A_69] : memref<32x320xf32, #tpu.memory_space<hbm>> -> memref<1x320xf32, #tpu.memory_space<hbm>>
      %dma_start3A_71 = tpu.memref_squeeze %dma_start3A_70 : memref<1x320xf32, #tpu.memory_space<hbm>> -> memref<320xf32, #tpu.memory_space<hbm>>
      tpu.enqueue_dma source(%arg7 : memref<320xf32, #tpu.memory_space<vmem>>) target(%dma_start3A_71 : memref<320xf32, #tpu.memory_space<hbm>>) target_semaphore(%run_scoped3A : memref<!tpu.dma_semaphore, #tpu.memory_space<semaphore_mem>>)
      %dma_wait3A = arith.constant 0 : i32
      %dma_wait3A_72 = tpu.memref_slice %arg4[%add3A, %dma_wait3A] : memref<32x320xf32, #tpu.memory_space<hbm>> -> memref<1x320xf32, #tpu.memory_space<hbm>>
      %dma_wait3A_73 = tpu.memref_squeeze %dma_wait3A_72 : memref<1x320xf32, #tpu.memory_space<hbm>> -> memref<320xf32, #tpu.memory_space<hbm>>
      %dma_wait3A_74 = arith.constant 0 : i32
      %dma_wait3A_75 = tpu.memref_slice %arg4[%add3A, %dma_wait3A_74] : memref<32x320xf32, #tpu.memory_space<hbm>> -> memref<1x320xf32, #tpu.memory_space<hbm>>
      %dma_wait3A_76 = tpu.memref_squeeze %dma_wait3A_75 : memref<1x320xf32, #tpu.memory_space<hbm>> -> memref<320xf32, #tpu.memory_space<hbm>>
      tpu.wait_dma2 semaphore(%run_scoped3A : memref<!tpu.dma_semaphore, #tpu.memory_space<semaphore_mem>>) src(%arg7 : memref<320xf32, #tpu.memory_space<vmem>>) dst(%dma_wait3A_76 : memref<320xf32, #tpu.memory_space<hbm>>)
      tpu.yield
    }) : () -> ()
    return
  }
}

#map = affine_map<(d0, d1) -> (0, 0)>
module attributes {stable_mosaic.version = 14 : i64} {
  func.func @_hist_body(%arg0: i32, %arg1: i32, %arg2: memref<3072x512xf32, #tpu.memory_space<hbm>>, %arg3: memref<32x160xf32, #tpu.memory_space<hbm>>, %arg4: memref<32x320xf32, #tpu.memory_space<hbm>>, %arg5: memref<96x512xf32, #tpu.memory_space<vmem>>, %arg6: memref<160xf32, #tpu.memory_space<vmem>>, %arg7: memref<320xf32, #tpu.memory_space<vmem>>) attributes {dimension_semantics = [#tpu.dimension_semantics<core_parallel>, #tpu.dimension_semantics<subcore_parallel>], iteration_bounds = array<i64: 2, 16>, scalar_prefetch = 0 : i64, scratch_operands = 3 : i64, tpu.core_type = #tpu.core_type<sc_vector_subcore>, window_params = [{transform_indices = #map}, {transform_indices = #map}, {transform_indices = #map}]} {
    %mul3A = arith.constant 2 : i32
    %mul3A_0 = arith.muli %arg1, %mul3A : i32
    %add3A = arith.addi %mul3A_0, %arg0 : i32
    %iota3A = tpu.iota {dimensions = array<i32: 0>} : vector<16xi32>
    %broadcast_in_dim3A = arith.constant 1.000000e+00 : f32
    %broadcast_in_dim3A_1 = vector.broadcast %broadcast_in_dim3A : f32 to vector<16xf32>
    %broadcast_in_dim3A_2 = arith.constant 0.000000e+00 : f32
    %broadcast_in_dim3A_3 = vector.broadcast %broadcast_in_dim3A_2 : f32 to vector<16xf32>
    %swap3A = arith.constant 0 : index
    %swap3A_4 = tpu.vector_load %arg6[%swap3A] {strides = array<i32>} : memref<160xf32, #tpu.memory_space<vmem>>, vector<16xf32>,
    tpu.vector_store %arg6[%swap3A], %broadcast_in_dim3A_3 {strides = array<i32>} : memref<160xf32, #tpu.memory_space<vmem>>, vector<16xf32>,
    %swap3A_5 = arith.constant 16 : index
    %swap3A_6 = tpu.vector_load %arg6[%swap3A_5] {strides = array<i32>} : memref<160xf32, #tpu.memory_space<vmem>>, vector<16xf32>,
    tpu.vector_store %arg6[%swap3A_5], %broadcast_in_dim3A_3 {strides = array<i32>} : memref<160xf32, #tpu.memory_space<vmem>>, vector<16xf32>,
    %swap3A_7 = arith.constant 32 : index
    %swap3A_8 = tpu.vector_load %arg6[%swap3A_7] {strides = array<i32>} : memref<160xf32, #tpu.memory_space<vmem>>, vector<16xf32>,
    tpu.vector_store %arg6[%swap3A_7], %broadcast_in_dim3A_3 {strides = array<i32>} : memref<160xf32, #tpu.memory_space<vmem>>, vector<16xf32>,
    %swap3A_9 = arith.constant 48 : index
    %swap3A_10 = tpu.vector_load %arg6[%swap3A_9] {strides = array<i32>} : memref<160xf32, #tpu.memory_space<vmem>>, vector<16xf32>,
    tpu.vector_store %arg6[%swap3A_9], %broadcast_in_dim3A_3 {strides = array<i32>} : memref<160xf32, #tpu.memory_space<vmem>>, vector<16xf32>,
    %swap3A_11 = arith.constant 64 : index
    %swap3A_12 = tpu.vector_load %arg6[%swap3A_11] {strides = array<i32>} : memref<160xf32, #tpu.memory_space<vmem>>, vector<16xf32>,
    tpu.vector_store %arg6[%swap3A_11], %broadcast_in_dim3A_3 {strides = array<i32>} : memref<160xf32, #tpu.memory_space<vmem>>, vector<16xf32>,
    %swap3A_13 = arith.constant 80 : index
    %swap3A_14 = tpu.vector_load %arg6[%swap3A_13] {strides = array<i32>} : memref<160xf32, #tpu.memory_space<vmem>>, vector<16xf32>,
    tpu.vector_store %arg6[%swap3A_13], %broadcast_in_dim3A_3 {strides = array<i32>} : memref<160xf32, #tpu.memory_space<vmem>>, vector<16xf32>,
    %swap3A_15 = arith.constant 96 : index
    %swap3A_16 = tpu.vector_load %arg6[%swap3A_15] {strides = array<i32>} : memref<160xf32, #tpu.memory_space<vmem>>, vector<16xf32>,
    tpu.vector_store %arg6[%swap3A_15], %broadcast_in_dim3A_3 {strides = array<i32>} : memref<160xf32, #tpu.memory_space<vmem>>, vector<16xf32>,
    %swap3A_17 = arith.constant 112 : index
    %swap3A_18 = tpu.vector_load %arg6[%swap3A_17] {strides = array<i32>} : memref<160xf32, #tpu.memory_space<vmem>>, vector<16xf32>,
    tpu.vector_store %arg6[%swap3A_17], %broadcast_in_dim3A_3 {strides = array<i32>} : memref<160xf32, #tpu.memory_space<vmem>>, vector<16xf32>,
    %swap3A_19 = arith.constant 128 : index
    %swap3A_20 = tpu.vector_load %arg6[%swap3A_19] {strides = array<i32>} : memref<160xf32, #tpu.memory_space<vmem>>, vector<16xf32>,
    tpu.vector_store %arg6[%swap3A_19], %broadcast_in_dim3A_3 {strides = array<i32>} : memref<160xf32, #tpu.memory_space<vmem>>, vector<16xf32>,
    %swap3A_21 = arith.constant 144 : index
    %swap3A_22 = tpu.vector_load %arg6[%swap3A_21] {strides = array<i32>} : memref<160xf32, #tpu.memory_space<vmem>>, vector<16xf32>,
    tpu.vector_store %arg6[%swap3A_21], %broadcast_in_dim3A_3 {strides = array<i32>} : memref<160xf32, #tpu.memory_space<vmem>>, vector<16xf32>,
    %swap3A_23 = arith.constant 0 : index
    %swap3A_24 = tpu.vector_load %arg7[%swap3A_23] {strides = array<i32>} : memref<320xf32, #tpu.memory_space<vmem>>, vector<16xf32>,
    tpu.vector_store %arg7[%swap3A_23], %broadcast_in_dim3A_3 {strides = array<i32>} : memref<320xf32, #tpu.memory_space<vmem>>, vector<16xf32>,
    %swap3A_25 = arith.constant 16 : index
    %swap3A_26 = tpu.vector_load %arg7[%swap3A_25] {strides = array<i32>} : memref<320xf32, #tpu.memory_space<vmem>>, vector<16xf32>,
    tpu.vector_store %arg7[%swap3A_25], %broadcast_in_dim3A_3 {strides = array<i32>} : memref<320xf32, #tpu.memory_space<vmem>>, vector<16xf32>,
    %swap3A_27 = arith.constant 32 : index
    %swap3A_28 = tpu.vector_load %arg7[%swap3A_27] {strides = array<i32>} : memref<320xf32, #tpu.memory_space<vmem>>, vector<16xf32>,
    tpu.vector_store %arg7[%swap3A_27], %broadcast_in_dim3A_3 {strides = array<i32>} : memref<320xf32, #tpu.memory_space<vmem>>, vector<16xf32>,
    %swap3A_29 = arith.constant 48 : index
    %swap3A_30 = tpu.vector_load %arg7[%swap3A_29] {strides = array<i32>} : memref<320xf32, #tpu.memory_space<vmem>>, vector<16xf32>,
    tpu.vector_store %arg7[%swap3A_29], %broadcast_in_dim3A_3 {strides = array<i32>} : memref<320xf32, #tpu.memory_space<vmem>>, vector<16xf32>,
    %swap3A_31 = arith.constant 64 : index
    %swap3A_32 = tpu.vector_load %arg7[%swap3A_31] {strides = array<i32>} : memref<320xf32, #tpu.memory_space<vmem>>, vector<16xf32>,
    tpu.vector_store %arg7[%swap3A_31], %broadcast_in_dim3A_3 {strides = array<i32>} : memref<320xf32, #tpu.memory_space<vmem>>, vector<16xf32>,
    %swap3A_33 = arith.constant 80 : index
    %swap3A_34 = tpu.vector_load %arg7[%swap3A_33] {strides = array<i32>} : memref<320xf32, #tpu.memory_space<vmem>>, vector<16xf32>,
    tpu.vector_store %arg7[%swap3A_33], %broadcast_in_dim3A_3 {strides = array<i32>} : memref<320xf32, #tpu.memory_space<vmem>>, vector<16xf32>,
    %swap3A_35 = arith.constant 96 : index
    %swap3A_36 = tpu.vector_load %arg7[%swap3A_35] {strides = array<i32>} : memref<320xf32, #tpu.memory_space<vmem>>, vector<16xf32>,
    tpu.vector_store %arg7[%swap3A_35], %broadcast_in_dim3A_3 {strides = array<i32>} : memref<320xf32, #tpu.memory_space<vmem>>, vector<16xf32>,
    %swap3A_37 = arith.constant 112 : index
    %swap3A_38 = tpu.vector_load %arg7[%swap3A_37] {strides = array<i32>} : memref<320xf32, #tpu.memory_space<vmem>>, vector<16xf32>,
    tpu.vector_store %arg7[%swap3A_37], %broadcast_in_dim3A_3 {strides = array<i32>} : memref<320xf32, #tpu.memory_space<vmem>>, vector<16xf32>,
    %swap3A_39 = arith.constant 128 : index
    %swap3A_40 = tpu.vector_load %arg7[%swap3A_39] {strides = array<i32>} : memref<320xf32, #tpu.memory_space<vmem>>, vector<16xf32>,
    tpu.vector_store %arg7[%swap3A_39], %broadcast_in_dim3A_3 {strides = array<i32>} : memref<320xf32, #tpu.memory_space<vmem>>, vector<16xf32>,
    %swap3A_41 = arith.constant 144 : index
    %swap3A_42 = tpu.vector_load %arg7[%swap3A_41] {strides = array<i32>} : memref<320xf32, #tpu.memory_space<vmem>>, vector<16xf32>,
    tpu.vector_store %arg7[%swap3A_41], %broadcast_in_dim3A_3 {strides = array<i32>} : memref<320xf32, #tpu.memory_space<vmem>>, vector<16xf32>,
    %swap3A_43 = arith.constant 160 : index
    %swap3A_44 = tpu.vector_load %arg7[%swap3A_43] {strides = array<i32>} : memref<320xf32, #tpu.memory_space<vmem>>, vector<16xf32>,
    tpu.vector_store %arg7[%swap3A_43], %broadcast_in_dim3A_3 {strides = array<i32>} : memref<320xf32, #tpu.memory_space<vmem>>, vector<16xf32>,
    %swap3A_45 = arith.constant 176 : index
    %swap3A_46 = tpu.vector_load %arg7[%swap3A_45] {strides = array<i32>} : memref<320xf32, #tpu.memory_space<vmem>>, vector<16xf32>,
    tpu.vector_store %arg7[%swap3A_45], %broadcast_in_dim3A_3 {strides = array<i32>} : memref<320xf32, #tpu.memory_space<vmem>>, vector<16xf32>,
    %swap3A_47 = arith.constant 192 : index
    %swap3A_48 = tpu.vector_load %arg7[%swap3A_47] {strides = array<i32>} : memref<320xf32, #tpu.memory_space<vmem>>, vector<16xf32>,
    tpu.vector_store %arg7[%swap3A_47], %broadcast_in_dim3A_3 {strides = array<i32>} : memref<320xf32, #tpu.memory_space<vmem>>, vector<16xf32>,
    %swap3A_49 = arith.constant 208 : index
    %swap3A_50 = tpu.vector_load %arg7[%swap3A_49] {strides = array<i32>} : memref<320xf32, #tpu.memory_space<vmem>>, vector<16xf32>,
    tpu.vector_store %arg7[%swap3A_49], %broadcast_in_dim3A_3 {strides = array<i32>} : memref<320xf32, #tpu.memory_space<vmem>>, vector<16xf32>,
    %swap3A_51 = arith.constant 224 : index
    %swap3A_52 = tpu.vector_load %arg7[%swap3A_51] {strides = array<i32>} : memref<320xf32, #tpu.memory_space<vmem>>, vector<16xf32>,
    tpu.vector_store %arg7[%swap3A_51], %broadcast_in_dim3A_3 {strides = array<i32>} : memref<320xf32, #tpu.memory_space<vmem>>, vector<16xf32>,
    %swap3A_53 = arith.constant 240 : index
    %swap3A_54 = tpu.vector_load %arg7[%swap3A_53] {strides = array<i32>} : memref<320xf32, #tpu.memory_space<vmem>>, vector<16xf32>,
    tpu.vector_store %arg7[%swap3A_53], %broadcast_in_dim3A_3 {strides = array<i32>} : memref<320xf32, #tpu.memory_space<vmem>>, vector<16xf32>,
    %swap3A_55 = arith.constant 256 : index
    %swap3A_56 = tpu.vector_load %arg7[%swap3A_55] {strides = array<i32>} : memref<320xf32, #tpu.memory_space<vmem>>, vector<16xf32>,
    tpu.vector_store %arg7[%swap3A_55], %broadcast_in_dim3A_3 {strides = array<i32>} : memref<320xf32, #tpu.memory_space<vmem>>, vector<16xf32>,
    %swap3A_57 = arith.constant 272 : index
    %swap3A_58 = tpu.vector_load %arg7[%swap3A_57] {strides = array<i32>} : memref<320xf32, #tpu.memory_space<vmem>>, vector<16xf32>,
    tpu.vector_store %arg7[%swap3A_57], %broadcast_in_dim3A_3 {strides = array<i32>} : memref<320xf32, #tpu.memory_space<vmem>>, vector<16xf32>,
    %swap3A_59 = arith.constant 288 : index
    %swap3A_60 = tpu.vector_load %arg7[%swap3A_59] {strides = array<i32>} : memref<320xf32, #tpu.memory_space<vmem>>, vector<16xf32>,
    tpu.vector_store %arg7[%swap3A_59], %broadcast_in_dim3A_3 {strides = array<i32>} : memref<320xf32, #tpu.memory_space<vmem>>, vector<16xf32>,
    %swap3A_61 = arith.constant 304 : index
    %swap3A_62 = tpu.vector_load %arg7[%swap3A_61] {strides = array<i32>} : memref<320xf32, #tpu.memory_space<vmem>>, vector<16xf32>,
    tpu.vector_store %arg7[%swap3A_61], %broadcast_in_dim3A_3 {strides = array<i32>} : memref<320xf32, #tpu.memory_space<vmem>>, vector<16xf32>,
    %mul3A_63 = arith.constant 96 : i32
    %mul3A_64 = arith.muli %add3A, %mul3A_63 : i32
    "tpu.region"() ({
      %run_scoped3A = tpu.sem_alloc : memref<!tpu.dma_semaphore, #tpu.memory_space<semaphore_mem>>
      %dma_start3A = arith.constant 0 : i32
      %dma_start3A_67 = tpu.memref_slice %arg2[%mul3A_64, %dma_start3A] : memref<3072x512xf32, #tpu.memory_space<hbm>> -> memref<96x512xf32, #tpu.memory_space<hbm>>
      %dma_start3A_68 = arith.constant 0 : i32
      %dma_start3A_69 = tpu.memref_slice %arg2[%mul3A_64, %dma_start3A_68] : memref<3072x512xf32, #tpu.memory_space<hbm>> -> memref<96x512xf32, #tpu.memory_space<hbm>>
      tpu.enqueue_dma source(%dma_start3A_69 : memref<96x512xf32, #tpu.memory_space<hbm>>) target(%arg5 : memref<96x512xf32, #tpu.memory_space<vmem>>) target_semaphore(%run_scoped3A : memref<!tpu.dma_semaphore, #tpu.memory_space<semaphore_mem>>)
      %dma_wait3A = arith.constant 0 : i32
      %dma_wait3A_70 = tpu.memref_slice %arg2[%mul3A_64, %dma_wait3A] : memref<3072x512xf32, #tpu.memory_space<hbm>> -> memref<96x512xf32, #tpu.memory_space<hbm>>
      %dma_wait3A_71 = arith.constant 0 : i32
      %dma_wait3A_72 = tpu.memref_slice %arg2[%mul3A_64, %dma_wait3A_71] : memref<3072x512xf32, #tpu.memory_space<hbm>> -> memref<96x512xf32, #tpu.memory_space<hbm>>
      tpu.wait_dma2 semaphore(%run_scoped3A : memref<!tpu.dma_semaphore, #tpu.memory_space<semaphore_mem>>) src(%dma_wait3A_72 : memref<96x512xf32, #tpu.memory_space<hbm>>) dst(%arg5 : memref<96x512xf32, #tpu.memory_space<vmem>>)
      tpu.yield
    }) : () -> ()
    %parallel_loop3A = arith.constant 0 : i32
    %parallel_loop3A_65 = arith.constant 3072 : i32
    %parallel_loop3A_66 = arith.constant 1 : i32
    scf.for %parallel_loop3A_67 = %parallel_loop3A to %parallel_loop3A_65 step %parallel_loop3A_66  : i32 {
      %parallel_loop3A_68 = arith.constant 5 : i32
      %parallel_loop3A_69 = arith.shrui %parallel_loop3A_67, %parallel_loop3A_68 : i32
      %parallel_loop3A_70 = arith.constant 31 : i32
      %parallel_loop3A_71 = arith.andi %parallel_loop3A_67, %parallel_loop3A_70 : i32
      %parallel_loop3A_72 = arith.constant 4 : i32
      %parallel_loop3A_73 = arith.shli %parallel_loop3A_71, %parallel_loop3A_72 : i32
      %parallel_loop3A_74 = arith.index_cast %parallel_loop3A_69 : i32 to index
      %parallel_loop3A_75 = arith.index_cast %parallel_loop3A_73 : i32 to index
      %parallel_loop3A_76 = tpu.vector_load %arg5[%parallel_loop3A_74, %parallel_loop3A_75] {strides = array<i32>} : memref<96x512xf32, #tpu.memory_space<vmem>>, vector<16xf32>,
      %parallel_loop3A_77 = vector.bitcast %parallel_loop3A_76 : vector<16xf32> to vector<16xi32>
      %parallel_loop3A_78 = arith.constant 31 : i32
      %parallel_loop3A_79 = vector.broadcast %parallel_loop3A_78 : i32 to vector<16xi32>
      %parallel_loop3A_80 = arith.andi %parallel_loop3A_77, %parallel_loop3A_79 : vector<16xi32>
      %parallel_loop3A_81 = arith.constant 1 : i32
      %parallel_loop3A_82 = vector.broadcast %parallel_loop3A_81 : i32 to vector<16xi32>
      %parallel_loop3A_83 = arith.shrui %parallel_loop3A_80, %parallel_loop3A_82 : vector<16xi32>
      %parallel_loop3A_84 = arith.constant 4 : i32
      %parallel_loop3A_85 = vector.broadcast %parallel_loop3A_84 : i32 to vector<16xi32>
      %parallel_loop3A_86 = arith.shli %parallel_loop3A_83, %parallel_loop3A_85 : vector<16xi32>
      %parallel_loop3A_87 = arith.addi %parallel_loop3A_86, %iota3A : vector<16xi32>
      %parallel_loop3A_88 = arith.constant 4 : i32
      %parallel_loop3A_89 = vector.broadcast %parallel_loop3A_88 : i32 to vector<16xi32>
      %parallel_loop3A_90 = arith.shli %parallel_loop3A_80, %parallel_loop3A_89 : vector<16xi32>
      %parallel_loop3A_91 = arith.addi %parallel_loop3A_90, %iota3A : vector<16xi32>
      tpu.vector_store_idx %arg6[%parallel_loop3A_87], %parallel_loop3A_76 {add = true} : memref<160xf32, #tpu.memory_space<vmem>>[vector<16xi32>], vector<16xf32>,
      tpu.vector_store_idx %arg7[%parallel_loop3A_91], %broadcast_in_dim3A_1 {add = true} : memref<320xf32, #tpu.memory_space<vmem>>[vector<16xi32>], vector<16xf32>,
    } {sc.loop_unroll_factor = 8 : i64, sc.parallel_access}
    "tpu.region"() ({
      %run_scoped3A = tpu.sem_alloc : memref<!tpu.dma_semaphore, #tpu.memory_space<semaphore_mem>>
      %dma_start3A = arith.constant 0 : i32
      %dma_start3A_67 = tpu.memref_slice %arg3[%add3A, %dma_start3A] : memref<32x160xf32, #tpu.memory_space<hbm>> -> memref<1x160xf32, #tpu.memory_space<hbm>>
      %dma_start3A_68 = tpu.memref_squeeze %dma_start3A_67 : memref<1x160xf32, #tpu.memory_space<hbm>> -> memref<160xf32, #tpu.memory_space<hbm>>
      %dma_start3A_69 = arith.constant 0 : i32
      %dma_start3A_70 = tpu.memref_slice %arg3[%add3A, %dma_start3A_69] : memref<32x160xf32, #tpu.memory_space<hbm>> -> memref<1x160xf32, #tpu.memory_space<hbm>>
      %dma_start3A_71 = tpu.memref_squeeze %dma_start3A_70 : memref<1x160xf32, #tpu.memory_space<hbm>> -> memref<160xf32, #tpu.memory_space<hbm>>
      tpu.enqueue_dma source(%arg6 : memref<160xf32, #tpu.memory_space<vmem>>) target(%dma_start3A_71 : memref<160xf32, #tpu.memory_space<hbm>>) target_semaphore(%run_scoped3A : memref<!tpu.dma_semaphore, #tpu.memory_space<semaphore_mem>>)
      %dma_wait3A = arith.constant 0 : i32
      %dma_wait3A_72 = tpu.memref_slice %arg3[%add3A, %dma_wait3A] : memref<32x160xf32, #tpu.memory_space<hbm>> -> memref<1x160xf32, #tpu.memory_space<hbm>>
      %dma_wait3A_73 = tpu.memref_squeeze %dma_wait3A_72 : memref<1x160xf32, #tpu.memory_space<hbm>> -> memref<160xf32, #tpu.memory_space<hbm>>
      %dma_wait3A_74 = arith.constant 0 : i32
      %dma_wait3A_75 = tpu.memref_slice %arg3[%add3A, %dma_wait3A_74] : memref<32x160xf32, #tpu.memory_space<hbm>> -> memref<1x160xf32, #tpu.memory_space<hbm>>
      %dma_wait3A_76 = tpu.memref_squeeze %dma_wait3A_75 : memref<1x160xf32, #tpu.memory_space<hbm>> -> memref<160xf32, #tpu.memory_space<hbm>>
      tpu.wait_dma2 semaphore(%run_scoped3A : memref<!tpu.dma_semaphore, #tpu.memory_space<semaphore_mem>>) src(%arg6 : memref<160xf32, #tpu.memory_space<vmem>>) dst(%dma_wait3A_76 : memref<160xf32, #tpu.memory_space<hbm>>)
      tpu.yield
    }) : () -> ()
    "tpu.region"() ({
      %run_scoped3A = tpu.sem_alloc : memref<!tpu.dma_semaphore, #tpu.memory_space<semaphore_mem>>
      %dma_start3A = arith.constant 0 : i32
      %dma_start3A_67 = tpu.memref_slice %arg4[%add3A, %dma_start3A] : memref<32x320xf32, #tpu.memory_space<hbm>> -> memref<1x320xf32, #tpu.memory_space<hbm>>
      %dma_start3A_68 = tpu.memref_squeeze %dma_start3A_67 : memref<1x320xf32, #tpu.memory_space<hbm>> -> memref<320xf32, #tpu.memory_space<hbm>>
      %dma_start3A_69 = arith.constant 0 : i32
      %dma_start3A_70 = tpu.memref_slice %arg4[%add3A, %dma_start3A_69] : memref<32x320xf32, #tpu.memory_space<hbm>> -> memref<1x320xf32, #tpu.memory_space<hbm>>
      %dma_start3A_71 = tpu.memref_squeeze %dma_start3A_70 : memref<1x320xf32, #tpu.memory_space<hbm>> -> memref<320xf32, #tpu.memory_space<hbm>>
      tpu.enqueue_dma source(%arg7 : memref<320xf32, #tpu.memory_space<vmem>>) target(%dma_start3A_71 : memref<320xf32, #tpu.memory_space<hbm>>) target_semaphore(%run_scoped3A : memref<!tpu.dma_semaphore, #tpu.memory_space<semaphore_mem>>)
      %dma_wait3A = arith.constant 0 : i32
      %dma_wait3A_72 = tpu.memref_slice %arg4[%add3A, %dma_wait3A] : memref<32x320xf32, #tpu.memory_space<hbm>> -> memref<1x320xf32, #tpu.memory_space<hbm>>
      %dma_wait3A_73 = tpu.memref_squeeze %dma_wait3A_72 : memref<1x320xf32, #tpu.memory_space<hbm>> -> memref<320xf32, #tpu.memory_space<hbm>>
      %dma_wait3A_74 = arith.constant 0 : i32
      %dma_wait3A_75 = tpu.memref_slice %arg4[%add3A, %dma_wait3A_74] : memref<32x320xf32, #tpu.memory_space<hbm>> -> memref<1x320xf32, #tpu.memory_space<hbm>>
      %dma_wait3A_76 = tpu.memref_squeeze %dma_wait3A_75 : memref<1x320xf32, #tpu.memory_space<hbm>> -> memref<320xf32, #tpu.memory_space<hbm>>
      tpu.wait_dma2 semaphore(%run_scoped3A : memref<!tpu.dma_semaphore, #tpu.memory_space<semaphore_mem>>) src(%arg7 : memref<320xf32, #tpu.memory_space<vmem>>) dst(%dma_wait3A_76 : memref<320xf32, #tpu.memory_space<hbm>>)
      tpu.yield
    }) : () -> ()
    return
  }
}

module attributes {stable_mosaic.version = 14 : i64} {
  func.func @_dense_body(%arg0: i32, %arg1: memref<1x19x256x512xf32, #tpu.memory_space<vmem>>, %arg2: memref<1x256x512xi32, #tpu.memory_space<vmem>>, %arg3: memref<256x512xf32, #tpu.memory_space<vmem>>) attributes {dimension_semantics = [#tpu.dimension_semantics<arbitrary>], iteration_bounds = array<i64: 1>, scalar_prefetch = 0 : i64, scratch_operands = 0 : i64, tpu.core_type = #tpu.core_type<tc>, window_params = [{transform_indices = @transform_0, window_bounds = array<i64: 1, 19, 256, 512>}, {transform_indices = @transform_1, window_bounds = array<i64: 1, 256, 512>}, {transform_indices = @transform_2, window_bounds = array<i64: 256, 512>}]} {
    %get3A = arith.constant 0 : index
    %get3A_0 = arith.constant 0 : index
    %get3A_1 = arith.constant 0 : index
    %get3A_2 = vector.load %arg2[%get3A, %get3A_0, %get3A_1] : memref<1x256x512xi32, #tpu.memory_space<vmem>>, vector<1x256x512xi32>
    %get3A_3 = vector.shape_cast %get3A_2 : vector<1x256x512xi32> to vector<256x512xi32>
    %get3A_4 = arith.constant 0 : index
    %get3A_5 = arith.constant 0 : index
    %get3A_6 = arith.constant 0 : index
    %get3A_7 = arith.constant 0 : index
    %get3A_8 = vector.load %arg1[%get3A_4, %get3A_5, %get3A_6, %get3A_7] : memref<1x19x256x512xf32, #tpu.memory_space<vmem>>, vector<1x1x256x512xf32>
    %get3A_9 = vector.shape_cast %get3A_8 : vector<1x1x256x512xf32> to vector<256x512xf32>
    %exp3A = math.exp %get3A_9 : vector<256x512xf32>
    %get3A_10 = arith.constant 0 : index
    %get3A_11 = arith.constant 1 : index
    %get3A_12 = arith.constant 0 : index
    %get3A_13 = arith.constant 0 : index
    %get3A_14 = vector.load %arg1[%get3A_10, %get3A_11, %get3A_12, %get3A_13] : memref<1x19x256x512xf32, #tpu.memory_space<vmem>>, vector<1x1x256x512xf32>
    %get3A_15 = vector.shape_cast %get3A_14 : vector<1x1x256x512xf32> to vector<256x512xf32>
    %max3A = arith.maximumf %get3A_9, %get3A_15 : vector<256x512xf32>
    %eq3A = arith.constant 1 : i32
    %eq3A_16 = vector.broadcast %eq3A : i32 to vector<256x512xi32>
    %eq3A_17 = arith.cmpi eq, %get3A_3, %eq3A_16 : vector<256x512xi32>
    %select_n3A = arith.select %eq3A_17, %get3A_15, %get3A_9 : vector<256x512xi1>, vector<256x512xf32>
    %exp3A_18 = math.exp %get3A_15 : vector<256x512xf32>
    %add3A = arith.addf %exp3A, %exp3A_18 : vector<256x512xf32>
    %get3A_19 = arith.constant 0 : index
    %get3A_20 = arith.constant 2 : index
    %get3A_21 = arith.constant 0 : index
    %get3A_22 = arith.constant 0 : index
    %get3A_23 = vector.load %arg1[%get3A_19, %get3A_20, %get3A_21, %get3A_22] : memref<1x19x256x512xf32, #tpu.memory_space<vmem>>, vector<1x1x256x512xf32>
    %get3A_24 = vector.shape_cast %get3A_23 : vector<1x1x256x512xf32> to vector<256x512xf32>
    %max3A_25 = arith.maximumf %max3A, %get3A_24 : vector<256x512xf32>
    %eq3A_26 = arith.constant 2 : i32
    %eq3A_27 = vector.broadcast %eq3A_26 : i32 to vector<256x512xi32>
    %eq3A_28 = arith.cmpi eq, %get3A_3, %eq3A_27 : vector<256x512xi32>
    %select_n3A_29 = arith.select %eq3A_28, %get3A_24, %select_n3A : vector<256x512xi1>, vector<256x512xf32>
    %exp3A_30 = math.exp %get3A_24 : vector<256x512xf32>
    %add3A_31 = arith.addf %add3A, %exp3A_30 : vector<256x512xf32>
    %get3A_32 = arith.constant 0 : index
    %get3A_33 = arith.constant 3 : index
    %get3A_34 = arith.constant 0 : index
    %get3A_35 = arith.constant 0 : index
    %get3A_36 = vector.load %arg1[%get3A_32, %get3A_33, %get3A_34, %get3A_35] : memref<1x19x256x512xf32, #tpu.memory_space<vmem>>, vector<1x1x256x512xf32>
    %get3A_37 = vector.shape_cast %get3A_36 : vector<1x1x256x512xf32> to vector<256x512xf32>
    %max3A_38 = arith.maximumf %max3A_25, %get3A_37 : vector<256x512xf32>
    %eq3A_39 = arith.constant 3 : i32
    %eq3A_40 = vector.broadcast %eq3A_39 : i32 to vector<256x512xi32>
    %eq3A_41 = arith.cmpi eq, %get3A_3, %eq3A_40 : vector<256x512xi32>
    %select_n3A_42 = arith.select %eq3A_41, %get3A_37, %select_n3A_29 : vector<256x512xi1>, vector<256x512xf32>
    %exp3A_43 = math.exp %get3A_37 : vector<256x512xf32>
    %add3A_44 = arith.addf %add3A_31, %exp3A_43 : vector<256x512xf32>
    %get3A_45 = arith.constant 0 : index
    %get3A_46 = arith.constant 4 : index
    %get3A_47 = arith.constant 0 : index
    %get3A_48 = arith.constant 0 : index
    %get3A_49 = vector.load %arg1[%get3A_45, %get3A_46, %get3A_47, %get3A_48] : memref<1x19x256x512xf32, #tpu.memory_space<vmem>>, vector<1x1x256x512xf32>
    %get3A_50 = vector.shape_cast %get3A_49 : vector<1x1x256x512xf32> to vector<256x512xf32>
    %max3A_51 = arith.maximumf %max3A_38, %get3A_50 : vector<256x512xf32>
    %eq3A_52 = arith.constant 4 : i32
    %eq3A_53 = vector.broadcast %eq3A_52 : i32 to vector<256x512xi32>
    %eq3A_54 = arith.cmpi eq, %get3A_3, %eq3A_53 : vector<256x512xi32>
    %select_n3A_55 = arith.select %eq3A_54, %get3A_50, %select_n3A_42 : vector<256x512xi1>, vector<256x512xf32>
    %exp3A_56 = math.exp %get3A_50 : vector<256x512xf32>
    %add3A_57 = arith.addf %add3A_44, %exp3A_56 : vector<256x512xf32>
    %get3A_58 = arith.constant 0 : index
    %get3A_59 = arith.constant 5 : index
    %get3A_60 = arith.constant 0 : index
    %get3A_61 = arith.constant 0 : index
    %get3A_62 = vector.load %arg1[%get3A_58, %get3A_59, %get3A_60, %get3A_61] : memref<1x19x256x512xf32, #tpu.memory_space<vmem>>, vector<1x1x256x512xf32>
    %get3A_63 = vector.shape_cast %get3A_62 : vector<1x1x256x512xf32> to vector<256x512xf32>
    %max3A_64 = arith.maximumf %max3A_51, %get3A_63 : vector<256x512xf32>
    %eq3A_65 = arith.constant 5 : i32
    %eq3A_66 = vector.broadcast %eq3A_65 : i32 to vector<256x512xi32>
    %eq3A_67 = arith.cmpi eq, %get3A_3, %eq3A_66 : vector<256x512xi32>
    %select_n3A_68 = arith.select %eq3A_67, %get3A_63, %select_n3A_55 : vector<256x512xi1>, vector<256x512xf32>
    %exp3A_69 = math.exp %get3A_63 : vector<256x512xf32>
    %add3A_70 = arith.addf %add3A_57, %exp3A_69 : vector<256x512xf32>
    %get3A_71 = arith.constant 0 : index
    %get3A_72 = arith.constant 6 : index
    %get3A_73 = arith.constant 0 : index
    %get3A_74 = arith.constant 0 : index
    %get3A_75 = vector.load %arg1[%get3A_71, %get3A_72, %get3A_73, %get3A_74] : memref<1x19x256x512xf32, #tpu.memory_space<vmem>>, vector<1x1x256x512xf32>
    %get3A_76 = vector.shape_cast %get3A_75 : vector<1x1x256x512xf32> to vector<256x512xf32>
    %max3A_77 = arith.maximumf %max3A_64, %get3A_76 : vector<256x512xf32>
    %eq3A_78 = arith.constant 6 : i32
    %eq3A_79 = vector.broadcast %eq3A_78 : i32 to vector<256x512xi32>
    %eq3A_80 = arith.cmpi eq, %get3A_3, %eq3A_79 : vector<256x512xi32>
    %select_n3A_81 = arith.select %eq3A_80, %get3A_76, %select_n3A_68 : vector<256x512xi1>, vector<256x512xf32>
    %exp3A_82 = math.exp %get3A_76 : vector<256x512xf32>
    %add3A_83 = arith.addf %add3A_70, %exp3A_82 : vector<256x512xf32>
    %get3A_84 = arith.constant 0 : index
    %get3A_85 = arith.constant 7 : index
    %get3A_86 = arith.constant 0 : index
    %get3A_87 = arith.constant 0 : index
    %get3A_88 = vector.load %arg1[%get3A_84, %get3A_85, %get3A_86, %get3A_87] : memref<1x19x256x512xf32, #tpu.memory_space<vmem>>, vector<1x1x256x512xf32>
    %get3A_89 = vector.shape_cast %get3A_88 : vector<1x1x256x512xf32> to vector<256x512xf32>
    %max3A_90 = arith.maximumf %max3A_77, %get3A_89 : vector<256x512xf32>
    %eq3A_91 = arith.constant 7 : i32
    %eq3A_92 = vector.broadcast %eq3A_91 : i32 to vector<256x512xi32>
    %eq3A_93 = arith.cmpi eq, %get3A_3, %eq3A_92 : vector<256x512xi32>
    %select_n3A_94 = arith.select %eq3A_93, %get3A_89, %select_n3A_81 : vector<256x512xi1>, vector<256x512xf32>
    %exp3A_95 = math.exp %get3A_89 : vector<256x512xf32>
    %add3A_96 = arith.addf %add3A_83, %exp3A_95 : vector<256x512xf32>
    %get3A_97 = arith.constant 0 : index
    %get3A_98 = arith.constant 8 : index
    %get3A_99 = arith.constant 0 : index
    %get3A_100 = arith.constant 0 : index
    %get3A_101 = vector.load %arg1[%get3A_97, %get3A_98, %get3A_99, %get3A_100] : memref<1x19x256x512xf32, #tpu.memory_space<vmem>>, vector<1x1x256x512xf32>
    %get3A_102 = vector.shape_cast %get3A_101 : vector<1x1x256x512xf32> to vector<256x512xf32>
    %max3A_103 = arith.maximumf %max3A_90, %get3A_102 : vector<256x512xf32>
    %eq3A_104 = arith.constant 8 : i32
    %eq3A_105 = vector.broadcast %eq3A_104 : i32 to vector<256x512xi32>
    %eq3A_106 = arith.cmpi eq, %get3A_3, %eq3A_105 : vector<256x512xi32>
    %select_n3A_107 = arith.select %eq3A_106, %get3A_102, %select_n3A_94 : vector<256x512xi1>, vector<256x512xf32>
    %exp3A_108 = math.exp %get3A_102 : vector<256x512xf32>
    %add3A_109 = arith.addf %add3A_96, %exp3A_108 : vector<256x512xf32>
    %get3A_110 = arith.constant 0 : index
    %get3A_111 = arith.constant 9 : index
    %get3A_112 = arith.constant 0 : index
    %get3A_113 = arith.constant 0 : index
    %get3A_114 = vector.load %arg1[%get3A_110, %get3A_111, %get3A_112, %get3A_113] : memref<1x19x256x512xf32, #tpu.memory_space<vmem>>, vector<1x1x256x512xf32>
    %get3A_115 = vector.shape_cast %get3A_114 : vector<1x1x256x512xf32> to vector<256x512xf32>
    %max3A_116 = arith.maximumf %max3A_103, %get3A_115 : vector<256x512xf32>
    %eq3A_117 = arith.constant 9 : i32
    %eq3A_118 = vector.broadcast %eq3A_117 : i32 to vector<256x512xi32>
    %eq3A_119 = arith.cmpi eq, %get3A_3, %eq3A_118 : vector<256x512xi32>
    %select_n3A_120 = arith.select %eq3A_119, %get3A_115, %select_n3A_107 : vector<256x512xi1>, vector<256x512xf32>
    %exp3A_121 = math.exp %get3A_115 : vector<256x512xf32>
    %add3A_122 = arith.addf %add3A_109, %exp3A_121 : vector<256x512xf32>
    %get3A_123 = arith.constant 0 : index
    %get3A_124 = arith.constant 10 : index
    %get3A_125 = arith.constant 0 : index
    %get3A_126 = arith.constant 0 : index
    %get3A_127 = vector.load %arg1[%get3A_123, %get3A_124, %get3A_125, %get3A_126] : memref<1x19x256x512xf32, #tpu.memory_space<vmem>>, vector<1x1x256x512xf32>
    %get3A_128 = vector.shape_cast %get3A_127 : vector<1x1x256x512xf32> to vector<256x512xf32>
    %max3A_129 = arith.maximumf %max3A_116, %get3A_128 : vector<256x512xf32>
    %eq3A_130 = arith.constant 10 : i32
    %eq3A_131 = vector.broadcast %eq3A_130 : i32 to vector<256x512xi32>
    %eq3A_132 = arith.cmpi eq, %get3A_3, %eq3A_131 : vector<256x512xi32>
    %select_n3A_133 = arith.select %eq3A_132, %get3A_128, %select_n3A_120 : vector<256x512xi1>, vector<256x512xf32>
    %exp3A_134 = math.exp %get3A_128 : vector<256x512xf32>
    %add3A_135 = arith.addf %add3A_122, %exp3A_134 : vector<256x512xf32>
    %get3A_136 = arith.constant 0 : index
    %get3A_137 = arith.constant 11 : index
    %get3A_138 = arith.constant 0 : index
    %get3A_139 = arith.constant 0 : index
    %get3A_140 = vector.load %arg1[%get3A_136, %get3A_137, %get3A_138, %get3A_139] : memref<1x19x256x512xf32, #tpu.memory_space<vmem>>, vector<1x1x256x512xf32>
    %get3A_141 = vector.shape_cast %get3A_140 : vector<1x1x256x512xf32> to vector<256x512xf32>
    %max3A_142 = arith.maximumf %max3A_129, %get3A_141 : vector<256x512xf32>
    %eq3A_143 = arith.constant 11 : i32
    %eq3A_144 = vector.broadcast %eq3A_143 : i32 to vector<256x512xi32>
    %eq3A_145 = arith.cmpi eq, %get3A_3, %eq3A_144 : vector<256x512xi32>
    %select_n3A_146 = arith.select %eq3A_145, %get3A_141, %select_n3A_133 : vector<256x512xi1>, vector<256x512xf32>
    %exp3A_147 = math.exp %get3A_141 : vector<256x512xf32>
    %add3A_148 = arith.addf %add3A_135, %exp3A_147 : vector<256x512xf32>
    %get3A_149 = arith.constant 0 : index
    %get3A_150 = arith.constant 12 : index
    %get3A_151 = arith.constant 0 : index
    %get3A_152 = arith.constant 0 : index
    %get3A_153 = vector.load %arg1[%get3A_149, %get3A_150, %get3A_151, %get3A_152] : memref<1x19x256x512xf32, #tpu.memory_space<vmem>>, vector<1x1x256x512xf32>
    %get3A_154 = vector.shape_cast %get3A_153 : vector<1x1x256x512xf32> to vector<256x512xf32>
    %max3A_155 = arith.maximumf %max3A_142, %get3A_154 : vector<256x512xf32>
    %eq3A_156 = arith.constant 12 : i32
    %eq3A_157 = vector.broadcast %eq3A_156 : i32 to vector<256x512xi32>
    %eq3A_158 = arith.cmpi eq, %get3A_3, %eq3A_157 : vector<256x512xi32>
    %select_n3A_159 = arith.select %eq3A_158, %get3A_154, %select_n3A_146 : vector<256x512xi1>, vector<256x512xf32>
    %exp3A_160 = math.exp %get3A_154 : vector<256x512xf32>
    %add3A_161 = arith.addf %add3A_148, %exp3A_160 : vector<256x512xf32>
    %get3A_162 = arith.constant 0 : index
    %get3A_163 = arith.constant 13 : index
    %get3A_164 = arith.constant 0 : index
    %get3A_165 = arith.constant 0 : index
    %get3A_166 = vector.load %arg1[%get3A_162, %get3A_163, %get3A_164, %get3A_165] : memref<1x19x256x512xf32, #tpu.memory_space<vmem>>, vector<1x1x256x512xf32>
    %get3A_167 = vector.shape_cast %get3A_166 : vector<1x1x256x512xf32> to vector<256x512xf32>
    %max3A_168 = arith.maximumf %max3A_155, %get3A_167 : vector<256x512xf32>
    %eq3A_169 = arith.constant 13 : i32
    %eq3A_170 = vector.broadcast %eq3A_169 : i32 to vector<256x512xi32>
    %eq3A_171 = arith.cmpi eq, %get3A_3, %eq3A_170 : vector<256x512xi32>
    %select_n3A_172 = arith.select %eq3A_171, %get3A_167, %select_n3A_159 : vector<256x512xi1>, vector<256x512xf32>
    %exp3A_173 = math.exp %get3A_167 : vector<256x512xf32>
    %add3A_174 = arith.addf %add3A_161, %exp3A_173 : vector<256x512xf32>
    %get3A_175 = arith.constant 0 : index
    %get3A_176 = arith.constant 14 : index
    %get3A_177 = arith.constant 0 : index
    %get3A_178 = arith.constant 0 : index
    %get3A_179 = vector.load %arg1[%get3A_175, %get3A_176, %get3A_177, %get3A_178] : memref<1x19x256x512xf32, #tpu.memory_space<vmem>>, vector<1x1x256x512xf32>
    %get3A_180 = vector.shape_cast %get3A_179 : vector<1x1x256x512xf32> to vector<256x512xf32>
    %max3A_181 = arith.maximumf %max3A_168, %get3A_180 : vector<256x512xf32>
    %eq3A_182 = arith.constant 14 : i32
    %eq3A_183 = vector.broadcast %eq3A_182 : i32 to vector<256x512xi32>
    %eq3A_184 = arith.cmpi eq, %get3A_3, %eq3A_183 : vector<256x512xi32>
    %select_n3A_185 = arith.select %eq3A_184, %get3A_180, %select_n3A_172 : vector<256x512xi1>, vector<256x512xf32>
    %exp3A_186 = math.exp %get3A_180 : vector<256x512xf32>
    %add3A_187 = arith.addf %add3A_174, %exp3A_186 : vector<256x512xf32>
    %get3A_188 = arith.constant 0 : index
    %get3A_189 = arith.constant 15 : index
    %get3A_190 = arith.constant 0 : index
    %get3A_191 = arith.constant 0 : index
    %get3A_192 = vector.load %arg1[%get3A_188, %get3A_189, %get3A_190, %get3A_191] : memref<1x19x256x512xf32, #tpu.memory_space<vmem>>, vector<1x1x256x512xf32>
    %get3A_193 = vector.shape_cast %get3A_192 : vector<1x1x256x512xf32> to vector<256x512xf32>
    %max3A_194 = arith.maximumf %max3A_181, %get3A_193 : vector<256x512xf32>
    %eq3A_195 = arith.constant 15 : i32
    %eq3A_196 = vector.broadcast %eq3A_195 : i32 to vector<256x512xi32>
    %eq3A_197 = arith.cmpi eq, %get3A_3, %eq3A_196 : vector<256x512xi32>
    %select_n3A_198 = arith.select %eq3A_197, %get3A_193, %select_n3A_185 : vector<256x512xi1>, vector<256x512xf32>
    %exp3A_199 = math.exp %get3A_193 : vector<256x512xf32>
    %add3A_200 = arith.addf %add3A_187, %exp3A_199 : vector<256x512xf32>
    %get3A_201 = arith.constant 0 : index
    %get3A_202 = arith.constant 16 : index
    %get3A_203 = arith.constant 0 : index
    %get3A_204 = arith.constant 0 : index
    %get3A_205 = vector.load %arg1[%get3A_201, %get3A_202, %get3A_203, %get3A_204] : memref<1x19x256x512xf32, #tpu.memory_space<vmem>>, vector<1x1x256x512xf32>
    %get3A_206 = vector.shape_cast %get3A_205 : vector<1x1x256x512xf32> to vector<256x512xf32>
    %max3A_207 = arith.maximumf %max3A_194, %get3A_206 : vector<256x512xf32>
    %eq3A_208 = arith.constant 16 : i32
    %eq3A_209 = vector.broadcast %eq3A_208 : i32 to vector<256x512xi32>
    %eq3A_210 = arith.cmpi eq, %get3A_3, %eq3A_209 : vector<256x512xi32>
    %select_n3A_211 = arith.select %eq3A_210, %get3A_206, %select_n3A_198 : vector<256x512xi1>, vector<256x512xf32>
    %exp3A_212 = math.exp %get3A_206 : vector<256x512xf32>
    %add3A_213 = arith.addf %add3A_200, %exp3A_212 : vector<256x512xf32>
    %get3A_214 = arith.constant 0 : index
    %get3A_215 = arith.constant 17 : index
    %get3A_216 = arith.constant 0 : index
    %get3A_217 = arith.constant 0 : index
    %get3A_218 = vector.load %arg1[%get3A_214, %get3A_215, %get3A_216, %get3A_217] : memref<1x19x256x512xf32, #tpu.memory_space<vmem>>, vector<1x1x256x512xf32>
    %get3A_219 = vector.shape_cast %get3A_218 : vector<1x1x256x512xf32> to vector<256x512xf32>
    %max3A_220 = arith.maximumf %max3A_207, %get3A_219 : vector<256x512xf32>
    %eq3A_221 = arith.constant 17 : i32
    %eq3A_222 = vector.broadcast %eq3A_221 : i32 to vector<256x512xi32>
    %eq3A_223 = arith.cmpi eq, %get3A_3, %eq3A_222 : vector<256x512xi32>
    %select_n3A_224 = arith.select %eq3A_223, %get3A_219, %select_n3A_211 : vector<256x512xi1>, vector<256x512xf32>
    %exp3A_225 = math.exp %get3A_219 : vector<256x512xf32>
    %add3A_226 = arith.addf %add3A_213, %exp3A_225 : vector<256x512xf32>
    %get3A_227 = arith.constant 0 : index
    %get3A_228 = arith.constant 18 : index
    %get3A_229 = arith.constant 0 : index
    %get3A_230 = arith.constant 0 : index
    %get3A_231 = vector.load %arg1[%get3A_227, %get3A_228, %get3A_229, %get3A_230] : memref<1x19x256x512xf32, #tpu.memory_space<vmem>>, vector<1x1x256x512xf32>
    %get3A_232 = vector.shape_cast %get3A_231 : vector<1x1x256x512xf32> to vector<256x512xf32>
    %max3A_233 = arith.maximumf %max3A_220, %get3A_232 : vector<256x512xf32>
    %eq3A_234 = arith.constant 18 : i32
    %eq3A_235 = vector.broadcast %eq3A_234 : i32 to vector<256x512xi32>
    %eq3A_236 = arith.cmpi eq, %get3A_3, %eq3A_235 : vector<256x512xi32>
    %select_n3A_237 = arith.select %eq3A_236, %get3A_232, %select_n3A_224 : vector<256x512xi1>, vector<256x512xf32>
    %exp3A_238 = math.exp %get3A_232 : vector<256x512xf32>
    %add3A_239 = arith.addf %add3A_226, %exp3A_238 : vector<256x512xf32>
    %exp3A_240 = math.exp %max3A_233 : vector<256x512xf32>
    %div3A = arith.divf %exp3A_240, %add3A_239 : vector<256x512xf32>
    %eq3A_241 = arith.cmpf oeq, %select_n3A_237, %max3A_233 : vector<256x512xf32>
    %convert_element_type3A = arith.extui %eq3A_241 : vector<256x512xi1> to vector<256x512xi32>
    %mul3A = arith.constant 1.000000e+01 : f32
    %mul3A_242 = vector.broadcast %mul3A : f32 to vector<256x512xf32>
    %mul3A_243 = arith.mulf %div3A, %mul3A_242 : vector<256x512xf32>
    %convert_element_type3A_244 = arith.fptosi %mul3A_243 : vector<256x512xf32> to vector<256x512xi32>
    %min3A = arith.constant 9 : i32
    %min3A_245 = vector.broadcast %min3A : i32 to vector<256x512xi32>
    %min3A_246 = arith.minsi %convert_element_type3A_244, %min3A_245 : vector<256x512xi32>
    %mul3A_247 = arith.constant 2 : i32
    %mul3A_248 = vector.broadcast %mul3A_247 : i32 to vector<256x512xi32>
    %mul3A_249 = arith.muli %min3A_246, %mul3A_248 : vector<256x512xi32>
    %add3A_250 = arith.addi %mul3A_249, %convert_element_type3A : vector<256x512xi32>
    %bitcast_convert_type3A = tpu.bitcast %div3A : vector<256x512xf32> -> vector<256x512xi32>
    %and3A = arith.constant -32 : i32
    %and3A_251 = vector.broadcast %and3A : i32 to vector<256x512xi32>
    %and3A_252 = arith.andi %bitcast_convert_type3A, %and3A_251 : vector<256x512xi32>
    %or3A = arith.ori %and3A_252, %add3A_250 : vector<256x512xi32>
    %bitcast_convert_type3A_253 = tpu.bitcast %or3A : vector<256x512xi32> -> vector<256x512xf32>
    %swap3A = arith.constant 0 : index
    %swap3A_254 = arith.constant 0 : index
    %swap3A_255 = vector.load %arg3[%swap3A, %swap3A_254] : memref<256x512xf32, #tpu.memory_space<vmem>>, vector<256x512xf32>
    tpu.vector_store %arg3[%swap3A, %swap3A_254], %bitcast_convert_type3A_253 {strides = array<i32>} : memref<256x512xf32, #tpu.memory_space<vmem>>, vector<256x512xf32>,
    return
  }
  func.func @transform_0(%arg0: i32) -> (i32, i32, i32, i32) {
    %add3A = arith.constant 15 : i32
    %add3A_0 = arith.addi %add3A, %arg0 : i32
    %jit3A = arith.constant 2 : i32
    %div3A = arith.divsi %add3A_0, %jit3A : i32
    %sign3A = arith.constant 0 : i32
    %sign3A_1 = arith.cmpi sgt, %add3A_0, %sign3A : i32
    %sign3A_2 = arith.extui %sign3A_1 : i1 to i32
    %sign3A_3 = arith.constant 0 : i32
    %sign3A_4 = arith.cmpi slt, %add3A_0, %sign3A_3 : i32
    %sign3A_5 = arith.extui %sign3A_4 : i1 to i32
    %sign3A_6 = arith.subi %sign3A_2, %sign3A_5 : i32
    %sign3A_7 = arith.constant 0 : i32
    %sign3A_8 = arith.cmpi sgt, %jit3A, %sign3A_7 : i32
    %sign3A_9 = arith.extui %sign3A_8 : i1 to i32
    %sign3A_10 = arith.constant 0 : i32
    %sign3A_11 = arith.cmpi slt, %jit3A, %sign3A_10 : i32
    %sign3A_12 = arith.extui %sign3A_11 : i1 to i32
    %sign3A_13 = arith.subi %sign3A_9, %sign3A_12 : i32
    %ne3A = arith.cmpi ne, %sign3A_6, %sign3A_13 : i32
    %rem3A = arith.remsi %add3A_0, %jit3A : i32
    %ne3A_14 = arith.constant 0 : i32
    %ne3A_15 = arith.cmpi ne, %rem3A, %ne3A_14 : i32
    %and3A = arith.andi %ne3A, %ne3A_15 : i1
    %sub3A = arith.constant 1 : i32
    %sub3A_16 = arith.subi %div3A, %sub3A : i32
    %select_n3A = arith.select %and3A, %sub3A_16, %div3A : i32
    %jit3A_17 = arith.constant 2 : i32
    %eq3A = arith.constant 0 : i32
    %eq3A_18 = arith.cmpi eq, %jit3A_17, %eq3A : i32
    %jit3A_19 = arith.constant 1 : i32
    %select_n3A_20 = arith.select %eq3A_18, %jit3A_19, %jit3A_17 : i32
    %rem3A_21 = arith.remsi %add3A_0, %select_n3A_20 : i32
    %ne3A_22 = arith.constant 0 : i32
    %ne3A_23 = arith.cmpi ne, %rem3A_21, %ne3A_22 : i32
    %lt3A = arith.constant 0 : i32
    %lt3A_24 = arith.cmpi slt, %rem3A_21, %lt3A : i32
    %lt3A_25 = arith.constant 0 : i32
    %lt3A_26 = arith.cmpi slt, %select_n3A_20, %lt3A_25 : i32
    %ne3A_27 = arith.xori %lt3A_24, %lt3A_26 : i1
    %and3A_28 = arith.andi %ne3A_27, %ne3A_23 : i1
    %add3A_29 = arith.addi %rem3A_21, %select_n3A_20 : i32
    %select_n3A_30 = arith.select %and3A_28, %add3A_29, %rem3A_21 : i32
    %c0_i32 = arith.constant 0 : i32
    %c0_i32_31 = arith.constant 0 : i32
    %c0_i32_32 = arith.constant 0 : i32
    return %select_n3A, %c0_i32, %select_n3A_30, %c0_i32_31 : i32, i32, i32, i32
  }
  func.func @transform_1(%arg0: i32) -> (i32, i32, i32) {
    %add3A = arith.constant 15 : i32
    %add3A_0 = arith.addi %add3A, %arg0 : i32
    %jit3A = arith.constant 2 : i32
    %div3A = arith.divsi %add3A_0, %jit3A : i32
    %sign3A = arith.constant 0 : i32
    %sign3A_1 = arith.cmpi sgt, %add3A_0, %sign3A : i32
    %sign3A_2 = arith.extui %sign3A_1 : i1 to i32
    %sign3A_3 = arith.constant 0 : i32
    %sign3A_4 = arith.cmpi slt, %add3A_0, %sign3A_3 : i32
    %sign3A_5 = arith.extui %sign3A_4 : i1 to i32
    %sign3A_6 = arith.subi %sign3A_2, %sign3A_5 : i32
    %sign3A_7 = arith.constant 0 : i32
    %sign3A_8 = arith.cmpi sgt, %jit3A, %sign3A_7 : i32
    %sign3A_9 = arith.extui %sign3A_8 : i1 to i32
    %sign3A_10 = arith.constant 0 : i32
    %sign3A_11 = arith.cmpi slt, %jit3A, %sign3A_10 : i32
    %sign3A_12 = arith.extui %sign3A_11 : i1 to i32
    %sign3A_13 = arith.subi %sign3A_9, %sign3A_12 : i32
    %ne3A = arith.cmpi ne, %sign3A_6, %sign3A_13 : i32
    %rem3A = arith.remsi %add3A_0, %jit3A : i32
    %ne3A_14 = arith.constant 0 : i32
    %ne3A_15 = arith.cmpi ne, %rem3A, %ne3A_14 : i32
    %and3A = arith.andi %ne3A, %ne3A_15 : i1
    %sub3A = arith.constant 1 : i32
    %sub3A_16 = arith.subi %div3A, %sub3A : i32
    %select_n3A = arith.select %and3A, %sub3A_16, %div3A : i32
    %jit3A_17 = arith.constant 2 : i32
    %eq3A = arith.constant 0 : i32
    %eq3A_18 = arith.cmpi eq, %jit3A_17, %eq3A : i32
    %jit3A_19 = arith.constant 1 : i32
    %select_n3A_20 = arith.select %eq3A_18, %jit3A_19, %jit3A_17 : i32
    %rem3A_21 = arith.remsi %add3A_0, %select_n3A_20 : i32
    %ne3A_22 = arith.constant 0 : i32
    %ne3A_23 = arith.cmpi ne, %rem3A_21, %ne3A_22 : i32
    %lt3A = arith.constant 0 : i32
    %lt3A_24 = arith.cmpi slt, %rem3A_21, %lt3A : i32
    %lt3A_25 = arith.constant 0 : i32
    %lt3A_26 = arith.cmpi slt, %select_n3A_20, %lt3A_25 : i32
    %ne3A_27 = arith.xori %lt3A_24, %lt3A_26 : i1
    %and3A_28 = arith.andi %ne3A_27, %ne3A_23 : i1
    %add3A_29 = arith.addi %rem3A_21, %select_n3A_20 : i32
    %select_n3A_30 = arith.select %and3A_28, %add3A_29, %rem3A_21 : i32
    %c0_i32 = arith.constant 0 : i32
    %c0_i32_31 = arith.constant 0 : i32
    return %select_n3A, %select_n3A_30, %c0_i32 : i32, i32, i32
  }
  func.func @transform_2(%arg0: i32) -> (i32, i32) {
    %c0_i32 = arith.constant 0 : i32
    %c0_i32_0 = arith.constant 0 : i32
    return %arg0, %c0_i32 : i32, i32
  }
}

module attributes {stable_mosaic.version = 14 : i64} {
  func.func @_dense_body(%arg0: i32, %arg1: memref<1x19x256x512xf32, #tpu.memory_space<vmem>>, %arg2: memref<1x256x512xi32, #tpu.memory_space<vmem>>, %arg3: memref<256x512xf32, #tpu.memory_space<vmem>>) attributes {dimension_semantics = [#tpu.dimension_semantics<arbitrary>], iteration_bounds = array<i64: 3>, scalar_prefetch = 0 : i64, scratch_operands = 0 : i64, tpu.core_type = #tpu.core_type<tc>, window_params = [{transform_indices = @transform_0, window_bounds = array<i64: 1, 19, 256, 512>}, {transform_indices = @transform_1, window_bounds = array<i64: 1, 256, 512>}, {transform_indices = @transform_2, window_bounds = array<i64: 256, 512>}]} {
    %get3A = arith.constant 0 : index
    %get3A_0 = arith.constant 0 : index
    %get3A_1 = arith.constant 0 : index
    %get3A_2 = vector.load %arg2[%get3A, %get3A_0, %get3A_1] : memref<1x256x512xi32, #tpu.memory_space<vmem>>, vector<1x256x512xi32>
    %get3A_3 = vector.shape_cast %get3A_2 : vector<1x256x512xi32> to vector<256x512xi32>
    %get3A_4 = arith.constant 0 : index
    %get3A_5 = arith.constant 0 : index
    %get3A_6 = arith.constant 0 : index
    %get3A_7 = arith.constant 0 : index
    %get3A_8 = vector.load %arg1[%get3A_4, %get3A_5, %get3A_6, %get3A_7] : memref<1x19x256x512xf32, #tpu.memory_space<vmem>>, vector<1x1x256x512xf32>
    %get3A_9 = vector.shape_cast %get3A_8 : vector<1x1x256x512xf32> to vector<256x512xf32>
    %exp3A = math.exp %get3A_9 : vector<256x512xf32>
    %get3A_10 = arith.constant 0 : index
    %get3A_11 = arith.constant 1 : index
    %get3A_12 = arith.constant 0 : index
    %get3A_13 = arith.constant 0 : index
    %get3A_14 = vector.load %arg1[%get3A_10, %get3A_11, %get3A_12, %get3A_13] : memref<1x19x256x512xf32, #tpu.memory_space<vmem>>, vector<1x1x256x512xf32>
    %get3A_15 = vector.shape_cast %get3A_14 : vector<1x1x256x512xf32> to vector<256x512xf32>
    %max3A = arith.maximumf %get3A_9, %get3A_15 : vector<256x512xf32>
    %eq3A = arith.constant 1 : i32
    %eq3A_16 = vector.broadcast %eq3A : i32 to vector<256x512xi32>
    %eq3A_17 = arith.cmpi eq, %get3A_3, %eq3A_16 : vector<256x512xi32>
    %select_n3A = arith.select %eq3A_17, %get3A_15, %get3A_9 : vector<256x512xi1>, vector<256x512xf32>
    %exp3A_18 = math.exp %get3A_15 : vector<256x512xf32>
    %add3A = arith.addf %exp3A, %exp3A_18 : vector<256x512xf32>
    %get3A_19 = arith.constant 0 : index
    %get3A_20 = arith.constant 2 : index
    %get3A_21 = arith.constant 0 : index
    %get3A_22 = arith.constant 0 : index
    %get3A_23 = vector.load %arg1[%get3A_19, %get3A_20, %get3A_21, %get3A_22] : memref<1x19x256x512xf32, #tpu.memory_space<vmem>>, vector<1x1x256x512xf32>
    %get3A_24 = vector.shape_cast %get3A_23 : vector<1x1x256x512xf32> to vector<256x512xf32>
    %max3A_25 = arith.maximumf %max3A, %get3A_24 : vector<256x512xf32>
    %eq3A_26 = arith.constant 2 : i32
    %eq3A_27 = vector.broadcast %eq3A_26 : i32 to vector<256x512xi32>
    %eq3A_28 = arith.cmpi eq, %get3A_3, %eq3A_27 : vector<256x512xi32>
    %select_n3A_29 = arith.select %eq3A_28, %get3A_24, %select_n3A : vector<256x512xi1>, vector<256x512xf32>
    %exp3A_30 = math.exp %get3A_24 : vector<256x512xf32>
    %add3A_31 = arith.addf %add3A, %exp3A_30 : vector<256x512xf32>
    %get3A_32 = arith.constant 0 : index
    %get3A_33 = arith.constant 3 : index
    %get3A_34 = arith.constant 0 : index
    %get3A_35 = arith.constant 0 : index
    %get3A_36 = vector.load %arg1[%get3A_32, %get3A_33, %get3A_34, %get3A_35] : memref<1x19x256x512xf32, #tpu.memory_space<vmem>>, vector<1x1x256x512xf32>
    %get3A_37 = vector.shape_cast %get3A_36 : vector<1x1x256x512xf32> to vector<256x512xf32>
    %max3A_38 = arith.maximumf %max3A_25, %get3A_37 : vector<256x512xf32>
    %eq3A_39 = arith.constant 3 : i32
    %eq3A_40 = vector.broadcast %eq3A_39 : i32 to vector<256x512xi32>
    %eq3A_41 = arith.cmpi eq, %get3A_3, %eq3A_40 : vector<256x512xi32>
    %select_n3A_42 = arith.select %eq3A_41, %get3A_37, %select_n3A_29 : vector<256x512xi1>, vector<256x512xf32>
    %exp3A_43 = math.exp %get3A_37 : vector<256x512xf32>
    %add3A_44 = arith.addf %add3A_31, %exp3A_43 : vector<256x512xf32>
    %get3A_45 = arith.constant 0 : index
    %get3A_46 = arith.constant 4 : index
    %get3A_47 = arith.constant 0 : index
    %get3A_48 = arith.constant 0 : index
    %get3A_49 = vector.load %arg1[%get3A_45, %get3A_46, %get3A_47, %get3A_48] : memref<1x19x256x512xf32, #tpu.memory_space<vmem>>, vector<1x1x256x512xf32>
    %get3A_50 = vector.shape_cast %get3A_49 : vector<1x1x256x512xf32> to vector<256x512xf32>
    %max3A_51 = arith.maximumf %max3A_38, %get3A_50 : vector<256x512xf32>
    %eq3A_52 = arith.constant 4 : i32
    %eq3A_53 = vector.broadcast %eq3A_52 : i32 to vector<256x512xi32>
    %eq3A_54 = arith.cmpi eq, %get3A_3, %eq3A_53 : vector<256x512xi32>
    %select_n3A_55 = arith.select %eq3A_54, %get3A_50, %select_n3A_42 : vector<256x512xi1>, vector<256x512xf32>
    %exp3A_56 = math.exp %get3A_50 : vector<256x512xf32>
    %add3A_57 = arith.addf %add3A_44, %exp3A_56 : vector<256x512xf32>
    %get3A_58 = arith.constant 0 : index
    %get3A_59 = arith.constant 5 : index
    %get3A_60 = arith.constant 0 : index
    %get3A_61 = arith.constant 0 : index
    %get3A_62 = vector.load %arg1[%get3A_58, %get3A_59, %get3A_60, %get3A_61] : memref<1x19x256x512xf32, #tpu.memory_space<vmem>>, vector<1x1x256x512xf32>
    %get3A_63 = vector.shape_cast %get3A_62 : vector<1x1x256x512xf32> to vector<256x512xf32>
    %max3A_64 = arith.maximumf %max3A_51, %get3A_63 : vector<256x512xf32>
    %eq3A_65 = arith.constant 5 : i32
    %eq3A_66 = vector.broadcast %eq3A_65 : i32 to vector<256x512xi32>
    %eq3A_67 = arith.cmpi eq, %get3A_3, %eq3A_66 : vector<256x512xi32>
    %select_n3A_68 = arith.select %eq3A_67, %get3A_63, %select_n3A_55 : vector<256x512xi1>, vector<256x512xf32>
    %exp3A_69 = math.exp %get3A_63 : vector<256x512xf32>
    %add3A_70 = arith.addf %add3A_57, %exp3A_69 : vector<256x512xf32>
    %get3A_71 = arith.constant 0 : index
    %get3A_72 = arith.constant 6 : index
    %get3A_73 = arith.constant 0 : index
    %get3A_74 = arith.constant 0 : index
    %get3A_75 = vector.load %arg1[%get3A_71, %get3A_72, %get3A_73, %get3A_74] : memref<1x19x256x512xf32, #tpu.memory_space<vmem>>, vector<1x1x256x512xf32>
    %get3A_76 = vector.shape_cast %get3A_75 : vector<1x1x256x512xf32> to vector<256x512xf32>
    %max3A_77 = arith.maximumf %max3A_64, %get3A_76 : vector<256x512xf32>
    %eq3A_78 = arith.constant 6 : i32
    %eq3A_79 = vector.broadcast %eq3A_78 : i32 to vector<256x512xi32>
    %eq3A_80 = arith.cmpi eq, %get3A_3, %eq3A_79 : vector<256x512xi32>
    %select_n3A_81 = arith.select %eq3A_80, %get3A_76, %select_n3A_68 : vector<256x512xi1>, vector<256x512xf32>
    %exp3A_82 = math.exp %get3A_76 : vector<256x512xf32>
    %add3A_83 = arith.addf %add3A_70, %exp3A_82 : vector<256x512xf32>
    %get3A_84 = arith.constant 0 : index
    %get3A_85 = arith.constant 7 : index
    %get3A_86 = arith.constant 0 : index
    %get3A_87 = arith.constant 0 : index
    %get3A_88 = vector.load %arg1[%get3A_84, %get3A_85, %get3A_86, %get3A_87] : memref<1x19x256x512xf32, #tpu.memory_space<vmem>>, vector<1x1x256x512xf32>
    %get3A_89 = vector.shape_cast %get3A_88 : vector<1x1x256x512xf32> to vector<256x512xf32>
    %max3A_90 = arith.maximumf %max3A_77, %get3A_89 : vector<256x512xf32>
    %eq3A_91 = arith.constant 7 : i32
    %eq3A_92 = vector.broadcast %eq3A_91 : i32 to vector<256x512xi32>
    %eq3A_93 = arith.cmpi eq, %get3A_3, %eq3A_92 : vector<256x512xi32>
    %select_n3A_94 = arith.select %eq3A_93, %get3A_89, %select_n3A_81 : vector<256x512xi1>, vector<256x512xf32>
    %exp3A_95 = math.exp %get3A_89 : vector<256x512xf32>
    %add3A_96 = arith.addf %add3A_83, %exp3A_95 : vector<256x512xf32>
    %get3A_97 = arith.constant 0 : index
    %get3A_98 = arith.constant 8 : index
    %get3A_99 = arith.constant 0 : index
    %get3A_100 = arith.constant 0 : index
    %get3A_101 = vector.load %arg1[%get3A_97, %get3A_98, %get3A_99, %get3A_100] : memref<1x19x256x512xf32, #tpu.memory_space<vmem>>, vector<1x1x256x512xf32>
    %get3A_102 = vector.shape_cast %get3A_101 : vector<1x1x256x512xf32> to vector<256x512xf32>
    %max3A_103 = arith.maximumf %max3A_90, %get3A_102 : vector<256x512xf32>
    %eq3A_104 = arith.constant 8 : i32
    %eq3A_105 = vector.broadcast %eq3A_104 : i32 to vector<256x512xi32>
    %eq3A_106 = arith.cmpi eq, %get3A_3, %eq3A_105 : vector<256x512xi32>
    %select_n3A_107 = arith.select %eq3A_106, %get3A_102, %select_n3A_94 : vector<256x512xi1>, vector<256x512xf32>
    %exp3A_108 = math.exp %get3A_102 : vector<256x512xf32>
    %add3A_109 = arith.addf %add3A_96, %exp3A_108 : vector<256x512xf32>
    %get3A_110 = arith.constant 0 : index
    %get3A_111 = arith.constant 9 : index
    %get3A_112 = arith.constant 0 : index
    %get3A_113 = arith.constant 0 : index
    %get3A_114 = vector.load %arg1[%get3A_110, %get3A_111, %get3A_112, %get3A_113] : memref<1x19x256x512xf32, #tpu.memory_space<vmem>>, vector<1x1x256x512xf32>
    %get3A_115 = vector.shape_cast %get3A_114 : vector<1x1x256x512xf32> to vector<256x512xf32>
    %max3A_116 = arith.maximumf %max3A_103, %get3A_115 : vector<256x512xf32>
    %eq3A_117 = arith.constant 9 : i32
    %eq3A_118 = vector.broadcast %eq3A_117 : i32 to vector<256x512xi32>
    %eq3A_119 = arith.cmpi eq, %get3A_3, %eq3A_118 : vector<256x512xi32>
    %select_n3A_120 = arith.select %eq3A_119, %get3A_115, %select_n3A_107 : vector<256x512xi1>, vector<256x512xf32>
    %exp3A_121 = math.exp %get3A_115 : vector<256x512xf32>
    %add3A_122 = arith.addf %add3A_109, %exp3A_121 : vector<256x512xf32>
    %get3A_123 = arith.constant 0 : index
    %get3A_124 = arith.constant 10 : index
    %get3A_125 = arith.constant 0 : index
    %get3A_126 = arith.constant 0 : index
    %get3A_127 = vector.load %arg1[%get3A_123, %get3A_124, %get3A_125, %get3A_126] : memref<1x19x256x512xf32, #tpu.memory_space<vmem>>, vector<1x1x256x512xf32>
    %get3A_128 = vector.shape_cast %get3A_127 : vector<1x1x256x512xf32> to vector<256x512xf32>
    %max3A_129 = arith.maximumf %max3A_116, %get3A_128 : vector<256x512xf32>
    %eq3A_130 = arith.constant 10 : i32
    %eq3A_131 = vector.broadcast %eq3A_130 : i32 to vector<256x512xi32>
    %eq3A_132 = arith.cmpi eq, %get3A_3, %eq3A_131 : vector<256x512xi32>
    %select_n3A_133 = arith.select %eq3A_132, %get3A_128, %select_n3A_120 : vector<256x512xi1>, vector<256x512xf32>
    %exp3A_134 = math.exp %get3A_128 : vector<256x512xf32>
    %add3A_135 = arith.addf %add3A_122, %exp3A_134 : vector<256x512xf32>
    %get3A_136 = arith.constant 0 : index
    %get3A_137 = arith.constant 11 : index
    %get3A_138 = arith.constant 0 : index
    %get3A_139 = arith.constant 0 : index
    %get3A_140 = vector.load %arg1[%get3A_136, %get3A_137, %get3A_138, %get3A_139] : memref<1x19x256x512xf32, #tpu.memory_space<vmem>>, vector<1x1x256x512xf32>
    %get3A_141 = vector.shape_cast %get3A_140 : vector<1x1x256x512xf32> to vector<256x512xf32>
    %max3A_142 = arith.maximumf %max3A_129, %get3A_141 : vector<256x512xf32>
    %eq3A_143 = arith.constant 11 : i32
    %eq3A_144 = vector.broadcast %eq3A_143 : i32 to vector<256x512xi32>
    %eq3A_145 = arith.cmpi eq, %get3A_3, %eq3A_144 : vector<256x512xi32>
    %select_n3A_146 = arith.select %eq3A_145, %get3A_141, %select_n3A_133 : vector<256x512xi1>, vector<256x512xf32>
    %exp3A_147 = math.exp %get3A_141 : vector<256x512xf32>
    %add3A_148 = arith.addf %add3A_135, %exp3A_147 : vector<256x512xf32>
    %get3A_149 = arith.constant 0 : index
    %get3A_150 = arith.constant 12 : index
    %get3A_151 = arith.constant 0 : index
    %get3A_152 = arith.constant 0 : index
    %get3A_153 = vector.load %arg1[%get3A_149, %get3A_150, %get3A_151, %get3A_152] : memref<1x19x256x512xf32, #tpu.memory_space<vmem>>, vector<1x1x256x512xf32>
    %get3A_154 = vector.shape_cast %get3A_153 : vector<1x1x256x512xf32> to vector<256x512xf32>
    %max3A_155 = arith.maximumf %max3A_142, %get3A_154 : vector<256x512xf32>
    %eq3A_156 = arith.constant 12 : i32
    %eq3A_157 = vector.broadcast %eq3A_156 : i32 to vector<256x512xi32>
    %eq3A_158 = arith.cmpi eq, %get3A_3, %eq3A_157 : vector<256x512xi32>
    %select_n3A_159 = arith.select %eq3A_158, %get3A_154, %select_n3A_146 : vector<256x512xi1>, vector<256x512xf32>
    %exp3A_160 = math.exp %get3A_154 : vector<256x512xf32>
    %add3A_161 = arith.addf %add3A_148, %exp3A_160 : vector<256x512xf32>
    %get3A_162 = arith.constant 0 : index
    %get3A_163 = arith.constant 13 : index
    %get3A_164 = arith.constant 0 : index
    %get3A_165 = arith.constant 0 : index
    %get3A_166 = vector.load %arg1[%get3A_162, %get3A_163, %get3A_164, %get3A_165] : memref<1x19x256x512xf32, #tpu.memory_space<vmem>>, vector<1x1x256x512xf32>
    %get3A_167 = vector.shape_cast %get3A_166 : vector<1x1x256x512xf32> to vector<256x512xf32>
    %max3A_168 = arith.maximumf %max3A_155, %get3A_167 : vector<256x512xf32>
    %eq3A_169 = arith.constant 13 : i32
    %eq3A_170 = vector.broadcast %eq3A_169 : i32 to vector<256x512xi32>
    %eq3A_171 = arith.cmpi eq, %get3A_3, %eq3A_170 : vector<256x512xi32>
    %select_n3A_172 = arith.select %eq3A_171, %get3A_167, %select_n3A_159 : vector<256x512xi1>, vector<256x512xf32>
    %exp3A_173 = math.exp %get3A_167 : vector<256x512xf32>
    %add3A_174 = arith.addf %add3A_161, %exp3A_173 : vector<256x512xf32>
    %get3A_175 = arith.constant 0 : index
    %get3A_176 = arith.constant 14 : index
    %get3A_177 = arith.constant 0 : index
    %get3A_178 = arith.constant 0 : index
    %get3A_179 = vector.load %arg1[%get3A_175, %get3A_176, %get3A_177, %get3A_178] : memref<1x19x256x512xf32, #tpu.memory_space<vmem>>, vector<1x1x256x512xf32>
    %get3A_180 = vector.shape_cast %get3A_179 : vector<1x1x256x512xf32> to vector<256x512xf32>
    %max3A_181 = arith.maximumf %max3A_168, %get3A_180 : vector<256x512xf32>
    %eq3A_182 = arith.constant 14 : i32
    %eq3A_183 = vector.broadcast %eq3A_182 : i32 to vector<256x512xi32>
    %eq3A_184 = arith.cmpi eq, %get3A_3, %eq3A_183 : vector<256x512xi32>
    %select_n3A_185 = arith.select %eq3A_184, %get3A_180, %select_n3A_172 : vector<256x512xi1>, vector<256x512xf32>
    %exp3A_186 = math.exp %get3A_180 : vector<256x512xf32>
    %add3A_187 = arith.addf %add3A_174, %exp3A_186 : vector<256x512xf32>
    %get3A_188 = arith.constant 0 : index
    %get3A_189 = arith.constant 15 : index
    %get3A_190 = arith.constant 0 : index
    %get3A_191 = arith.constant 0 : index
    %get3A_192 = vector.load %arg1[%get3A_188, %get3A_189, %get3A_190, %get3A_191] : memref<1x19x256x512xf32, #tpu.memory_space<vmem>>, vector<1x1x256x512xf32>
    %get3A_193 = vector.shape_cast %get3A_192 : vector<1x1x256x512xf32> to vector<256x512xf32>
    %max3A_194 = arith.maximumf %max3A_181, %get3A_193 : vector<256x512xf32>
    %eq3A_195 = arith.constant 15 : i32
    %eq3A_196 = vector.broadcast %eq3A_195 : i32 to vector<256x512xi32>
    %eq3A_197 = arith.cmpi eq, %get3A_3, %eq3A_196 : vector<256x512xi32>
    %select_n3A_198 = arith.select %eq3A_197, %get3A_193, %select_n3A_185 : vector<256x512xi1>, vector<256x512xf32>
    %exp3A_199 = math.exp %get3A_193 : vector<256x512xf32>
    %add3A_200 = arith.addf %add3A_187, %exp3A_199 : vector<256x512xf32>
    %get3A_201 = arith.constant 0 : index
    %get3A_202 = arith.constant 16 : index
    %get3A_203 = arith.constant 0 : index
    %get3A_204 = arith.constant 0 : index
    %get3A_205 = vector.load %arg1[%get3A_201, %get3A_202, %get3A_203, %get3A_204] : memref<1x19x256x512xf32, #tpu.memory_space<vmem>>, vector<1x1x256x512xf32>
    %get3A_206 = vector.shape_cast %get3A_205 : vector<1x1x256x512xf32> to vector<256x512xf32>
    %max3A_207 = arith.maximumf %max3A_194, %get3A_206 : vector<256x512xf32>
    %eq3A_208 = arith.constant 16 : i32
    %eq3A_209 = vector.broadcast %eq3A_208 : i32 to vector<256x512xi32>
    %eq3A_210 = arith.cmpi eq, %get3A_3, %eq3A_209 : vector<256x512xi32>
    %select_n3A_211 = arith.select %eq3A_210, %get3A_206, %select_n3A_198 : vector<256x512xi1>, vector<256x512xf32>
    %exp3A_212 = math.exp %get3A_206 : vector<256x512xf32>
    %add3A_213 = arith.addf %add3A_200, %exp3A_212 : vector<256x512xf32>
    %get3A_214 = arith.constant 0 : index
    %get3A_215 = arith.constant 17 : index
    %get3A_216 = arith.constant 0 : index
    %get3A_217 = arith.constant 0 : index
    %get3A_218 = vector.load %arg1[%get3A_214, %get3A_215, %get3A_216, %get3A_217] : memref<1x19x256x512xf32, #tpu.memory_space<vmem>>, vector<1x1x256x512xf32>
    %get3A_219 = vector.shape_cast %get3A_218 : vector<1x1x256x512xf32> to vector<256x512xf32>
    %max3A_220 = arith.maximumf %max3A_207, %get3A_219 : vector<256x512xf32>
    %eq3A_221 = arith.constant 17 : i32
    %eq3A_222 = vector.broadcast %eq3A_221 : i32 to vector<256x512xi32>
    %eq3A_223 = arith.cmpi eq, %get3A_3, %eq3A_222 : vector<256x512xi32>
    %select_n3A_224 = arith.select %eq3A_223, %get3A_219, %select_n3A_211 : vector<256x512xi1>, vector<256x512xf32>
    %exp3A_225 = math.exp %get3A_219 : vector<256x512xf32>
    %add3A_226 = arith.addf %add3A_213, %exp3A_225 : vector<256x512xf32>
    %get3A_227 = arith.constant 0 : index
    %get3A_228 = arith.constant 18 : index
    %get3A_229 = arith.constant 0 : index
    %get3A_230 = arith.constant 0 : index
    %get3A_231 = vector.load %arg1[%get3A_227, %get3A_228, %get3A_229, %get3A_230] : memref<1x19x256x512xf32, #tpu.memory_space<vmem>>, vector<1x1x256x512xf32>
    %get3A_232 = vector.shape_cast %get3A_231 : vector<1x1x256x512xf32> to vector<256x512xf32>
    %max3A_233 = arith.maximumf %max3A_220, %get3A_232 : vector<256x512xf32>
    %eq3A_234 = arith.constant 18 : i32
    %eq3A_235 = vector.broadcast %eq3A_234 : i32 to vector<256x512xi32>
    %eq3A_236 = arith.cmpi eq, %get3A_3, %eq3A_235 : vector<256x512xi32>
    %select_n3A_237 = arith.select %eq3A_236, %get3A_232, %select_n3A_224 : vector<256x512xi1>, vector<256x512xf32>
    %exp3A_238 = math.exp %get3A_232 : vector<256x512xf32>
    %add3A_239 = arith.addf %add3A_226, %exp3A_238 : vector<256x512xf32>
    %exp3A_240 = math.exp %max3A_233 : vector<256x512xf32>
    %div3A = arith.divf %exp3A_240, %add3A_239 : vector<256x512xf32>
    %eq3A_241 = arith.cmpf oeq, %select_n3A_237, %max3A_233 : vector<256x512xf32>
    %convert_element_type3A = arith.extui %eq3A_241 : vector<256x512xi1> to vector<256x512xi32>
    %mul3A = arith.constant 1.000000e+01 : f32
    %mul3A_242 = vector.broadcast %mul3A : f32 to vector<256x512xf32>
    %mul3A_243 = arith.mulf %div3A, %mul3A_242 : vector<256x512xf32>
    %convert_element_type3A_244 = arith.fptosi %mul3A_243 : vector<256x512xf32> to vector<256x512xi32>
    %min3A = arith.constant 9 : i32
    %min3A_245 = vector.broadcast %min3A : i32 to vector<256x512xi32>
    %min3A_246 = arith.minsi %convert_element_type3A_244, %min3A_245 : vector<256x512xi32>
    %mul3A_247 = arith.constant 2 : i32
    %mul3A_248 = vector.broadcast %mul3A_247 : i32 to vector<256x512xi32>
    %mul3A_249 = arith.muli %min3A_246, %mul3A_248 : vector<256x512xi32>
    %add3A_250 = arith.addi %mul3A_249, %convert_element_type3A : vector<256x512xi32>
    %bitcast_convert_type3A = tpu.bitcast %div3A : vector<256x512xf32> -> vector<256x512xi32>
    %and3A = arith.constant -32 : i32
    %and3A_251 = vector.broadcast %and3A : i32 to vector<256x512xi32>
    %and3A_252 = arith.andi %bitcast_convert_type3A, %and3A_251 : vector<256x512xi32>
    %or3A = arith.ori %and3A_252, %add3A_250 : vector<256x512xi32>
    %bitcast_convert_type3A_253 = tpu.bitcast %or3A : vector<256x512xi32> -> vector<256x512xf32>
    %swap3A = arith.constant 0 : index
    %swap3A_254 = arith.constant 0 : index
    %swap3A_255 = vector.load %arg3[%swap3A, %swap3A_254] : memref<256x512xf32, #tpu.memory_space<vmem>>, vector<256x512xf32>
    tpu.vector_store %arg3[%swap3A, %swap3A_254], %bitcast_convert_type3A_253 {strides = array<i32>} : memref<256x512xf32, #tpu.memory_space<vmem>>, vector<256x512xf32>,
    return
  }
  func.func @transform_0(%arg0: i32) -> (i32, i32, i32, i32) {
    %add3A = arith.constant 12 : i32
    %add3A_0 = arith.addi %add3A, %arg0 : i32
    %jit3A = arith.constant 2 : i32
    %div3A = arith.divsi %add3A_0, %jit3A : i32
    %sign3A = arith.constant 0 : i32
    %sign3A_1 = arith.cmpi sgt, %add3A_0, %sign3A : i32
    %sign3A_2 = arith.extui %sign3A_1 : i1 to i32
    %sign3A_3 = arith.constant 0 : i32
    %sign3A_4 = arith.cmpi slt, %add3A_0, %sign3A_3 : i32
    %sign3A_5 = arith.extui %sign3A_4 : i1 to i32
    %sign3A_6 = arith.subi %sign3A_2, %sign3A_5 : i32
    %sign3A_7 = arith.constant 0 : i32
    %sign3A_8 = arith.cmpi sgt, %jit3A, %sign3A_7 : i32
    %sign3A_9 = arith.extui %sign3A_8 : i1 to i32
    %sign3A_10 = arith.constant 0 : i32
    %sign3A_11 = arith.cmpi slt, %jit3A, %sign3A_10 : i32
    %sign3A_12 = arith.extui %sign3A_11 : i1 to i32
    %sign3A_13 = arith.subi %sign3A_9, %sign3A_12 : i32
    %ne3A = arith.cmpi ne, %sign3A_6, %sign3A_13 : i32
    %rem3A = arith.remsi %add3A_0, %jit3A : i32
    %ne3A_14 = arith.constant 0 : i32
    %ne3A_15 = arith.cmpi ne, %rem3A, %ne3A_14 : i32
    %and3A = arith.andi %ne3A, %ne3A_15 : i1
    %sub3A = arith.constant 1 : i32
    %sub3A_16 = arith.subi %div3A, %sub3A : i32
    %select_n3A = arith.select %and3A, %sub3A_16, %div3A : i32
    %jit3A_17 = arith.constant 2 : i32
    %eq3A = arith.constant 0 : i32
    %eq3A_18 = arith.cmpi eq, %jit3A_17, %eq3A : i32
    %jit3A_19 = arith.constant 1 : i32
    %select_n3A_20 = arith.select %eq3A_18, %jit3A_19, %jit3A_17 : i32
    %rem3A_21 = arith.remsi %add3A_0, %select_n3A_20 : i32
    %ne3A_22 = arith.constant 0 : i32
    %ne3A_23 = arith.cmpi ne, %rem3A_21, %ne3A_22 : i32
    %lt3A = arith.constant 0 : i32
    %lt3A_24 = arith.cmpi slt, %rem3A_21, %lt3A : i32
    %lt3A_25 = arith.constant 0 : i32
    %lt3A_26 = arith.cmpi slt, %select_n3A_20, %lt3A_25 : i32
    %ne3A_27 = arith.xori %lt3A_24, %lt3A_26 : i1
    %and3A_28 = arith.andi %ne3A_27, %ne3A_23 : i1
    %add3A_29 = arith.addi %rem3A_21, %select_n3A_20 : i32
    %select_n3A_30 = arith.select %and3A_28, %add3A_29, %rem3A_21 : i32
    %c0_i32 = arith.constant 0 : i32
    %c0_i32_31 = arith.constant 0 : i32
    %c0_i32_32 = arith.constant 0 : i32
    return %select_n3A, %c0_i32, %select_n3A_30, %c0_i32_31 : i32, i32, i32, i32
  }
  func.func @transform_1(%arg0: i32) -> (i32, i32, i32) {
    %add3A = arith.constant 12 : i32
    %add3A_0 = arith.addi %add3A, %arg0 : i32
    %jit3A = arith.constant 2 : i32
    %div3A = arith.divsi %add3A_0, %jit3A : i32
    %sign3A = arith.constant 0 : i32
    %sign3A_1 = arith.cmpi sgt, %add3A_0, %sign3A : i32
    %sign3A_2 = arith.extui %sign3A_1 : i1 to i32
    %sign3A_3 = arith.constant 0 : i32
    %sign3A_4 = arith.cmpi slt, %add3A_0, %sign3A_3 : i32
    %sign3A_5 = arith.extui %sign3A_4 : i1 to i32
    %sign3A_6 = arith.subi %sign3A_2, %sign3A_5 : i32
    %sign3A_7 = arith.constant 0 : i32
    %sign3A_8 = arith.cmpi sgt, %jit3A, %sign3A_7 : i32
    %sign3A_9 = arith.extui %sign3A_8 : i1 to i32
    %sign3A_10 = arith.constant 0 : i32
    %sign3A_11 = arith.cmpi slt, %jit3A, %sign3A_10 : i32
    %sign3A_12 = arith.extui %sign3A_11 : i1 to i32
    %sign3A_13 = arith.subi %sign3A_9, %sign3A_12 : i32
    %ne3A = arith.cmpi ne, %sign3A_6, %sign3A_13 : i32
    %rem3A = arith.remsi %add3A_0, %jit3A : i32
    %ne3A_14 = arith.constant 0 : i32
    %ne3A_15 = arith.cmpi ne, %rem3A, %ne3A_14 : i32
    %and3A = arith.andi %ne3A, %ne3A_15 : i1
    %sub3A = arith.constant 1 : i32
    %sub3A_16 = arith.subi %div3A, %sub3A : i32
    %select_n3A = arith.select %and3A, %sub3A_16, %div3A : i32
    %jit3A_17 = arith.constant 2 : i32
    %eq3A = arith.constant 0 : i32
    %eq3A_18 = arith.cmpi eq, %jit3A_17, %eq3A : i32
    %jit3A_19 = arith.constant 1 : i32
    %select_n3A_20 = arith.select %eq3A_18, %jit3A_19, %jit3A_17 : i32
    %rem3A_21 = arith.remsi %add3A_0, %select_n3A_20 : i32
    %ne3A_22 = arith.constant 0 : i32
    %ne3A_23 = arith.cmpi ne, %rem3A_21, %ne3A_22 : i32
    %lt3A = arith.constant 0 : i32
    %lt3A_24 = arith.cmpi slt, %rem3A_21, %lt3A : i32
    %lt3A_25 = arith.constant 0 : i32
    %lt3A_26 = arith.cmpi slt, %select_n3A_20, %lt3A_25 : i32
    %ne3A_27 = arith.xori %lt3A_24, %lt3A_26 : i1
    %and3A_28 = arith.andi %ne3A_27, %ne3A_23 : i1
    %add3A_29 = arith.addi %rem3A_21, %select_n3A_20 : i32
    %select_n3A_30 = arith.select %and3A_28, %add3A_29, %rem3A_21 : i32
    %c0_i32 = arith.constant 0 : i32
    %c0_i32_31 = arith.constant 0 : i32
    return %select_n3A, %select_n3A_30, %c0_i32 : i32, i32, i32
  }
  func.func @transform_2(%arg0: i32) -> (i32, i32) {
    %c0_i32 = arith.constant 0 : i32
    %c0_i32_0 = arith.constant 0 : i32
    return %arg0, %c0_i32 : i32, i32
  }
}

module attributes {stable_mosaic.version = 14 : i64} {
  func.func @_dense_body(%arg0: i32, %arg1: memref<1x19x256x512xf32, #tpu.memory_space<vmem>>, %arg2: memref<1x256x512xi32, #tpu.memory_space<vmem>>, %arg3: memref<256x512xf32, #tpu.memory_space<vmem>>) attributes {dimension_semantics = [#tpu.dimension_semantics<arbitrary>], iteration_bounds = array<i64: 12>, scalar_prefetch = 0 : i64, scratch_operands = 0 : i64, tpu.core_type = #tpu.core_type<tc>, window_params = [{transform_indices = @transform_0, window_bounds = array<i64: 1, 19, 256, 512>}, {transform_indices = @transform_1, window_bounds = array<i64: 1, 256, 512>}, {transform_indices = @transform_2, window_bounds = array<i64: 256, 512>}]} {
    %get3A = arith.constant 0 : index
    %get3A_0 = arith.constant 0 : index
    %get3A_1 = arith.constant 0 : index
    %get3A_2 = vector.load %arg2[%get3A, %get3A_0, %get3A_1] : memref<1x256x512xi32, #tpu.memory_space<vmem>>, vector<1x256x512xi32>
    %get3A_3 = vector.shape_cast %get3A_2 : vector<1x256x512xi32> to vector<256x512xi32>
    %get3A_4 = arith.constant 0 : index
    %get3A_5 = arith.constant 0 : index
    %get3A_6 = arith.constant 0 : index
    %get3A_7 = arith.constant 0 : index
    %get3A_8 = vector.load %arg1[%get3A_4, %get3A_5, %get3A_6, %get3A_7] : memref<1x19x256x512xf32, #tpu.memory_space<vmem>>, vector<1x1x256x512xf32>
    %get3A_9 = vector.shape_cast %get3A_8 : vector<1x1x256x512xf32> to vector<256x512xf32>
    %exp3A = math.exp %get3A_9 : vector<256x512xf32>
    %get3A_10 = arith.constant 0 : index
    %get3A_11 = arith.constant 1 : index
    %get3A_12 = arith.constant 0 : index
    %get3A_13 = arith.constant 0 : index
    %get3A_14 = vector.load %arg1[%get3A_10, %get3A_11, %get3A_12, %get3A_13] : memref<1x19x256x512xf32, #tpu.memory_space<vmem>>, vector<1x1x256x512xf32>
    %get3A_15 = vector.shape_cast %get3A_14 : vector<1x1x256x512xf32> to vector<256x512xf32>
    %max3A = arith.maximumf %get3A_9, %get3A_15 : vector<256x512xf32>
    %eq3A = arith.constant 1 : i32
    %eq3A_16 = vector.broadcast %eq3A : i32 to vector<256x512xi32>
    %eq3A_17 = arith.cmpi eq, %get3A_3, %eq3A_16 : vector<256x512xi32>
    %select_n3A = arith.select %eq3A_17, %get3A_15, %get3A_9 : vector<256x512xi1>, vector<256x512xf32>
    %exp3A_18 = math.exp %get3A_15 : vector<256x512xf32>
    %add3A = arith.addf %exp3A, %exp3A_18 : vector<256x512xf32>
    %get3A_19 = arith.constant 0 : index
    %get3A_20 = arith.constant 2 : index
    %get3A_21 = arith.constant 0 : index
    %get3A_22 = arith.constant 0 : index
    %get3A_23 = vector.load %arg1[%get3A_19, %get3A_20, %get3A_21, %get3A_22] : memref<1x19x256x512xf32, #tpu.memory_space<vmem>>, vector<1x1x256x512xf32>
    %get3A_24 = vector.shape_cast %get3A_23 : vector<1x1x256x512xf32> to vector<256x512xf32>
    %max3A_25 = arith.maximumf %max3A, %get3A_24 : vector<256x512xf32>
    %eq3A_26 = arith.constant 2 : i32
    %eq3A_27 = vector.broadcast %eq3A_26 : i32 to vector<256x512xi32>
    %eq3A_28 = arith.cmpi eq, %get3A_3, %eq3A_27 : vector<256x512xi32>
    %select_n3A_29 = arith.select %eq3A_28, %get3A_24, %select_n3A : vector<256x512xi1>, vector<256x512xf32>
    %exp3A_30 = math.exp %get3A_24 : vector<256x512xf32>
    %add3A_31 = arith.addf %add3A, %exp3A_30 : vector<256x512xf32>
    %get3A_32 = arith.constant 0 : index
    %get3A_33 = arith.constant 3 : index
    %get3A_34 = arith.constant 0 : index
    %get3A_35 = arith.constant 0 : index
    %get3A_36 = vector.load %arg1[%get3A_32, %get3A_33, %get3A_34, %get3A_35] : memref<1x19x256x512xf32, #tpu.memory_space<vmem>>, vector<1x1x256x512xf32>
    %get3A_37 = vector.shape_cast %get3A_36 : vector<1x1x256x512xf32> to vector<256x512xf32>
    %max3A_38 = arith.maximumf %max3A_25, %get3A_37 : vector<256x512xf32>
    %eq3A_39 = arith.constant 3 : i32
    %eq3A_40 = vector.broadcast %eq3A_39 : i32 to vector<256x512xi32>
    %eq3A_41 = arith.cmpi eq, %get3A_3, %eq3A_40 : vector<256x512xi32>
    %select_n3A_42 = arith.select %eq3A_41, %get3A_37, %select_n3A_29 : vector<256x512xi1>, vector<256x512xf32>
    %exp3A_43 = math.exp %get3A_37 : vector<256x512xf32>
    %add3A_44 = arith.addf %add3A_31, %exp3A_43 : vector<256x512xf32>
    %get3A_45 = arith.constant 0 : index
    %get3A_46 = arith.constant 4 : index
    %get3A_47 = arith.constant 0 : index
    %get3A_48 = arith.constant 0 : index
    %get3A_49 = vector.load %arg1[%get3A_45, %get3A_46, %get3A_47, %get3A_48] : memref<1x19x256x512xf32, #tpu.memory_space<vmem>>, vector<1x1x256x512xf32>
    %get3A_50 = vector.shape_cast %get3A_49 : vector<1x1x256x512xf32> to vector<256x512xf32>
    %max3A_51 = arith.maximumf %max3A_38, %get3A_50 : vector<256x512xf32>
    %eq3A_52 = arith.constant 4 : i32
    %eq3A_53 = vector.broadcast %eq3A_52 : i32 to vector<256x512xi32>
    %eq3A_54 = arith.cmpi eq, %get3A_3, %eq3A_53 : vector<256x512xi32>
    %select_n3A_55 = arith.select %eq3A_54, %get3A_50, %select_n3A_42 : vector<256x512xi1>, vector<256x512xf32>
    %exp3A_56 = math.exp %get3A_50 : vector<256x512xf32>
    %add3A_57 = arith.addf %add3A_44, %exp3A_56 : vector<256x512xf32>
    %get3A_58 = arith.constant 0 : index
    %get3A_59 = arith.constant 5 : index
    %get3A_60 = arith.constant 0 : index
    %get3A_61 = arith.constant 0 : index
    %get3A_62 = vector.load %arg1[%get3A_58, %get3A_59, %get3A_60, %get3A_61] : memref<1x19x256x512xf32, #tpu.memory_space<vmem>>, vector<1x1x256x512xf32>
    %get3A_63 = vector.shape_cast %get3A_62 : vector<1x1x256x512xf32> to vector<256x512xf32>
    %max3A_64 = arith.maximumf %max3A_51, %get3A_63 : vector<256x512xf32>
    %eq3A_65 = arith.constant 5 : i32
    %eq3A_66 = vector.broadcast %eq3A_65 : i32 to vector<256x512xi32>
    %eq3A_67 = arith.cmpi eq, %get3A_3, %eq3A_66 : vector<256x512xi32>
    %select_n3A_68 = arith.select %eq3A_67, %get3A_63, %select_n3A_55 : vector<256x512xi1>, vector<256x512xf32>
    %exp3A_69 = math.exp %get3A_63 : vector<256x512xf32>
    %add3A_70 = arith.addf %add3A_57, %exp3A_69 : vector<256x512xf32>
    %get3A_71 = arith.constant 0 : index
    %get3A_72 = arith.constant 6 : index
    %get3A_73 = arith.constant 0 : index
    %get3A_74 = arith.constant 0 : index
    %get3A_75 = vector.load %arg1[%get3A_71, %get3A_72, %get3A_73, %get3A_74] : memref<1x19x256x512xf32, #tpu.memory_space<vmem>>, vector<1x1x256x512xf32>
    %get3A_76 = vector.shape_cast %get3A_75 : vector<1x1x256x512xf32> to vector<256x512xf32>
    %max3A_77 = arith.maximumf %max3A_64, %get3A_76 : vector<256x512xf32>
    %eq3A_78 = arith.constant 6 : i32
    %eq3A_79 = vector.broadcast %eq3A_78 : i32 to vector<256x512xi32>
    %eq3A_80 = arith.cmpi eq, %get3A_3, %eq3A_79 : vector<256x512xi32>
    %select_n3A_81 = arith.select %eq3A_80, %get3A_76, %select_n3A_68 : vector<256x512xi1>, vector<256x512xf32>
    %exp3A_82 = math.exp %get3A_76 : vector<256x512xf32>
    %add3A_83 = arith.addf %add3A_70, %exp3A_82 : vector<256x512xf32>
    %get3A_84 = arith.constant 0 : index
    %get3A_85 = arith.constant 7 : index
    %get3A_86 = arith.constant 0 : index
    %get3A_87 = arith.constant 0 : index
    %get3A_88 = vector.load %arg1[%get3A_84, %get3A_85, %get3A_86, %get3A_87] : memref<1x19x256x512xf32, #tpu.memory_space<vmem>>, vector<1x1x256x512xf32>
    %get3A_89 = vector.shape_cast %get3A_88 : vector<1x1x256x512xf32> to vector<256x512xf32>
    %max3A_90 = arith.maximumf %max3A_77, %get3A_89 : vector<256x512xf32>
    %eq3A_91 = arith.constant 7 : i32
    %eq3A_92 = vector.broadcast %eq3A_91 : i32 to vector<256x512xi32>
    %eq3A_93 = arith.cmpi eq, %get3A_3, %eq3A_92 : vector<256x512xi32>
    %select_n3A_94 = arith.select %eq3A_93, %get3A_89, %select_n3A_81 : vector<256x512xi1>, vector<256x512xf32>
    %exp3A_95 = math.exp %get3A_89 : vector<256x512xf32>
    %add3A_96 = arith.addf %add3A_83, %exp3A_95 : vector<256x512xf32>
    %get3A_97 = arith.constant 0 : index
    %get3A_98 = arith.constant 8 : index
    %get3A_99 = arith.constant 0 : index
    %get3A_100 = arith.constant 0 : index
    %get3A_101 = vector.load %arg1[%get3A_97, %get3A_98, %get3A_99, %get3A_100] : memref<1x19x256x512xf32, #tpu.memory_space<vmem>>, vector<1x1x256x512xf32>
    %get3A_102 = vector.shape_cast %get3A_101 : vector<1x1x256x512xf32> to vector<256x512xf32>
    %max3A_103 = arith.maximumf %max3A_90, %get3A_102 : vector<256x512xf32>
    %eq3A_104 = arith.constant 8 : i32
    %eq3A_105 = vector.broadcast %eq3A_104 : i32 to vector<256x512xi32>
    %eq3A_106 = arith.cmpi eq, %get3A_3, %eq3A_105 : vector<256x512xi32>
    %select_n3A_107 = arith.select %eq3A_106, %get3A_102, %select_n3A_94 : vector<256x512xi1>, vector<256x512xf32>
    %exp3A_108 = math.exp %get3A_102 : vector<256x512xf32>
    %add3A_109 = arith.addf %add3A_96, %exp3A_108 : vector<256x512xf32>
    %get3A_110 = arith.constant 0 : index
    %get3A_111 = arith.constant 9 : index
    %get3A_112 = arith.constant 0 : index
    %get3A_113 = arith.constant 0 : index
    %get3A_114 = vector.load %arg1[%get3A_110, %get3A_111, %get3A_112, %get3A_113] : memref<1x19x256x512xf32, #tpu.memory_space<vmem>>, vector<1x1x256x512xf32>
    %get3A_115 = vector.shape_cast %get3A_114 : vector<1x1x256x512xf32> to vector<256x512xf32>
    %max3A_116 = arith.maximumf %max3A_103, %get3A_115 : vector<256x512xf32>
    %eq3A_117 = arith.constant 9 : i32
    %eq3A_118 = vector.broadcast %eq3A_117 : i32 to vector<256x512xi32>
    %eq3A_119 = arith.cmpi eq, %get3A_3, %eq3A_118 : vector<256x512xi32>
    %select_n3A_120 = arith.select %eq3A_119, %get3A_115, %select_n3A_107 : vector<256x512xi1>, vector<256x512xf32>
    %exp3A_121 = math.exp %get3A_115 : vector<256x512xf32>
    %add3A_122 = arith.addf %add3A_109, %exp3A_121 : vector<256x512xf32>
    %get3A_123 = arith.constant 0 : index
    %get3A_124 = arith.constant 10 : index
    %get3A_125 = arith.constant 0 : index
    %get3A_126 = arith.constant 0 : index
    %get3A_127 = vector.load %arg1[%get3A_123, %get3A_124, %get3A_125, %get3A_126] : memref<1x19x256x512xf32, #tpu.memory_space<vmem>>, vector<1x1x256x512xf32>
    %get3A_128 = vector.shape_cast %get3A_127 : vector<1x1x256x512xf32> to vector<256x512xf32>
    %max3A_129 = arith.maximumf %max3A_116, %get3A_128 : vector<256x512xf32>
    %eq3A_130 = arith.constant 10 : i32
    %eq3A_131 = vector.broadcast %eq3A_130 : i32 to vector<256x512xi32>
    %eq3A_132 = arith.cmpi eq, %get3A_3, %eq3A_131 : vector<256x512xi32>
    %select_n3A_133 = arith.select %eq3A_132, %get3A_128, %select_n3A_120 : vector<256x512xi1>, vector<256x512xf32>
    %exp3A_134 = math.exp %get3A_128 : vector<256x512xf32>
    %add3A_135 = arith.addf %add3A_122, %exp3A_134 : vector<256x512xf32>
    %get3A_136 = arith.constant 0 : index
    %get3A_137 = arith.constant 11 : index
    %get3A_138 = arith.constant 0 : index
    %get3A_139 = arith.constant 0 : index
    %get3A_140 = vector.load %arg1[%get3A_136, %get3A_137, %get3A_138, %get3A_139] : memref<1x19x256x512xf32, #tpu.memory_space<vmem>>, vector<1x1x256x512xf32>
    %get3A_141 = vector.shape_cast %get3A_140 : vector<1x1x256x512xf32> to vector<256x512xf32>
    %max3A_142 = arith.maximumf %max3A_129, %get3A_141 : vector<256x512xf32>
    %eq3A_143 = arith.constant 11 : i32
    %eq3A_144 = vector.broadcast %eq3A_143 : i32 to vector<256x512xi32>
    %eq3A_145 = arith.cmpi eq, %get3A_3, %eq3A_144 : vector<256x512xi32>
    %select_n3A_146 = arith.select %eq3A_145, %get3A_141, %select_n3A_133 : vector<256x512xi1>, vector<256x512xf32>
    %exp3A_147 = math.exp %get3A_141 : vector<256x512xf32>
    %add3A_148 = arith.addf %add3A_135, %exp3A_147 : vector<256x512xf32>
    %get3A_149 = arith.constant 0 : index
    %get3A_150 = arith.constant 12 : index
    %get3A_151 = arith.constant 0 : index
    %get3A_152 = arith.constant 0 : index
    %get3A_153 = vector.load %arg1[%get3A_149, %get3A_150, %get3A_151, %get3A_152] : memref<1x19x256x512xf32, #tpu.memory_space<vmem>>, vector<1x1x256x512xf32>
    %get3A_154 = vector.shape_cast %get3A_153 : vector<1x1x256x512xf32> to vector<256x512xf32>
    %max3A_155 = arith.maximumf %max3A_142, %get3A_154 : vector<256x512xf32>
    %eq3A_156 = arith.constant 12 : i32
    %eq3A_157 = vector.broadcast %eq3A_156 : i32 to vector<256x512xi32>
    %eq3A_158 = arith.cmpi eq, %get3A_3, %eq3A_157 : vector<256x512xi32>
    %select_n3A_159 = arith.select %eq3A_158, %get3A_154, %select_n3A_146 : vector<256x512xi1>, vector<256x512xf32>
    %exp3A_160 = math.exp %get3A_154 : vector<256x512xf32>
    %add3A_161 = arith.addf %add3A_148, %exp3A_160 : vector<256x512xf32>
    %get3A_162 = arith.constant 0 : index
    %get3A_163 = arith.constant 13 : index
    %get3A_164 = arith.constant 0 : index
    %get3A_165 = arith.constant 0 : index
    %get3A_166 = vector.load %arg1[%get3A_162, %get3A_163, %get3A_164, %get3A_165] : memref<1x19x256x512xf32, #tpu.memory_space<vmem>>, vector<1x1x256x512xf32>
    %get3A_167 = vector.shape_cast %get3A_166 : vector<1x1x256x512xf32> to vector<256x512xf32>
    %max3A_168 = arith.maximumf %max3A_155, %get3A_167 : vector<256x512xf32>
    %eq3A_169 = arith.constant 13 : i32
    %eq3A_170 = vector.broadcast %eq3A_169 : i32 to vector<256x512xi32>
    %eq3A_171 = arith.cmpi eq, %get3A_3, %eq3A_170 : vector<256x512xi32>
    %select_n3A_172 = arith.select %eq3A_171, %get3A_167, %select_n3A_159 : vector<256x512xi1>, vector<256x512xf32>
    %exp3A_173 = math.exp %get3A_167 : vector<256x512xf32>
    %add3A_174 = arith.addf %add3A_161, %exp3A_173 : vector<256x512xf32>
    %get3A_175 = arith.constant 0 : index
    %get3A_176 = arith.constant 14 : index
    %get3A_177 = arith.constant 0 : index
    %get3A_178 = arith.constant 0 : index
    %get3A_179 = vector.load %arg1[%get3A_175, %get3A_176, %get3A_177, %get3A_178] : memref<1x19x256x512xf32, #tpu.memory_space<vmem>>, vector<1x1x256x512xf32>
    %get3A_180 = vector.shape_cast %get3A_179 : vector<1x1x256x512xf32> to vector<256x512xf32>
    %max3A_181 = arith.maximumf %max3A_168, %get3A_180 : vector<256x512xf32>
    %eq3A_182 = arith.constant 14 : i32
    %eq3A_183 = vector.broadcast %eq3A_182 : i32 to vector<256x512xi32>
    %eq3A_184 = arith.cmpi eq, %get3A_3, %eq3A_183 : vector<256x512xi32>
    %select_n3A_185 = arith.select %eq3A_184, %get3A_180, %select_n3A_172 : vector<256x512xi1>, vector<256x512xf32>
    %exp3A_186 = math.exp %get3A_180 : vector<256x512xf32>
    %add3A_187 = arith.addf %add3A_174, %exp3A_186 : vector<256x512xf32>
    %get3A_188 = arith.constant 0 : index
    %get3A_189 = arith.constant 15 : index
    %get3A_190 = arith.constant 0 : index
    %get3A_191 = arith.constant 0 : index
    %get3A_192 = vector.load %arg1[%get3A_188, %get3A_189, %get3A_190, %get3A_191] : memref<1x19x256x512xf32, #tpu.memory_space<vmem>>, vector<1x1x256x512xf32>
    %get3A_193 = vector.shape_cast %get3A_192 : vector<1x1x256x512xf32> to vector<256x512xf32>
    %max3A_194 = arith.maximumf %max3A_181, %get3A_193 : vector<256x512xf32>
    %eq3A_195 = arith.constant 15 : i32
    %eq3A_196 = vector.broadcast %eq3A_195 : i32 to vector<256x512xi32>
    %eq3A_197 = arith.cmpi eq, %get3A_3, %eq3A_196 : vector<256x512xi32>
    %select_n3A_198 = arith.select %eq3A_197, %get3A_193, %select_n3A_185 : vector<256x512xi1>, vector<256x512xf32>
    %exp3A_199 = math.exp %get3A_193 : vector<256x512xf32>
    %add3A_200 = arith.addf %add3A_187, %exp3A_199 : vector<256x512xf32>
    %get3A_201 = arith.constant 0 : index
    %get3A_202 = arith.constant 16 : index
    %get3A_203 = arith.constant 0 : index
    %get3A_204 = arith.constant 0 : index
    %get3A_205 = vector.load %arg1[%get3A_201, %get3A_202, %get3A_203, %get3A_204] : memref<1x19x256x512xf32, #tpu.memory_space<vmem>>, vector<1x1x256x512xf32>
    %get3A_206 = vector.shape_cast %get3A_205 : vector<1x1x256x512xf32> to vector<256x512xf32>
    %max3A_207 = arith.maximumf %max3A_194, %get3A_206 : vector<256x512xf32>
    %eq3A_208 = arith.constant 16 : i32
    %eq3A_209 = vector.broadcast %eq3A_208 : i32 to vector<256x512xi32>
    %eq3A_210 = arith.cmpi eq, %get3A_3, %eq3A_209 : vector<256x512xi32>
    %select_n3A_211 = arith.select %eq3A_210, %get3A_206, %select_n3A_198 : vector<256x512xi1>, vector<256x512xf32>
    %exp3A_212 = math.exp %get3A_206 : vector<256x512xf32>
    %add3A_213 = arith.addf %add3A_200, %exp3A_212 : vector<256x512xf32>
    %get3A_214 = arith.constant 0 : index
    %get3A_215 = arith.constant 17 : index
    %get3A_216 = arith.constant 0 : index
    %get3A_217 = arith.constant 0 : index
    %get3A_218 = vector.load %arg1[%get3A_214, %get3A_215, %get3A_216, %get3A_217] : memref<1x19x256x512xf32, #tpu.memory_space<vmem>>, vector<1x1x256x512xf32>
    %get3A_219 = vector.shape_cast %get3A_218 : vector<1x1x256x512xf32> to vector<256x512xf32>
    %max3A_220 = arith.maximumf %max3A_207, %get3A_219 : vector<256x512xf32>
    %eq3A_221 = arith.constant 17 : i32
    %eq3A_222 = vector.broadcast %eq3A_221 : i32 to vector<256x512xi32>
    %eq3A_223 = arith.cmpi eq, %get3A_3, %eq3A_222 : vector<256x512xi32>
    %select_n3A_224 = arith.select %eq3A_223, %get3A_219, %select_n3A_211 : vector<256x512xi1>, vector<256x512xf32>
    %exp3A_225 = math.exp %get3A_219 : vector<256x512xf32>
    %add3A_226 = arith.addf %add3A_213, %exp3A_225 : vector<256x512xf32>
    %get3A_227 = arith.constant 0 : index
    %get3A_228 = arith.constant 18 : index
    %get3A_229 = arith.constant 0 : index
    %get3A_230 = arith.constant 0 : index
    %get3A_231 = vector.load %arg1[%get3A_227, %get3A_228, %get3A_229, %get3A_230] : memref<1x19x256x512xf32, #tpu.memory_space<vmem>>, vector<1x1x256x512xf32>
    %get3A_232 = vector.shape_cast %get3A_231 : vector<1x1x256x512xf32> to vector<256x512xf32>
    %max3A_233 = arith.maximumf %max3A_220, %get3A_232 : vector<256x512xf32>
    %eq3A_234 = arith.constant 18 : i32
    %eq3A_235 = vector.broadcast %eq3A_234 : i32 to vector<256x512xi32>
    %eq3A_236 = arith.cmpi eq, %get3A_3, %eq3A_235 : vector<256x512xi32>
    %select_n3A_237 = arith.select %eq3A_236, %get3A_232, %select_n3A_224 : vector<256x512xi1>, vector<256x512xf32>
    %exp3A_238 = math.exp %get3A_232 : vector<256x512xf32>
    %add3A_239 = arith.addf %add3A_226, %exp3A_238 : vector<256x512xf32>
    %exp3A_240 = math.exp %max3A_233 : vector<256x512xf32>
    %div3A = arith.divf %exp3A_240, %add3A_239 : vector<256x512xf32>
    %eq3A_241 = arith.cmpf oeq, %select_n3A_237, %max3A_233 : vector<256x512xf32>
    %convert_element_type3A = arith.extui %eq3A_241 : vector<256x512xi1> to vector<256x512xi32>
    %mul3A = arith.constant 1.000000e+01 : f32
    %mul3A_242 = vector.broadcast %mul3A : f32 to vector<256x512xf32>
    %mul3A_243 = arith.mulf %div3A, %mul3A_242 : vector<256x512xf32>
    %convert_element_type3A_244 = arith.fptosi %mul3A_243 : vector<256x512xf32> to vector<256x512xi32>
    %min3A = arith.constant 9 : i32
    %min3A_245 = vector.broadcast %min3A : i32 to vector<256x512xi32>
    %min3A_246 = arith.minsi %convert_element_type3A_244, %min3A_245 : vector<256x512xi32>
    %mul3A_247 = arith.constant 2 : i32
    %mul3A_248 = vector.broadcast %mul3A_247 : i32 to vector<256x512xi32>
    %mul3A_249 = arith.muli %min3A_246, %mul3A_248 : vector<256x512xi32>
    %add3A_250 = arith.addi %mul3A_249, %convert_element_type3A : vector<256x512xi32>
    %bitcast_convert_type3A = tpu.bitcast %div3A : vector<256x512xf32> -> vector<256x512xi32>
    %and3A = arith.constant -32 : i32
    %and3A_251 = vector.broadcast %and3A : i32 to vector<256x512xi32>
    %and3A_252 = arith.andi %bitcast_convert_type3A, %and3A_251 : vector<256x512xi32>
    %or3A = arith.ori %and3A_252, %add3A_250 : vector<256x512xi32>
    %bitcast_convert_type3A_253 = tpu.bitcast %or3A : vector<256x512xi32> -> vector<256x512xf32>
    %swap3A = arith.constant 0 : index
    %swap3A_254 = arith.constant 0 : index
    %swap3A_255 = vector.load %arg3[%swap3A, %swap3A_254] : memref<256x512xf32, #tpu.memory_space<vmem>>, vector<256x512xf32>
    tpu.vector_store %arg3[%swap3A, %swap3A_254], %bitcast_convert_type3A_253 {strides = array<i32>} : memref<256x512xf32, #tpu.memory_space<vmem>>, vector<256x512xf32>,
    return
  }
  func.func @transform_0(%arg0: i32) -> (i32, i32, i32, i32) {
    %add3A = arith.constant 0 : i32
    %add3A_0 = arith.addi %add3A, %arg0 : i32
    %jit3A = arith.constant 2 : i32
    %div3A = arith.divsi %add3A_0, %jit3A : i32
    %sign3A = arith.constant 0 : i32
    %sign3A_1 = arith.cmpi sgt, %add3A_0, %sign3A : i32
    %sign3A_2 = arith.extui %sign3A_1 : i1 to i32
    %sign3A_3 = arith.constant 0 : i32
    %sign3A_4 = arith.cmpi slt, %add3A_0, %sign3A_3 : i32
    %sign3A_5 = arith.extui %sign3A_4 : i1 to i32
    %sign3A_6 = arith.subi %sign3A_2, %sign3A_5 : i32
    %sign3A_7 = arith.constant 0 : i32
    %sign3A_8 = arith.cmpi sgt, %jit3A, %sign3A_7 : i32
    %sign3A_9 = arith.extui %sign3A_8 : i1 to i32
    %sign3A_10 = arith.constant 0 : i32
    %sign3A_11 = arith.cmpi slt, %jit3A, %sign3A_10 : i32
    %sign3A_12 = arith.extui %sign3A_11 : i1 to i32
    %sign3A_13 = arith.subi %sign3A_9, %sign3A_12 : i32
    %ne3A = arith.cmpi ne, %sign3A_6, %sign3A_13 : i32
    %rem3A = arith.remsi %add3A_0, %jit3A : i32
    %ne3A_14 = arith.constant 0 : i32
    %ne3A_15 = arith.cmpi ne, %rem3A, %ne3A_14 : i32
    %and3A = arith.andi %ne3A, %ne3A_15 : i1
    %sub3A = arith.constant 1 : i32
    %sub3A_16 = arith.subi %div3A, %sub3A : i32
    %select_n3A = arith.select %and3A, %sub3A_16, %div3A : i32
    %jit3A_17 = arith.constant 2 : i32
    %eq3A = arith.constant 0 : i32
    %eq3A_18 = arith.cmpi eq, %jit3A_17, %eq3A : i32
    %jit3A_19 = arith.constant 1 : i32
    %select_n3A_20 = arith.select %eq3A_18, %jit3A_19, %jit3A_17 : i32
    %rem3A_21 = arith.remsi %add3A_0, %select_n3A_20 : i32
    %ne3A_22 = arith.constant 0 : i32
    %ne3A_23 = arith.cmpi ne, %rem3A_21, %ne3A_22 : i32
    %lt3A = arith.constant 0 : i32
    %lt3A_24 = arith.cmpi slt, %rem3A_21, %lt3A : i32
    %lt3A_25 = arith.constant 0 : i32
    %lt3A_26 = arith.cmpi slt, %select_n3A_20, %lt3A_25 : i32
    %ne3A_27 = arith.xori %lt3A_24, %lt3A_26 : i1
    %and3A_28 = arith.andi %ne3A_27, %ne3A_23 : i1
    %add3A_29 = arith.addi %rem3A_21, %select_n3A_20 : i32
    %select_n3A_30 = arith.select %and3A_28, %add3A_29, %rem3A_21 : i32
    %c0_i32 = arith.constant 0 : i32
    %c0_i32_31 = arith.constant 0 : i32
    %c0_i32_32 = arith.constant 0 : i32
    return %select_n3A, %c0_i32, %select_n3A_30, %c0_i32_31 : i32, i32, i32, i32
  }
  func.func @transform_1(%arg0: i32) -> (i32, i32, i32) {
    %add3A = arith.constant 0 : i32
    %add3A_0 = arith.addi %add3A, %arg0 : i32
    %jit3A = arith.constant 2 : i32
    %div3A = arith.divsi %add3A_0, %jit3A : i32
    %sign3A = arith.constant 0 : i32
    %sign3A_1 = arith.cmpi sgt, %add3A_0, %sign3A : i32
    %sign3A_2 = arith.extui %sign3A_1 : i1 to i32
    %sign3A_3 = arith.constant 0 : i32
    %sign3A_4 = arith.cmpi slt, %add3A_0, %sign3A_3 : i32
    %sign3A_5 = arith.extui %sign3A_4 : i1 to i32
    %sign3A_6 = arith.subi %sign3A_2, %sign3A_5 : i32
    %sign3A_7 = arith.constant 0 : i32
    %sign3A_8 = arith.cmpi sgt, %jit3A, %sign3A_7 : i32
    %sign3A_9 = arith.extui %sign3A_8 : i1 to i32
    %sign3A_10 = arith.constant 0 : i32
    %sign3A_11 = arith.cmpi slt, %jit3A, %sign3A_10 : i32
    %sign3A_12 = arith.extui %sign3A_11 : i1 to i32
    %sign3A_13 = arith.subi %sign3A_9, %sign3A_12 : i32
    %ne3A = arith.cmpi ne, %sign3A_6, %sign3A_13 : i32
    %rem3A = arith.remsi %add3A_0, %jit3A : i32
    %ne3A_14 = arith.constant 0 : i32
    %ne3A_15 = arith.cmpi ne, %rem3A, %ne3A_14 : i32
    %and3A = arith.andi %ne3A, %ne3A_15 : i1
    %sub3A = arith.constant 1 : i32
    %sub3A_16 = arith.subi %div3A, %sub3A : i32
    %select_n3A = arith.select %and3A, %sub3A_16, %div3A : i32
    %jit3A_17 = arith.constant 2 : i32
    %eq3A = arith.constant 0 : i32
    %eq3A_18 = arith.cmpi eq, %jit3A_17, %eq3A : i32
    %jit3A_19 = arith.constant 1 : i32
    %select_n3A_20 = arith.select %eq3A_18, %jit3A_19, %jit3A_17 : i32
    %rem3A_21 = arith.remsi %add3A_0, %select_n3A_20 : i32
    %ne3A_22 = arith.constant 0 : i32
    %ne3A_23 = arith.cmpi ne, %rem3A_21, %ne3A_22 : i32
    %lt3A = arith.constant 0 : i32
    %lt3A_24 = arith.cmpi slt, %rem3A_21, %lt3A : i32
    %lt3A_25 = arith.constant 0 : i32
    %lt3A_26 = arith.cmpi slt, %select_n3A_20, %lt3A_25 : i32
    %ne3A_27 = arith.xori %lt3A_24, %lt3A_26 : i1
    %and3A_28 = arith.andi %ne3A_27, %ne3A_23 : i1
    %add3A_29 = arith.addi %rem3A_21, %select_n3A_20 : i32
    %select_n3A_30 = arith.select %and3A_28, %add3A_29, %rem3A_21 : i32
    %c0_i32 = arith.constant 0 : i32
    %c0_i32_31 = arith.constant 0 : i32
    return %select_n3A, %select_n3A_30, %c0_i32 : i32, i32, i32
  }
  func.func @transform_2(%arg0: i32) -> (i32, i32) {
    %c0_i32 = arith.constant 0 : i32
    %c0_i32_0 = arith.constant 0 : i32
    return %arg0, %c0_i32 : i32, i32
  }
}

module attributes {stable_mosaic.version = 14 : i64} {
  func.func @_final_body(%arg0: i32, %arg1: memref<32x160xf32, #tpu.memory_space<vmem>>, %arg2: memref<32x160xf32, #tpu.memory_space<vmem>>, %arg3: memref<32x320xf32, #tpu.memory_space<vmem>>, %arg4: memref<32x320xf32, #tpu.memory_space<vmem>>, %arg5: memref<256x512xf32, #tpu.memory_space<vmem>>, %arg6: memref<1x1xf32, #tpu.memory_space<smem>>) attributes {dimension_semantics = [#tpu.dimension_semantics<arbitrary>], iteration_bounds = array<i64: 1>, scalar_prefetch = 0 : i64, scratch_operands = 0 : i64, tpu.core_type = #tpu.core_type<tc>, window_params = [{pipeline_mode = #tpu.pipeline_mode<synchronous>, transform_indices = @transform_0, window_bounds = array<i64: 32, 160>}, {pipeline_mode = #tpu.pipeline_mode<synchronous>, transform_indices = @transform_1, window_bounds = array<i64: 32, 160>}, {pipeline_mode = #tpu.pipeline_mode<synchronous>, transform_indices = @transform_2, window_bounds = array<i64: 32, 320>}, {pipeline_mode = #tpu.pipeline_mode<synchronous>, transform_indices = @transform_3, window_bounds = array<i64: 32, 320>}, {pipeline_mode = #tpu.pipeline_mode<synchronous>, transform_indices = @transform_4, window_bounds = array<i64: 256, 512>}, {transform_indices = @transform_5, window_bounds = array<i64: 1, 1>}]} {
    %get3A = arith.constant 0 : index
    %get3A_0 = arith.constant 0 : index
    %get3A_1 = vector.load %arg1[%get3A, %get3A_0] : memref<32x160xf32, #tpu.memory_space<vmem>>, vector<32x160xf32>
    %reduce_sum3A = arith.constant dense<0.000000e+00> : vector<160xf32>
    %reduce_sum3A_2 = vector.multi_reduction <add>, %get3A_1, %reduce_sum3A [0] : vector<32x160xf32> to vector<160xf32>
    %get3A_3 = arith.constant 0 : index
    %get3A_4 = arith.constant 0 : index
    %get3A_5 = vector.load %arg3[%get3A_3, %get3A_4] : memref<32x320xf32, #tpu.memory_space<vmem>>, vector<32x320xf32>
    %reduce_sum3A_6 = arith.constant dense<0.000000e+00> : vector<320xf32>
    %reduce_sum3A_7 = vector.multi_reduction <add>, %get3A_5, %reduce_sum3A_6 [0] : vector<32x320xf32> to vector<320xf32>
    %get3A_8 = arith.constant 0 : index
    %get3A_9 = arith.constant 0 : index
    %get3A_10 = vector.load %arg2[%get3A_8, %get3A_9] : memref<32x160xf32, #tpu.memory_space<vmem>>, vector<32x160xf32>
    %reduce_sum3A_11 = arith.constant dense<0.000000e+00> : vector<160xf32>
    %reduce_sum3A_12 = vector.multi_reduction <add>, %get3A_10, %reduce_sum3A_11 [0] : vector<32x160xf32> to vector<160xf32>
    %add3A = arith.addf %reduce_sum3A_2, %reduce_sum3A_12 : vector<160xf32>
    %get3A_13 = arith.constant 0 : index
    %get3A_14 = arith.constant 0 : index
    %get3A_15 = vector.load %arg4[%get3A_13, %get3A_14] : memref<32x320xf32, #tpu.memory_space<vmem>>, vector<32x320xf32>
    %reduce_sum3A_16 = arith.constant dense<0.000000e+00> : vector<320xf32>
    %reduce_sum3A_17 = vector.multi_reduction <add>, %get3A_15, %reduce_sum3A_16 [0] : vector<32x320xf32> to vector<320xf32>
    %add3A_18 = arith.addf %reduce_sum3A_7, %reduce_sum3A_17 : vector<320xf32>
    %get3A_19 = arith.constant 0 : index
    %get3A_20 = arith.constant 0 : index
    %get3A_21 = vector.load %arg5[%get3A_19, %get3A_20] : memref<256x512xf32, #tpu.memory_space<vmem>>, vector<256x512xf32>
    %bitcast_convert_type3A = tpu.bitcast %get3A_21 : vector<256x512xf32> -> vector<256x512xi32>
    %and3A = arith.constant 31 : i32
    %and3A_22 = vector.broadcast %and3A : i32 to vector<256x512xi32>
    %and3A_23 = arith.andi %bitcast_convert_type3A, %and3A_22 : vector<256x512xi32>
    %and3A_24 = arith.constant 1 : i32
    %and3A_25 = vector.broadcast %and3A_24 : i32 to vector<256x512xi32>
    %and3A_26 = arith.andi %and3A_23, %and3A_25 : vector<256x512xi32>
    %convert_element_type3A = arith.sitofp %and3A_26 : vector<256x512xi32> to vector<256x512xf32>
    %shift_right_logical3A = arith.constant 1 : i32
    %shift_right_logical3A_27 = vector.broadcast %shift_right_logical3A : i32 to vector<256x512xi32>
    %shift_right_logical3A_28 = arith.shrui %and3A_23, %shift_right_logical3A_27 : vector<256x512xi32>
    %broadcast_in_dim3A = arith.constant 0.000000e+00 : f32
    %broadcast_in_dim3A_29 = vector.broadcast %broadcast_in_dim3A : f32 to vector<256x512xf32>
    %broadcast_in_dim3A_30 = arith.constant 1.000000e+00 : f32
    %broadcast_in_dim3A_31 = vector.broadcast %broadcast_in_dim3A_30 : f32 to vector<256x512xf32>
    %slice3A = vector.extract_strided_slice %add3A_18 {offsets = [0], sizes = [16], strides = [1]} : vector<320xf32> to vector<16xf32>
    %reduce_sum3A_32 = vector.shape_cast %slice3A : vector<16xf32> to vector<1x16xf32>
    %reduce_sum3A_33 = arith.constant dense<0.000000e+00> : vector<1xf32>
    %reduce_sum3A_34 = vector.multi_reduction <add>, %reduce_sum3A_32, %reduce_sum3A_33 [1] : vector<1x16xf32> to vector<1xf32>
    %reduce_sum3A_35 = vector.shape_cast %reduce_sum3A_34 : vector<1xf32> to vector<1x1xf32>
    %reduce_sum3A_36 = vector.extract %reduce_sum3A_35[0, 0] : f32 from vector<1x1xf32>
    %slice3A_37 = vector.extract_strided_slice %add3A_18 {offsets = [16], sizes = [16], strides = [1]} : vector<320xf32> to vector<16xf32>
    %reduce_sum3A_38 = vector.shape_cast %slice3A_37 : vector<16xf32> to vector<1x16xf32>
    %reduce_sum3A_39 = arith.constant dense<0.000000e+00> : vector<1xf32>
    %reduce_sum3A_40 = vector.multi_reduction <add>, %reduce_sum3A_38, %reduce_sum3A_39 [1] : vector<1x16xf32> to vector<1xf32>
    %reduce_sum3A_41 = vector.shape_cast %reduce_sum3A_40 : vector<1xf32> to vector<1x1xf32>
    %reduce_sum3A_42 = vector.extract %reduce_sum3A_41[0, 0] : f32 from vector<1x1xf32>
    %eq3A = arith.constant 0 : i32
    %eq3A_43 = vector.broadcast %eq3A : i32 to vector<256x512xi32>
    %eq3A_44 = arith.cmpi eq, %shift_right_logical3A_28, %eq3A_43 : vector<256x512xi32>
    %select_n3A = arith.select %eq3A_44, %get3A_21, %broadcast_in_dim3A_29 : vector<256x512xi1>, vector<256x512xf32>
    %reduce_sum3A_45 = vector.shape_cast %select_n3A : vector<256x512xf32> to vector<1x256x512xf32>
    %reduce_sum3A_46 = arith.constant dense<0.000000e+00> : vector<1xf32>
    %reduce_sum3A_47 = vector.multi_reduction <add>, %reduce_sum3A_45, %reduce_sum3A_46 [1, 2] : vector<1x256x512xf32> to vector<1xf32>
    %reduce_sum3A_48 = vector.shape_cast %reduce_sum3A_47 : vector<1xf32> to vector<1x1x1xf32>
    %reduce_sum3A_49 = vector.extract %reduce_sum3A_48[0, 0, 0] : f32 from vector<1x1x1xf32>
    %select_n3A_50 = arith.select %eq3A_44, %broadcast_in_dim3A_31, %broadcast_in_dim3A_29 : vector<256x512xi1>, vector<256x512xf32>
    %reduce_sum3A_51 = vector.shape_cast %select_n3A_50 : vector<256x512xf32> to vector<1x256x512xf32>
    %reduce_sum3A_52 = arith.constant dense<0.000000e+00> : vector<1xf32>
    %reduce_sum3A_53 = vector.multi_reduction <add>, %reduce_sum3A_51, %reduce_sum3A_52 [1, 2] : vector<1x256x512xf32> to vector<1xf32>
    %reduce_sum3A_54 = vector.shape_cast %reduce_sum3A_53 : vector<1xf32> to vector<1x1x1xf32>
    %reduce_sum3A_55 = vector.extract %reduce_sum3A_54[0, 0, 0] : f32 from vector<1x1x1xf32>
    %select_n3A_56 = arith.select %eq3A_44, %convert_element_type3A, %broadcast_in_dim3A_29 : vector<256x512xi1>, vector<256x512xf32>
    %reduce_sum3A_57 = vector.shape_cast %select_n3A_56 : vector<256x512xf32> to vector<1x256x512xf32>
    %reduce_sum3A_58 = arith.constant dense<0.000000e+00> : vector<1xf32>
    %reduce_sum3A_59 = vector.multi_reduction <add>, %reduce_sum3A_57, %reduce_sum3A_58 [1, 2] : vector<1x256x512xf32> to vector<1xf32>
    %reduce_sum3A_60 = vector.shape_cast %reduce_sum3A_59 : vector<1xf32> to vector<1x1x1xf32>
    %reduce_sum3A_61 = vector.extract %reduce_sum3A_60[0, 0, 0] : f32 from vector<1x1x1xf32>
    %add3A_62 = arith.addf %reduce_sum3A_36, %reduce_sum3A_42 : f32
    %add3A_63 = arith.addf %add3A_62, %reduce_sum3A_55 : f32
    %add3A_64 = arith.addf %reduce_sum3A_42, %reduce_sum3A_61 : f32
    %slice3A_65 = vector.extract_strided_slice %add3A {offsets = [0], sizes = [16], strides = [1]} : vector<160xf32> to vector<16xf32>
    %reduce_sum3A_66 = vector.shape_cast %slice3A_65 : vector<16xf32> to vector<1x16xf32>
    %reduce_sum3A_67 = arith.constant dense<0.000000e+00> : vector<1xf32>
    %reduce_sum3A_68 = vector.multi_reduction <add>, %reduce_sum3A_66, %reduce_sum3A_67 [1] : vector<1x16xf32> to vector<1xf32>
    %reduce_sum3A_69 = vector.shape_cast %reduce_sum3A_68 : vector<1xf32> to vector<1x1xf32>
    %reduce_sum3A_70 = vector.extract %reduce_sum3A_69[0, 0] : f32 from vector<1x1xf32>
    %add3A_71 = arith.addf %reduce_sum3A_70, %reduce_sum3A_49 : f32
    %slice3A_72 = vector.extract_strided_slice %add3A_18 {offsets = [32], sizes = [16], strides = [1]} : vector<320xf32> to vector<16xf32>
    %reduce_sum3A_73 = vector.shape_cast %slice3A_72 : vector<16xf32> to vector<1x16xf32>
    %reduce_sum3A_74 = arith.constant dense<0.000000e+00> : vector<1xf32>
    %reduce_sum3A_75 = vector.multi_reduction <add>, %reduce_sum3A_73, %reduce_sum3A_74 [1] : vector<1x16xf32> to vector<1xf32>
    %reduce_sum3A_76 = vector.shape_cast %reduce_sum3A_75 : vector<1xf32> to vector<1x1xf32>
    %reduce_sum3A_77 = vector.extract %reduce_sum3A_76[0, 0] : f32 from vector<1x1xf32>
    %slice3A_78 = vector.extract_strided_slice %add3A_18 {offsets = [48], sizes = [16], strides = [1]} : vector<320xf32> to vector<16xf32>
    %reduce_sum3A_79 = vector.shape_cast %slice3A_78 : vector<16xf32> to vector<1x16xf32>
    %reduce_sum3A_80 = arith.constant dense<0.000000e+00> : vector<1xf32>
    %reduce_sum3A_81 = vector.multi_reduction <add>, %reduce_sum3A_79, %reduce_sum3A_80 [1] : vector<1x16xf32> to vector<1xf32>
    %reduce_sum3A_82 = vector.shape_cast %reduce_sum3A_81 : vector<1xf32> to vector<1x1xf32>
    %reduce_sum3A_83 = vector.extract %reduce_sum3A_82[0, 0] : f32 from vector<1x1xf32>
    %eq3A_84 = arith.constant 1 : i32
    %eq3A_85 = vector.broadcast %eq3A_84 : i32 to vector<256x512xi32>
    %eq3A_86 = arith.cmpi eq, %shift_right_logical3A_28, %eq3A_85 : vector<256x512xi32>
    %select_n3A_87 = arith.select %eq3A_86, %get3A_21, %broadcast_in_dim3A_29 : vector<256x512xi1>, vector<256x512xf32>
    %reduce_sum3A_88 = vector.shape_cast %select_n3A_87 : vector<256x512xf32> to vector<1x256x512xf32>
    %reduce_sum3A_89 = arith.constant dense<0.000000e+00> : vector<1xf32>
    %reduce_sum3A_90 = vector.multi_reduction <add>, %reduce_sum3A_88, %reduce_sum3A_89 [1, 2] : vector<1x256x512xf32> to vector<1xf32>
    %reduce_sum3A_91 = vector.shape_cast %reduce_sum3A_90 : vector<1xf32> to vector<1x1x1xf32>
    %reduce_sum3A_92 = vector.extract %reduce_sum3A_91[0, 0, 0] : f32 from vector<1x1x1xf32>
    %select_n3A_93 = arith.select %eq3A_86, %broadcast_in_dim3A_31, %broadcast_in_dim3A_29 : vector<256x512xi1>, vector<256x512xf32>
    %reduce_sum3A_94 = vector.shape_cast %select_n3A_93 : vector<256x512xf32> to vector<1x256x512xf32>
    %reduce_sum3A_95 = arith.constant dense<0.000000e+00> : vector<1xf32>
    %reduce_sum3A_96 = vector.multi_reduction <add>, %reduce_sum3A_94, %reduce_sum3A_95 [1, 2] : vector<1x256x512xf32> to vector<1xf32>
    %reduce_sum3A_97 = vector.shape_cast %reduce_sum3A_96 : vector<1xf32> to vector<1x1x1xf32>
    %reduce_sum3A_98 = vector.extract %reduce_sum3A_97[0, 0, 0] : f32 from vector<1x1x1xf32>
    %select_n3A_99 = arith.select %eq3A_86, %convert_element_type3A, %broadcast_in_dim3A_29 : vector<256x512xi1>, vector<256x512xf32>
    %reduce_sum3A_100 = vector.shape_cast %select_n3A_99 : vector<256x512xf32> to vector<1x256x512xf32>
    %reduce_sum3A_101 = arith.constant dense<0.000000e+00> : vector<1xf32>
    %reduce_sum3A_102 = vector.multi_reduction <add>, %reduce_sum3A_100, %reduce_sum3A_101 [1, 2] : vector<1x256x512xf32> to vector<1xf32>
    %reduce_sum3A_103 = vector.shape_cast %reduce_sum3A_102 : vector<1xf32> to vector<1x1x1xf32>
    %reduce_sum3A_104 = vector.extract %reduce_sum3A_103[0, 0, 0] : f32 from vector<1x1x1xf32>
    %add3A_105 = arith.addf %reduce_sum3A_77, %reduce_sum3A_83 : f32
    %add3A_106 = arith.addf %add3A_105, %reduce_sum3A_98 : f32
    %add3A_107 = arith.addf %reduce_sum3A_83, %reduce_sum3A_104 : f32
    %slice3A_108 = vector.extract_strided_slice %add3A {offsets = [16], sizes = [16], strides = [1]} : vector<160xf32> to vector<16xf32>
    %reduce_sum3A_109 = vector.shape_cast %slice3A_108 : vector<16xf32> to vector<1x16xf32>
    %reduce_sum3A_110 = arith.constant dense<0.000000e+00> : vector<1xf32>
    %reduce_sum3A_111 = vector.multi_reduction <add>, %reduce_sum3A_109, %reduce_sum3A_110 [1] : vector<1x16xf32> to vector<1xf32>
    %reduce_sum3A_112 = vector.shape_cast %reduce_sum3A_111 : vector<1xf32> to vector<1x1xf32>
    %reduce_sum3A_113 = vector.extract %reduce_sum3A_112[0, 0] : f32 from vector<1x1xf32>
    %add3A_114 = arith.addf %reduce_sum3A_113, %reduce_sum3A_92 : f32
    %slice3A_115 = vector.extract_strided_slice %add3A_18 {offsets = [64], sizes = [16], strides = [1]} : vector<320xf32> to vector<16xf32>
    %reduce_sum3A_116 = vector.shape_cast %slice3A_115 : vector<16xf32> to vector<1x16xf32>
    %reduce_sum3A_117 = arith.constant dense<0.000000e+00> : vector<1xf32>
    %reduce_sum3A_118 = vector.multi_reduction <add>, %reduce_sum3A_116, %reduce_sum3A_117 [1] : vector<1x16xf32> to vector<1xf32>
    %reduce_sum3A_119 = vector.shape_cast %reduce_sum3A_118 : vector<1xf32> to vector<1x1xf32>
    %reduce_sum3A_120 = vector.extract %reduce_sum3A_119[0, 0] : f32 from vector<1x1xf32>
    %slice3A_121 = vector.extract_strided_slice %add3A_18 {offsets = [80], sizes = [16], strides = [1]} : vector<320xf32> to vector<16xf32>
    %reduce_sum3A_122 = vector.shape_cast %slice3A_121 : vector<16xf32> to vector<1x16xf32>
    %reduce_sum3A_123 = arith.constant dense<0.000000e+00> : vector<1xf32>
    %reduce_sum3A_124 = vector.multi_reduction <add>, %reduce_sum3A_122, %reduce_sum3A_123 [1] : vector<1x16xf32> to vector<1xf32>
    %reduce_sum3A_125 = vector.shape_cast %reduce_sum3A_124 : vector<1xf32> to vector<1x1xf32>
    %reduce_sum3A_126 = vector.extract %reduce_sum3A_125[0, 0] : f32 from vector<1x1xf32>
    %eq3A_127 = arith.constant 2 : i32
    %eq3A_128 = vector.broadcast %eq3A_127 : i32 to vector<256x512xi32>
    %eq3A_129 = arith.cmpi eq, %shift_right_logical3A_28, %eq3A_128 : vector<256x512xi32>
    %select_n3A_130 = arith.select %eq3A_129, %get3A_21, %broadcast_in_dim3A_29 : vector<256x512xi1>, vector<256x512xf32>
    %reduce_sum3A_131 = vector.shape_cast %select_n3A_130 : vector<256x512xf32> to vector<1x256x512xf32>
    %reduce_sum3A_132 = arith.constant dense<0.000000e+00> : vector<1xf32>
    %reduce_sum3A_133 = vector.multi_reduction <add>, %reduce_sum3A_131, %reduce_sum3A_132 [1, 2] : vector<1x256x512xf32> to vector<1xf32>
    %reduce_sum3A_134 = vector.shape_cast %reduce_sum3A_133 : vector<1xf32> to vector<1x1x1xf32>
    %reduce_sum3A_135 = vector.extract %reduce_sum3A_134[0, 0, 0] : f32 from vector<1x1x1xf32>
    %select_n3A_136 = arith.select %eq3A_129, %broadcast_in_dim3A_31, %broadcast_in_dim3A_29 : vector<256x512xi1>, vector<256x512xf32>
    %reduce_sum3A_137 = vector.shape_cast %select_n3A_136 : vector<256x512xf32> to vector<1x256x512xf32>
    %reduce_sum3A_138 = arith.constant dense<0.000000e+00> : vector<1xf32>
    %reduce_sum3A_139 = vector.multi_reduction <add>, %reduce_sum3A_137, %reduce_sum3A_138 [1, 2] : vector<1x256x512xf32> to vector<1xf32>
    %reduce_sum3A_140 = vector.shape_cast %reduce_sum3A_139 : vector<1xf32> to vector<1x1x1xf32>
    %reduce_sum3A_141 = vector.extract %reduce_sum3A_140[0, 0, 0] : f32 from vector<1x1x1xf32>
    %select_n3A_142 = arith.select %eq3A_129, %convert_element_type3A, %broadcast_in_dim3A_29 : vector<256x512xi1>, vector<256x512xf32>
    %reduce_sum3A_143 = vector.shape_cast %select_n3A_142 : vector<256x512xf32> to vector<1x256x512xf32>
    %reduce_sum3A_144 = arith.constant dense<0.000000e+00> : vector<1xf32>
    %reduce_sum3A_145 = vector.multi_reduction <add>, %reduce_sum3A_143, %reduce_sum3A_144 [1, 2] : vector<1x256x512xf32> to vector<1xf32>
    %reduce_sum3A_146 = vector.shape_cast %reduce_sum3A_145 : vector<1xf32> to vector<1x1x1xf32>
    %reduce_sum3A_147 = vector.extract %reduce_sum3A_146[0, 0, 0] : f32 from vector<1x1x1xf32>
    %add3A_148 = arith.addf %reduce_sum3A_120, %reduce_sum3A_126 : f32
    %add3A_149 = arith.addf %add3A_148, %reduce_sum3A_141 : f32
    %add3A_150 = arith.addf %reduce_sum3A_126, %reduce_sum3A_147 : f32
    %slice3A_151 = vector.extract_strided_slice %add3A {offsets = [32], sizes = [16], strides = [1]} : vector<160xf32> to vector<16xf32>
    %reduce_sum3A_152 = vector.shape_cast %slice3A_151 : vector<16xf32> to vector<1x16xf32>
    %reduce_sum3A_153 = arith.constant dense<0.000000e+00> : vector<1xf32>
    %reduce_sum3A_154 = vector.multi_reduction <add>, %reduce_sum3A_152, %reduce_sum3A_153 [1] : vector<1x16xf32> to vector<1xf32>
    %reduce_sum3A_155 = vector.shape_cast %reduce_sum3A_154 : vector<1xf32> to vector<1x1xf32>
    %reduce_sum3A_156 = vector.extract %reduce_sum3A_155[0, 0] : f32 from vector<1x1xf32>
    %add3A_157 = arith.addf %reduce_sum3A_156, %reduce_sum3A_135 : f32
    %slice3A_158 = vector.extract_strided_slice %add3A_18 {offsets = [96], sizes = [16], strides = [1]} : vector<320xf32> to vector<16xf32>
    %reduce_sum3A_159 = vector.shape_cast %slice3A_158 : vector<16xf32> to vector<1x16xf32>
    %reduce_sum3A_160 = arith.constant dense<0.000000e+00> : vector<1xf32>
    %reduce_sum3A_161 = vector.multi_reduction <add>, %reduce_sum3A_159, %reduce_sum3A_160 [1] : vector<1x16xf32> to vector<1xf32>
    %reduce_sum3A_162 = vector.shape_cast %reduce_sum3A_161 : vector<1xf32> to vector<1x1xf32>
    %reduce_sum3A_163 = vector.extract %reduce_sum3A_162[0, 0] : f32 from vector<1x1xf32>
    %slice3A_164 = vector.extract_strided_slice %add3A_18 {offsets = [112], sizes = [16], strides = [1]} : vector<320xf32> to vector<16xf32>
    %reduce_sum3A_165 = vector.shape_cast %slice3A_164 : vector<16xf32> to vector<1x16xf32>
    %reduce_sum3A_166 = arith.constant dense<0.000000e+00> : vector<1xf32>
    %reduce_sum3A_167 = vector.multi_reduction <add>, %reduce_sum3A_165, %reduce_sum3A_166 [1] : vector<1x16xf32> to vector<1xf32>
    %reduce_sum3A_168 = vector.shape_cast %reduce_sum3A_167 : vector<1xf32> to vector<1x1xf32>
    %reduce_sum3A_169 = vector.extract %reduce_sum3A_168[0, 0] : f32 from vector<1x1xf32>
    %eq3A_170 = arith.constant 3 : i32
    %eq3A_171 = vector.broadcast %eq3A_170 : i32 to vector<256x512xi32>
    %eq3A_172 = arith.cmpi eq, %shift_right_logical3A_28, %eq3A_171 : vector<256x512xi32>
    %select_n3A_173 = arith.select %eq3A_172, %get3A_21, %broadcast_in_dim3A_29 : vector<256x512xi1>, vector<256x512xf32>
    %reduce_sum3A_174 = vector.shape_cast %select_n3A_173 : vector<256x512xf32> to vector<1x256x512xf32>
    %reduce_sum3A_175 = arith.constant dense<0.000000e+00> : vector<1xf32>
    %reduce_sum3A_176 = vector.multi_reduction <add>, %reduce_sum3A_174, %reduce_sum3A_175 [1, 2] : vector<1x256x512xf32> to vector<1xf32>
    %reduce_sum3A_177 = vector.shape_cast %reduce_sum3A_176 : vector<1xf32> to vector<1x1x1xf32>
    %reduce_sum3A_178 = vector.extract %reduce_sum3A_177[0, 0, 0] : f32 from vector<1x1x1xf32>
    %select_n3A_179 = arith.select %eq3A_172, %broadcast_in_dim3A_31, %broadcast_in_dim3A_29 : vector<256x512xi1>, vector<256x512xf32>
    %reduce_sum3A_180 = vector.shape_cast %select_n3A_179 : vector<256x512xf32> to vector<1x256x512xf32>
    %reduce_sum3A_181 = arith.constant dense<0.000000e+00> : vector<1xf32>
    %reduce_sum3A_182 = vector.multi_reduction <add>, %reduce_sum3A_180, %reduce_sum3A_181 [1, 2] : vector<1x256x512xf32> to vector<1xf32>
    %reduce_sum3A_183 = vector.shape_cast %reduce_sum3A_182 : vector<1xf32> to vector<1x1x1xf32>
    %reduce_sum3A_184 = vector.extract %reduce_sum3A_183[0, 0, 0] : f32 from vector<1x1x1xf32>
    %select_n3A_185 = arith.select %eq3A_172, %convert_element_type3A, %broadcast_in_dim3A_29 : vector<256x512xi1>, vector<256x512xf32>
    %reduce_sum3A_186 = vector.shape_cast %select_n3A_185 : vector<256x512xf32> to vector<1x256x512xf32>
    %reduce_sum3A_187 = arith.constant dense<0.000000e+00> : vector<1xf32>
    %reduce_sum3A_188 = vector.multi_reduction <add>, %reduce_sum3A_186, %reduce_sum3A_187 [1, 2] : vector<1x256x512xf32> to vector<1xf32>
    %reduce_sum3A_189 = vector.shape_cast %reduce_sum3A_188 : vector<1xf32> to vector<1x1x1xf32>
    %reduce_sum3A_190 = vector.extract %reduce_sum3A_189[0, 0, 0] : f32 from vector<1x1x1xf32>
    %add3A_191 = arith.addf %reduce_sum3A_163, %reduce_sum3A_169 : f32
    %add3A_192 = arith.addf %add3A_191, %reduce_sum3A_184 : f32
    %add3A_193 = arith.addf %reduce_sum3A_169, %reduce_sum3A_190 : f32
    %slice3A_194 = vector.extract_strided_slice %add3A {offsets = [48], sizes = [16], strides = [1]} : vector<160xf32> to vector<16xf32>
    %reduce_sum3A_195 = vector.shape_cast %slice3A_194 : vector<16xf32> to vector<1x16xf32>
    %reduce_sum3A_196 = arith.constant dense<0.000000e+00> : vector<1xf32>
    %reduce_sum3A_197 = vector.multi_reduction <add>, %reduce_sum3A_195, %reduce_sum3A_196 [1] : vector<1x16xf32> to vector<1xf32>
    %reduce_sum3A_198 = vector.shape_cast %reduce_sum3A_197 : vector<1xf32> to vector<1x1xf32>
    %reduce_sum3A_199 = vector.extract %reduce_sum3A_198[0, 0] : f32 from vector<1x1xf32>
    %add3A_200 = arith.addf %reduce_sum3A_199, %reduce_sum3A_178 : f32
    %slice3A_201 = vector.extract_strided_slice %add3A_18 {offsets = [128], sizes = [16], strides = [1]} : vector<320xf32> to vector<16xf32>
    %reduce_sum3A_202 = vector.shape_cast %slice3A_201 : vector<16xf32> to vector<1x16xf32>
    %reduce_sum3A_203 = arith.constant dense<0.000000e+00> : vector<1xf32>
    %reduce_sum3A_204 = vector.multi_reduction <add>, %reduce_sum3A_202, %reduce_sum3A_203 [1] : vector<1x16xf32> to vector<1xf32>
    %reduce_sum3A_205 = vector.shape_cast %reduce_sum3A_204 : vector<1xf32> to vector<1x1xf32>
    %reduce_sum3A_206 = vector.extract %reduce_sum3A_205[0, 0] : f32 from vector<1x1xf32>
    %slice3A_207 = vector.extract_strided_slice %add3A_18 {offsets = [144], sizes = [16], strides = [1]} : vector<320xf32> to vector<16xf32>
    %reduce_sum3A_208 = vector.shape_cast %slice3A_207 : vector<16xf32> to vector<1x16xf32>
    %reduce_sum3A_209 = arith.constant dense<0.000000e+00> : vector<1xf32>
    %reduce_sum3A_210 = vector.multi_reduction <add>, %reduce_sum3A_208, %reduce_sum3A_209 [1] : vector<1x16xf32> to vector<1xf32>
    %reduce_sum3A_211 = vector.shape_cast %reduce_sum3A_210 : vector<1xf32> to vector<1x1xf32>
    %reduce_sum3A_212 = vector.extract %reduce_sum3A_211[0, 0] : f32 from vector<1x1xf32>
    %eq3A_213 = arith.constant 4 : i32
    %eq3A_214 = vector.broadcast %eq3A_213 : i32 to vector<256x512xi32>
    %eq3A_215 = arith.cmpi eq, %shift_right_logical3A_28, %eq3A_214 : vector<256x512xi32>
    %select_n3A_216 = arith.select %eq3A_215, %get3A_21, %broadcast_in_dim3A_29 : vector<256x512xi1>, vector<256x512xf32>
    %reduce_sum3A_217 = vector.shape_cast %select_n3A_216 : vector<256x512xf32> to vector<1x256x512xf32>
    %reduce_sum3A_218 = arith.constant dense<0.000000e+00> : vector<1xf32>
    %reduce_sum3A_219 = vector.multi_reduction <add>, %reduce_sum3A_217, %reduce_sum3A_218 [1, 2] : vector<1x256x512xf32> to vector<1xf32>
    %reduce_sum3A_220 = vector.shape_cast %reduce_sum3A_219 : vector<1xf32> to vector<1x1x1xf32>
    %reduce_sum3A_221 = vector.extract %reduce_sum3A_220[0, 0, 0] : f32 from vector<1x1x1xf32>
    %select_n3A_222 = arith.select %eq3A_215, %broadcast_in_dim3A_31, %broadcast_in_dim3A_29 : vector<256x512xi1>, vector<256x512xf32>
    %reduce_sum3A_223 = vector.shape_cast %select_n3A_222 : vector<256x512xf32> to vector<1x256x512xf32>
    %reduce_sum3A_224 = arith.constant dense<0.000000e+00> : vector<1xf32>
    %reduce_sum3A_225 = vector.multi_reduction <add>, %reduce_sum3A_223, %reduce_sum3A_224 [1, 2] : vector<1x256x512xf32> to vector<1xf32>
    %reduce_sum3A_226 = vector.shape_cast %reduce_sum3A_225 : vector<1xf32> to vector<1x1x1xf32>
    %reduce_sum3A_227 = vector.extract %reduce_sum3A_226[0, 0, 0] : f32 from vector<1x1x1xf32>
    %select_n3A_228 = arith.select %eq3A_215, %convert_element_type3A, %broadcast_in_dim3A_29 : vector<256x512xi1>, vector<256x512xf32>
    %reduce_sum3A_229 = vector.shape_cast %select_n3A_228 : vector<256x512xf32> to vector<1x256x512xf32>
    %reduce_sum3A_230 = arith.constant dense<0.000000e+00> : vector<1xf32>
    %reduce_sum3A_231 = vector.multi_reduction <add>, %reduce_sum3A_229, %reduce_sum3A_230 [1, 2] : vector<1x256x512xf32> to vector<1xf32>
    %reduce_sum3A_232 = vector.shape_cast %reduce_sum3A_231 : vector<1xf32> to vector<1x1x1xf32>
    %reduce_sum3A_233 = vector.extract %reduce_sum3A_232[0, 0, 0] : f32 from vector<1x1x1xf32>
    %add3A_234 = arith.addf %reduce_sum3A_206, %reduce_sum3A_212 : f32
    %add3A_235 = arith.addf %add3A_234, %reduce_sum3A_227 : f32
    %add3A_236 = arith.addf %reduce_sum3A_212, %reduce_sum3A_233 : f32
    %slice3A_237 = vector.extract_strided_slice %add3A {offsets = [64], sizes = [16], strides = [1]} : vector<160xf32> to vector<16xf32>
    %reduce_sum3A_238 = vector.shape_cast %slice3A_237 : vector<16xf32> to vector<1x16xf32>
    %reduce_sum3A_239 = arith.constant dense<0.000000e+00> : vector<1xf32>
    %reduce_sum3A_240 = vector.multi_reduction <add>, %reduce_sum3A_238, %reduce_sum3A_239 [1] : vector<1x16xf32> to vector<1xf32>
    %reduce_sum3A_241 = vector.shape_cast %reduce_sum3A_240 : vector<1xf32> to vector<1x1xf32>
    %reduce_sum3A_242 = vector.extract %reduce_sum3A_241[0, 0] : f32 from vector<1x1xf32>
    %add3A_243 = arith.addf %reduce_sum3A_242, %reduce_sum3A_221 : f32
    %slice3A_244 = vector.extract_strided_slice %add3A_18 {offsets = [160], sizes = [16], strides = [1]} : vector<320xf32> to vector<16xf32>
    %reduce_sum3A_245 = vector.shape_cast %slice3A_244 : vector<16xf32> to vector<1x16xf32>
    %reduce_sum3A_246 = arith.constant dense<0.000000e+00> : vector<1xf32>
    %reduce_sum3A_247 = vector.multi_reduction <add>, %reduce_sum3A_245, %reduce_sum3A_246 [1] : vector<1x16xf32> to vector<1xf32>
    %reduce_sum3A_248 = vector.shape_cast %reduce_sum3A_247 : vector<1xf32> to vector<1x1xf32>
    %reduce_sum3A_249 = vector.extract %reduce_sum3A_248[0, 0] : f32 from vector<1x1xf32>
    %slice3A_250 = vector.extract_strided_slice %add3A_18 {offsets = [176], sizes = [16], strides = [1]} : vector<320xf32> to vector<16xf32>
    %reduce_sum3A_251 = vector.shape_cast %slice3A_250 : vector<16xf32> to vector<1x16xf32>
    %reduce_sum3A_252 = arith.constant dense<0.000000e+00> : vector<1xf32>
    %reduce_sum3A_253 = vector.multi_reduction <add>, %reduce_sum3A_251, %reduce_sum3A_252 [1] : vector<1x16xf32> to vector<1xf32>
    %reduce_sum3A_254 = vector.shape_cast %reduce_sum3A_253 : vector<1xf32> to vector<1x1xf32>
    %reduce_sum3A_255 = vector.extract %reduce_sum3A_254[0, 0] : f32 from vector<1x1xf32>
    %eq3A_256 = arith.constant 5 : i32
    %eq3A_257 = vector.broadcast %eq3A_256 : i32 to vector<256x512xi32>
    %eq3A_258 = arith.cmpi eq, %shift_right_logical3A_28, %eq3A_257 : vector<256x512xi32>
    %select_n3A_259 = arith.select %eq3A_258, %get3A_21, %broadcast_in_dim3A_29 : vector<256x512xi1>, vector<256x512xf32>
    %reduce_sum3A_260 = vector.shape_cast %select_n3A_259 : vector<256x512xf32> to vector<1x256x512xf32>
    %reduce_sum3A_261 = arith.constant dense<0.000000e+00> : vector<1xf32>
    %reduce_sum3A_262 = vector.multi_reduction <add>, %reduce_sum3A_260, %reduce_sum3A_261 [1, 2] : vector<1x256x512xf32> to vector<1xf32>
    %reduce_sum3A_263 = vector.shape_cast %reduce_sum3A_262 : vector<1xf32> to vector<1x1x1xf32>
    %reduce_sum3A_264 = vector.extract %reduce_sum3A_263[0, 0, 0] : f32 from vector<1x1x1xf32>
    %select_n3A_265 = arith.select %eq3A_258, %broadcast_in_dim3A_31, %broadcast_in_dim3A_29 : vector<256x512xi1>, vector<256x512xf32>
    %reduce_sum3A_266 = vector.shape_cast %select_n3A_265 : vector<256x512xf32> to vector<1x256x512xf32>
    %reduce_sum3A_267 = arith.constant dense<0.000000e+00> : vector<1xf32>
    %reduce_sum3A_268 = vector.multi_reduction <add>, %reduce_sum3A_266, %reduce_sum3A_267 [1, 2] : vector<1x256x512xf32> to vector<1xf32>
    %reduce_sum3A_269 = vector.shape_cast %reduce_sum3A_268 : vector<1xf32> to vector<1x1x1xf32>
    %reduce_sum3A_270 = vector.extract %reduce_sum3A_269[0, 0, 0] : f32 from vector<1x1x1xf32>
    %select_n3A_271 = arith.select %eq3A_258, %convert_element_type3A, %broadcast_in_dim3A_29 : vector<256x512xi1>, vector<256x512xf32>
    %reduce_sum3A_272 = vector.shape_cast %select_n3A_271 : vector<256x512xf32> to vector<1x256x512xf32>
    %reduce_sum3A_273 = arith.constant dense<0.000000e+00> : vector<1xf32>
    %reduce_sum3A_274 = vector.multi_reduction <add>, %reduce_sum3A_272, %reduce_sum3A_273 [1, 2] : vector<1x256x512xf32> to vector<1xf32>
    %reduce_sum3A_275 = vector.shape_cast %reduce_sum3A_274 : vector<1xf32> to vector<1x1x1xf32>
    %reduce_sum3A_276 = vector.extract %reduce_sum3A_275[0, 0, 0] : f32 from vector<1x1x1xf32>
    %add3A_277 = arith.addf %reduce_sum3A_249, %reduce_sum3A_255 : f32
    %add3A_278 = arith.addf %add3A_277, %reduce_sum3A_270 : f32
    %add3A_279 = arith.addf %reduce_sum3A_255, %reduce_sum3A_276 : f32
    %slice3A_280 = vector.extract_strided_slice %add3A {offsets = [80], sizes = [16], strides = [1]} : vector<160xf32> to vector<16xf32>
    %reduce_sum3A_281 = vector.shape_cast %slice3A_280 : vector<16xf32> to vector<1x16xf32>
    %reduce_sum3A_282 = arith.constant dense<0.000000e+00> : vector<1xf32>
    %reduce_sum3A_283 = vector.multi_reduction <add>, %reduce_sum3A_281, %reduce_sum3A_282 [1] : vector<1x16xf32> to vector<1xf32>
    %reduce_sum3A_284 = vector.shape_cast %reduce_sum3A_283 : vector<1xf32> to vector<1x1xf32>
    %reduce_sum3A_285 = vector.extract %reduce_sum3A_284[0, 0] : f32 from vector<1x1xf32>
    %add3A_286 = arith.addf %reduce_sum3A_285, %reduce_sum3A_264 : f32
    %slice3A_287 = vector.extract_strided_slice %add3A_18 {offsets = [192], sizes = [16], strides = [1]} : vector<320xf32> to vector<16xf32>
    %reduce_sum3A_288 = vector.shape_cast %slice3A_287 : vector<16xf32> to vector<1x16xf32>
    %reduce_sum3A_289 = arith.constant dense<0.000000e+00> : vector<1xf32>
    %reduce_sum3A_290 = vector.multi_reduction <add>, %reduce_sum3A_288, %reduce_sum3A_289 [1] : vector<1x16xf32> to vector<1xf32>
    %reduce_sum3A_291 = vector.shape_cast %reduce_sum3A_290 : vector<1xf32> to vector<1x1xf32>
    %reduce_sum3A_292 = vector.extract %reduce_sum3A_291[0, 0] : f32 from vector<1x1xf32>
    %slice3A_293 = vector.extract_strided_slice %add3A_18 {offsets = [208], sizes = [16], strides = [1]} : vector<320xf32> to vector<16xf32>
    %reduce_sum3A_294 = vector.shape_cast %slice3A_293 : vector<16xf32> to vector<1x16xf32>
    %reduce_sum3A_295 = arith.constant dense<0.000000e+00> : vector<1xf32>
    %reduce_sum3A_296 = vector.multi_reduction <add>, %reduce_sum3A_294, %reduce_sum3A_295 [1] : vector<1x16xf32> to vector<1xf32>
    %reduce_sum3A_297 = vector.shape_cast %reduce_sum3A_296 : vector<1xf32> to vector<1x1xf32>
    %reduce_sum3A_298 = vector.extract %reduce_sum3A_297[0, 0] : f32 from vector<1x1xf32>
    %eq3A_299 = arith.constant 6 : i32
    %eq3A_300 = vector.broadcast %eq3A_299 : i32 to vector<256x512xi32>
    %eq3A_301 = arith.cmpi eq, %shift_right_logical3A_28, %eq3A_300 : vector<256x512xi32>
    %select_n3A_302 = arith.select %eq3A_301, %get3A_21, %broadcast_in_dim3A_29 : vector<256x512xi1>, vector<256x512xf32>
    %reduce_sum3A_303 = vector.shape_cast %select_n3A_302 : vector<256x512xf32> to vector<1x256x512xf32>
    %reduce_sum3A_304 = arith.constant dense<0.000000e+00> : vector<1xf32>
    %reduce_sum3A_305 = vector.multi_reduction <add>, %reduce_sum3A_303, %reduce_sum3A_304 [1, 2] : vector<1x256x512xf32> to vector<1xf32>
    %reduce_sum3A_306 = vector.shape_cast %reduce_sum3A_305 : vector<1xf32> to vector<1x1x1xf32>
    %reduce_sum3A_307 = vector.extract %reduce_sum3A_306[0, 0, 0] : f32 from vector<1x1x1xf32>
    %select_n3A_308 = arith.select %eq3A_301, %broadcast_in_dim3A_31, %broadcast_in_dim3A_29 : vector<256x512xi1>, vector<256x512xf32>
    %reduce_sum3A_309 = vector.shape_cast %select_n3A_308 : vector<256x512xf32> to vector<1x256x512xf32>
    %reduce_sum3A_310 = arith.constant dense<0.000000e+00> : vector<1xf32>
    %reduce_sum3A_311 = vector.multi_reduction <add>, %reduce_sum3A_309, %reduce_sum3A_310 [1, 2] : vector<1x256x512xf32> to vector<1xf32>
    %reduce_sum3A_312 = vector.shape_cast %reduce_sum3A_311 : vector<1xf32> to vector<1x1x1xf32>
    %reduce_sum3A_313 = vector.extract %reduce_sum3A_312[0, 0, 0] : f32 from vector<1x1x1xf32>
    %select_n3A_314 = arith.select %eq3A_301, %convert_element_type3A, %broadcast_in_dim3A_29 : vector<256x512xi1>, vector<256x512xf32>
    %reduce_sum3A_315 = vector.shape_cast %select_n3A_314 : vector<256x512xf32> to vector<1x256x512xf32>
    %reduce_sum3A_316 = arith.constant dense<0.000000e+00> : vector<1xf32>
    %reduce_sum3A_317 = vector.multi_reduction <add>, %reduce_sum3A_315, %reduce_sum3A_316 [1, 2] : vector<1x256x512xf32> to vector<1xf32>
    %reduce_sum3A_318 = vector.shape_cast %reduce_sum3A_317 : vector<1xf32> to vector<1x1x1xf32>
    %reduce_sum3A_319 = vector.extract %reduce_sum3A_318[0, 0, 0] : f32 from vector<1x1x1xf32>
    %add3A_320 = arith.addf %reduce_sum3A_292, %reduce_sum3A_298 : f32
    %add3A_321 = arith.addf %add3A_320, %reduce_sum3A_313 : f32
    %add3A_322 = arith.addf %reduce_sum3A_298, %reduce_sum3A_319 : f32
    %slice3A_323 = vector.extract_strided_slice %add3A {offsets = [96], sizes = [16], strides = [1]} : vector<160xf32> to vector<16xf32>
    %reduce_sum3A_324 = vector.shape_cast %slice3A_323 : vector<16xf32> to vector<1x16xf32>
    %reduce_sum3A_325 = arith.constant dense<0.000000e+00> : vector<1xf32>
    %reduce_sum3A_326 = vector.multi_reduction <add>, %reduce_sum3A_324, %reduce_sum3A_325 [1] : vector<1x16xf32> to vector<1xf32>
    %reduce_sum3A_327 = vector.shape_cast %reduce_sum3A_326 : vector<1xf32> to vector<1x1xf32>
    %reduce_sum3A_328 = vector.extract %reduce_sum3A_327[0, 0] : f32 from vector<1x1xf32>
    %add3A_329 = arith.addf %reduce_sum3A_328, %reduce_sum3A_307 : f32
    %slice3A_330 = vector.extract_strided_slice %add3A_18 {offsets = [224], sizes = [16], strides = [1]} : vector<320xf32> to vector<16xf32>
    %reduce_sum3A_331 = vector.shape_cast %slice3A_330 : vector<16xf32> to vector<1x16xf32>
    %reduce_sum3A_332 = arith.constant dense<0.000000e+00> : vector<1xf32>
    %reduce_sum3A_333 = vector.multi_reduction <add>, %reduce_sum3A_331, %reduce_sum3A_332 [1] : vector<1x16xf32> to vector<1xf32>
    %reduce_sum3A_334 = vector.shape_cast %reduce_sum3A_333 : vector<1xf32> to vector<1x1xf32>
    %reduce_sum3A_335 = vector.extract %reduce_sum3A_334[0, 0] : f32 from vector<1x1xf32>
    %slice3A_336 = vector.extract_strided_slice %add3A_18 {offsets = [240], sizes = [16], strides = [1]} : vector<320xf32> to vector<16xf32>
    %reduce_sum3A_337 = vector.shape_cast %slice3A_336 : vector<16xf32> to vector<1x16xf32>
    %reduce_sum3A_338 = arith.constant dense<0.000000e+00> : vector<1xf32>
    %reduce_sum3A_339 = vector.multi_reduction <add>, %reduce_sum3A_337, %reduce_sum3A_338 [1] : vector<1x16xf32> to vector<1xf32>
    %reduce_sum3A_340 = vector.shape_cast %reduce_sum3A_339 : vector<1xf32> to vector<1x1xf32>
    %reduce_sum3A_341 = vector.extract %reduce_sum3A_340[0, 0] : f32 from vector<1x1xf32>
    %eq3A_342 = arith.constant 7 : i32
    %eq3A_343 = vector.broadcast %eq3A_342 : i32 to vector<256x512xi32>
    %eq3A_344 = arith.cmpi eq, %shift_right_logical3A_28, %eq3A_343 : vector<256x512xi32>
    %select_n3A_345 = arith.select %eq3A_344, %get3A_21, %broadcast_in_dim3A_29 : vector<256x512xi1>, vector<256x512xf32>
    %reduce_sum3A_346 = vector.shape_cast %select_n3A_345 : vector<256x512xf32> to vector<1x256x512xf32>
    %reduce_sum3A_347 = arith.constant dense<0.000000e+00> : vector<1xf32>
    %reduce_sum3A_348 = vector.multi_reduction <add>, %reduce_sum3A_346, %reduce_sum3A_347 [1, 2] : vector<1x256x512xf32> to vector<1xf32>
    %reduce_sum3A_349 = vector.shape_cast %reduce_sum3A_348 : vector<1xf32> to vector<1x1x1xf32>
    %reduce_sum3A_350 = vector.extract %reduce_sum3A_349[0, 0, 0] : f32 from vector<1x1x1xf32>
    %select_n3A_351 = arith.select %eq3A_344, %broadcast_in_dim3A_31, %broadcast_in_dim3A_29 : vector<256x512xi1>, vector<256x512xf32>
    %reduce_sum3A_352 = vector.shape_cast %select_n3A_351 : vector<256x512xf32> to vector<1x256x512xf32>
    %reduce_sum3A_353 = arith.constant dense<0.000000e+00> : vector<1xf32>
    %reduce_sum3A_354 = vector.multi_reduction <add>, %reduce_sum3A_352, %reduce_sum3A_353 [1, 2] : vector<1x256x512xf32> to vector<1xf32>
    %reduce_sum3A_355 = vector.shape_cast %reduce_sum3A_354 : vector<1xf32> to vector<1x1x1xf32>
    %reduce_sum3A_356 = vector.extract %reduce_sum3A_355[0, 0, 0] : f32 from vector<1x1x1xf32>
    %select_n3A_357 = arith.select %eq3A_344, %convert_element_type3A, %broadcast_in_dim3A_29 : vector<256x512xi1>, vector<256x512xf32>
    %reduce_sum3A_358 = vector.shape_cast %select_n3A_357 : vector<256x512xf32> to vector<1x256x512xf32>
    %reduce_sum3A_359 = arith.constant dense<0.000000e+00> : vector<1xf32>
    %reduce_sum3A_360 = vector.multi_reduction <add>, %reduce_sum3A_358, %reduce_sum3A_359 [1, 2] : vector<1x256x512xf32> to vector<1xf32>
    %reduce_sum3A_361 = vector.shape_cast %reduce_sum3A_360 : vector<1xf32> to vector<1x1x1xf32>
    %reduce_sum3A_362 = vector.extract %reduce_sum3A_361[0, 0, 0] : f32 from vector<1x1x1xf32>
    %add3A_363 = arith.addf %reduce_sum3A_335, %reduce_sum3A_341 : f32
    %add3A_364 = arith.addf %add3A_363, %reduce_sum3A_356 : f32
    %add3A_365 = arith.addf %reduce_sum3A_341, %reduce_sum3A_362 : f32
    %slice3A_366 = vector.extract_strided_slice %add3A {offsets = [112], sizes = [16], strides = [1]} : vector<160xf32> to vector<16xf32>
    %reduce_sum3A_367 = vector.shape_cast %slice3A_366 : vector<16xf32> to vector<1x16xf32>
    %reduce_sum3A_368 = arith.constant dense<0.000000e+00> : vector<1xf32>
    %reduce_sum3A_369 = vector.multi_reduction <add>, %reduce_sum3A_367, %reduce_sum3A_368 [1] : vector<1x16xf32> to vector<1xf32>
    %reduce_sum3A_370 = vector.shape_cast %reduce_sum3A_369 : vector<1xf32> to vector<1x1xf32>
    %reduce_sum3A_371 = vector.extract %reduce_sum3A_370[0, 0] : f32 from vector<1x1xf32>
    %add3A_372 = arith.addf %reduce_sum3A_371, %reduce_sum3A_350 : f32
    %slice3A_373 = vector.extract_strided_slice %add3A_18 {offsets = [256], sizes = [16], strides = [1]} : vector<320xf32> to vector<16xf32>
    %reduce_sum3A_374 = vector.shape_cast %slice3A_373 : vector<16xf32> to vector<1x16xf32>
    %reduce_sum3A_375 = arith.constant dense<0.000000e+00> : vector<1xf32>
    %reduce_sum3A_376 = vector.multi_reduction <add>, %reduce_sum3A_374, %reduce_sum3A_375 [1] : vector<1x16xf32> to vector<1xf32>
    %reduce_sum3A_377 = vector.shape_cast %reduce_sum3A_376 : vector<1xf32> to vector<1x1xf32>
    %reduce_sum3A_378 = vector.extract %reduce_sum3A_377[0, 0] : f32 from vector<1x1xf32>
    %slice3A_379 = vector.extract_strided_slice %add3A_18 {offsets = [272], sizes = [16], strides = [1]} : vector<320xf32> to vector<16xf32>
    %reduce_sum3A_380 = vector.shape_cast %slice3A_379 : vector<16xf32> to vector<1x16xf32>
    %reduce_sum3A_381 = arith.constant dense<0.000000e+00> : vector<1xf32>
    %reduce_sum3A_382 = vector.multi_reduction <add>, %reduce_sum3A_380, %reduce_sum3A_381 [1] : vector<1x16xf32> to vector<1xf32>
    %reduce_sum3A_383 = vector.shape_cast %reduce_sum3A_382 : vector<1xf32> to vector<1x1xf32>
    %reduce_sum3A_384 = vector.extract %reduce_sum3A_383[0, 0] : f32 from vector<1x1xf32>
    %eq3A_385 = arith.constant 8 : i32
    %eq3A_386 = vector.broadcast %eq3A_385 : i32 to vector<256x512xi32>
    %eq3A_387 = arith.cmpi eq, %shift_right_logical3A_28, %eq3A_386 : vector<256x512xi32>
    %select_n3A_388 = arith.select %eq3A_387, %get3A_21, %broadcast_in_dim3A_29 : vector<256x512xi1>, vector<256x512xf32>
    %reduce_sum3A_389 = vector.shape_cast %select_n3A_388 : vector<256x512xf32> to vector<1x256x512xf32>
    %reduce_sum3A_390 = arith.constant dense<0.000000e+00> : vector<1xf32>
    %reduce_sum3A_391 = vector.multi_reduction <add>, %reduce_sum3A_389, %reduce_sum3A_390 [1, 2] : vector<1x256x512xf32> to vector<1xf32>
    %reduce_sum3A_392 = vector.shape_cast %reduce_sum3A_391 : vector<1xf32> to vector<1x1x1xf32>
    %reduce_sum3A_393 = vector.extract %reduce_sum3A_392[0, 0, 0] : f32 from vector<1x1x1xf32>
    %select_n3A_394 = arith.select %eq3A_387, %broadcast_in_dim3A_31, %broadcast_in_dim3A_29 : vector<256x512xi1>, vector<256x512xf32>
    %reduce_sum3A_395 = vector.shape_cast %select_n3A_394 : vector<256x512xf32> to vector<1x256x512xf32>
    %reduce_sum3A_396 = arith.constant dense<0.000000e+00> : vector<1xf32>
    %reduce_sum3A_397 = vector.multi_reduction <add>, %reduce_sum3A_395, %reduce_sum3A_396 [1, 2] : vector<1x256x512xf32> to vector<1xf32>
    %reduce_sum3A_398 = vector.shape_cast %reduce_sum3A_397 : vector<1xf32> to vector<1x1x1xf32>
    %reduce_sum3A_399 = vector.extract %reduce_sum3A_398[0, 0, 0] : f32 from vector<1x1x1xf32>
    %select_n3A_400 = arith.select %eq3A_387, %convert_element_type3A, %broadcast_in_dim3A_29 : vector<256x512xi1>, vector<256x512xf32>
    %reduce_sum3A_401 = vector.shape_cast %select_n3A_400 : vector<256x512xf32> to vector<1x256x512xf32>
    %reduce_sum3A_402 = arith.constant dense<0.000000e+00> : vector<1xf32>
    %reduce_sum3A_403 = vector.multi_reduction <add>, %reduce_sum3A_401, %reduce_sum3A_402 [1, 2] : vector<1x256x512xf32> to vector<1xf32>
    %reduce_sum3A_404 = vector.shape_cast %reduce_sum3A_403 : vector<1xf32> to vector<1x1x1xf32>
    %reduce_sum3A_405 = vector.extract %reduce_sum3A_404[0, 0, 0] : f32 from vector<1x1x1xf32>
    %add3A_406 = arith.addf %reduce_sum3A_378, %reduce_sum3A_384 : f32
    %add3A_407 = arith.addf %add3A_406, %reduce_sum3A_399 : f32
    %add3A_408 = arith.addf %reduce_sum3A_384, %reduce_sum3A_405 : f32
    %slice3A_409 = vector.extract_strided_slice %add3A {offsets = [128], sizes = [16], strides = [1]} : vector<160xf32> to vector<16xf32>
    %reduce_sum3A_410 = vector.shape_cast %slice3A_409 : vector<16xf32> to vector<1x16xf32>
    %reduce_sum3A_411 = arith.constant dense<0.000000e+00> : vector<1xf32>
    %reduce_sum3A_412 = vector.multi_reduction <add>, %reduce_sum3A_410, %reduce_sum3A_411 [1] : vector<1x16xf32> to vector<1xf32>
    %reduce_sum3A_413 = vector.shape_cast %reduce_sum3A_412 : vector<1xf32> to vector<1x1xf32>
    %reduce_sum3A_414 = vector.extract %reduce_sum3A_413[0, 0] : f32 from vector<1x1xf32>
    %add3A_415 = arith.addf %reduce_sum3A_414, %reduce_sum3A_393 : f32
    %slice3A_416 = vector.extract_strided_slice %add3A_18 {offsets = [288], sizes = [16], strides = [1]} : vector<320xf32> to vector<16xf32>
    %reduce_sum3A_417 = vector.shape_cast %slice3A_416 : vector<16xf32> to vector<1x16xf32>
    %reduce_sum3A_418 = arith.constant dense<0.000000e+00> : vector<1xf32>
    %reduce_sum3A_419 = vector.multi_reduction <add>, %reduce_sum3A_417, %reduce_sum3A_418 [1] : vector<1x16xf32> to vector<1xf32>
    %reduce_sum3A_420 = vector.shape_cast %reduce_sum3A_419 : vector<1xf32> to vector<1x1xf32>
    %reduce_sum3A_421 = vector.extract %reduce_sum3A_420[0, 0] : f32 from vector<1x1xf32>
    %slice3A_422 = vector.extract_strided_slice %add3A_18 {offsets = [304], sizes = [16], strides = [1]} : vector<320xf32> to vector<16xf32>
    %reduce_sum3A_423 = vector.shape_cast %slice3A_422 : vector<16xf32> to vector<1x16xf32>
    %reduce_sum3A_424 = arith.constant dense<0.000000e+00> : vector<1xf32>
    %reduce_sum3A_425 = vector.multi_reduction <add>, %reduce_sum3A_423, %reduce_sum3A_424 [1] : vector<1x16xf32> to vector<1xf32>
    %reduce_sum3A_426 = vector.shape_cast %reduce_sum3A_425 : vector<1xf32> to vector<1x1xf32>
    %reduce_sum3A_427 = vector.extract %reduce_sum3A_426[0, 0] : f32 from vector<1x1xf32>
    %eq3A_428 = arith.constant 9 : i32
    %eq3A_429 = vector.broadcast %eq3A_428 : i32 to vector<256x512xi32>
    %eq3A_430 = arith.cmpi eq, %shift_right_logical3A_28, %eq3A_429 : vector<256x512xi32>
    %select_n3A_431 = arith.select %eq3A_430, %get3A_21, %broadcast_in_dim3A_29 : vector<256x512xi1>, vector<256x512xf32>
    %reduce_sum3A_432 = vector.shape_cast %select_n3A_431 : vector<256x512xf32> to vector<1x256x512xf32>
    %reduce_sum3A_433 = arith.constant dense<0.000000e+00> : vector<1xf32>
    %reduce_sum3A_434 = vector.multi_reduction <add>, %reduce_sum3A_432, %reduce_sum3A_433 [1, 2] : vector<1x256x512xf32> to vector<1xf32>
    %reduce_sum3A_435 = vector.shape_cast %reduce_sum3A_434 : vector<1xf32> to vector<1x1x1xf32>
    %reduce_sum3A_436 = vector.extract %reduce_sum3A_435[0, 0, 0] : f32 from vector<1x1x1xf32>
    %select_n3A_437 = arith.select %eq3A_430, %broadcast_in_dim3A_31, %broadcast_in_dim3A_29 : vector<256x512xi1>, vector<256x512xf32>
    %reduce_sum3A_438 = vector.shape_cast %select_n3A_437 : vector<256x512xf32> to vector<1x256x512xf32>
    %reduce_sum3A_439 = arith.constant dense<0.000000e+00> : vector<1xf32>
    %reduce_sum3A_440 = vector.multi_reduction <add>, %reduce_sum3A_438, %reduce_sum3A_439 [1, 2] : vector<1x256x512xf32> to vector<1xf32>
    %reduce_sum3A_441 = vector.shape_cast %reduce_sum3A_440 : vector<1xf32> to vector<1x1x1xf32>
    %reduce_sum3A_442 = vector.extract %reduce_sum3A_441[0, 0, 0] : f32 from vector<1x1x1xf32>
    %select_n3A_443 = arith.select %eq3A_430, %convert_element_type3A, %broadcast_in_dim3A_29 : vector<256x512xi1>, vector<256x512xf32>
    %reduce_sum3A_444 = vector.shape_cast %select_n3A_443 : vector<256x512xf32> to vector<1x256x512xf32>
    %reduce_sum3A_445 = arith.constant dense<0.000000e+00> : vector<1xf32>
    %reduce_sum3A_446 = vector.multi_reduction <add>, %reduce_sum3A_444, %reduce_sum3A_445 [1, 2] : vector<1x256x512xf32> to vector<1xf32>
    %reduce_sum3A_447 = vector.shape_cast %reduce_sum3A_446 : vector<1xf32> to vector<1x1x1xf32>
    %reduce_sum3A_448 = vector.extract %reduce_sum3A_447[0, 0, 0] : f32 from vector<1x1x1xf32>
    %add3A_449 = arith.addf %reduce_sum3A_421, %reduce_sum3A_427 : f32
    %add3A_450 = arith.addf %add3A_449, %reduce_sum3A_442 : f32
    %add3A_451 = arith.addf %reduce_sum3A_427, %reduce_sum3A_448 : f32
    %slice3A_452 = vector.extract_strided_slice %add3A {offsets = [144], sizes = [16], strides = [1]} : vector<160xf32> to vector<16xf32>
    %reduce_sum3A_453 = vector.shape_cast %slice3A_452 : vector<16xf32> to vector<1x16xf32>
    %reduce_sum3A_454 = arith.constant dense<0.000000e+00> : vector<1xf32>
    %reduce_sum3A_455 = vector.multi_reduction <add>, %reduce_sum3A_453, %reduce_sum3A_454 [1] : vector<1x16xf32> to vector<1xf32>
    %reduce_sum3A_456 = vector.shape_cast %reduce_sum3A_455 : vector<1xf32> to vector<1x1xf32>
    %reduce_sum3A_457 = vector.extract %reduce_sum3A_456[0, 0] : f32 from vector<1x1xf32>
    %add3A_458 = arith.addf %reduce_sum3A_457, %reduce_sum3A_436 : f32
    %add3A_459 = arith.addf %add3A_63, %add3A_106 : f32
    %add3A_460 = arith.addf %add3A_459, %add3A_149 : f32
    %add3A_461 = arith.addf %add3A_460, %add3A_192 : f32
    %add3A_462 = arith.addf %add3A_461, %add3A_235 : f32
    %add3A_463 = arith.addf %add3A_462, %add3A_278 : f32
    %add3A_464 = arith.addf %add3A_463, %add3A_321 : f32
    %add3A_465 = arith.addf %add3A_464, %add3A_364 : f32
    %add3A_466 = arith.addf %add3A_465, %add3A_407 : f32
    %add3A_467 = arith.addf %add3A_466, %add3A_450 : f32
    %add3A_468 = arith.constant 9.99999982E-14 : f32
    %add3A_469 = arith.addf %add3A_63, %add3A_468 : f32
    %div3A = arith.divf %add3A_64, %add3A_469 : f32
    %div3A_470 = arith.divf %add3A_71, %add3A_469 : f32
    %sub3A = arith.subf %div3A, %div3A_470 : f32
    %abs3A = math.absf %sub3A : f32
    %mul3A = arith.mulf %abs3A, %abs3A : f32
    %div3A_471 = arith.divf %add3A_63, %add3A_467 : f32
    %mul3A_472 = arith.mulf %mul3A, %div3A_471 : f32
    %add3A_473 = arith.constant 0.000000e+00 : f32
    %add3A_474 = arith.addf %add3A_473, %mul3A_472 : f32
    %add3A_475 = arith.constant 9.99999982E-14 : f32
    %add3A_476 = arith.addf %add3A_106, %add3A_475 : f32
    %div3A_477 = arith.divf %add3A_107, %add3A_476 : f32
    %div3A_478 = arith.divf %add3A_114, %add3A_476 : f32
    %sub3A_479 = arith.subf %div3A_477, %div3A_478 : f32
    %abs3A_480 = math.absf %sub3A_479 : f32
    %mul3A_481 = arith.mulf %abs3A_480, %abs3A_480 : f32
    %div3A_482 = arith.divf %add3A_106, %add3A_467 : f32
    %mul3A_483 = arith.mulf %mul3A_481, %div3A_482 : f32
    %add3A_484 = arith.addf %add3A_474, %mul3A_483 : f32
    %add3A_485 = arith.constant 9.99999982E-14 : f32
    %add3A_486 = arith.addf %add3A_149, %add3A_485 : f32
    %div3A_487 = arith.divf %add3A_150, %add3A_486 : f32
    %div3A_488 = arith.divf %add3A_157, %add3A_486 : f32
    %sub3A_489 = arith.subf %div3A_487, %div3A_488 : f32
    %abs3A_490 = math.absf %sub3A_489 : f32
    %mul3A_491 = arith.mulf %abs3A_490, %abs3A_490 : f32
    %div3A_492 = arith.divf %add3A_149, %add3A_467 : f32
    %mul3A_493 = arith.mulf %mul3A_491, %div3A_492 : f32
    %add3A_494 = arith.addf %add3A_484, %mul3A_493 : f32
    %add3A_495 = arith.constant 9.99999982E-14 : f32
    %add3A_496 = arith.addf %add3A_192, %add3A_495 : f32
    %div3A_497 = arith.divf %add3A_193, %add3A_496 : f32
    %div3A_498 = arith.divf %add3A_200, %add3A_496 : f32
    %sub3A_499 = arith.subf %div3A_497, %div3A_498 : f32
    %abs3A_500 = math.absf %sub3A_499 : f32
    %mul3A_501 = arith.mulf %abs3A_500, %abs3A_500 : f32
    %div3A_502 = arith.divf %add3A_192, %add3A_467 : f32
    %mul3A_503 = arith.mulf %mul3A_501, %div3A_502 : f32
    %add3A_504 = arith.addf %add3A_494, %mul3A_503 : f32
    %add3A_505 = arith.constant 9.99999982E-14 : f32
    %add3A_506 = arith.addf %add3A_235, %add3A_505 : f32
    %div3A_507 = arith.divf %add3A_236, %add3A_506 : f32
    %div3A_508 = arith.divf %add3A_243, %add3A_506 : f32
    %sub3A_509 = arith.subf %div3A_507, %div3A_508 : f32
    %abs3A_510 = math.absf %sub3A_509 : f32
    %mul3A_511 = arith.mulf %abs3A_510, %abs3A_510 : f32
    %div3A_512 = arith.divf %add3A_235, %add3A_467 : f32
    %mul3A_513 = arith.mulf %mul3A_511, %div3A_512 : f32
    %add3A_514 = arith.addf %add3A_504, %mul3A_513 : f32
    %add3A_515 = arith.constant 9.99999982E-14 : f32
    %add3A_516 = arith.addf %add3A_278, %add3A_515 : f32
    %div3A_517 = arith.divf %add3A_279, %add3A_516 : f32
    %div3A_518 = arith.divf %add3A_286, %add3A_516 : f32
    %sub3A_519 = arith.subf %div3A_517, %div3A_518 : f32
    %abs3A_520 = math.absf %sub3A_519 : f32
    %mul3A_521 = arith.mulf %abs3A_520, %abs3A_520 : f32
    %div3A_522 = arith.divf %add3A_278, %add3A_467 : f32
    %mul3A_523 = arith.mulf %mul3A_521, %div3A_522 : f32
    %add3A_524 = arith.addf %add3A_514, %mul3A_523 : f32
    %add3A_525 = arith.constant 9.99999982E-14 : f32
    %add3A_526 = arith.addf %add3A_321, %add3A_525 : f32
    %div3A_527 = arith.divf %add3A_322, %add3A_526 : f32
    %div3A_528 = arith.divf %add3A_329, %add3A_526 : f32
    %sub3A_529 = arith.subf %div3A_527, %div3A_528 : f32
    %abs3A_530 = math.absf %sub3A_529 : f32
    %mul3A_531 = arith.mulf %abs3A_530, %abs3A_530 : f32
    %div3A_532 = arith.divf %add3A_321, %add3A_467 : f32
    %mul3A_533 = arith.mulf %mul3A_531, %div3A_532 : f32
    %add3A_534 = arith.addf %add3A_524, %mul3A_533 : f32
    %add3A_535 = arith.constant 9.99999982E-14 : f32
    %add3A_536 = arith.addf %add3A_364, %add3A_535 : f32
    %div3A_537 = arith.divf %add3A_365, %add3A_536 : f32
    %div3A_538 = arith.divf %add3A_372, %add3A_536 : f32
    %sub3A_539 = arith.subf %div3A_537, %div3A_538 : f32
    %abs3A_540 = math.absf %sub3A_539 : f32
    %mul3A_541 = arith.mulf %abs3A_540, %abs3A_540 : f32
    %div3A_542 = arith.divf %add3A_364, %add3A_467 : f32
    %mul3A_543 = arith.mulf %mul3A_541, %div3A_542 : f32
    %add3A_544 = arith.addf %add3A_534, %mul3A_543 : f32
    %add3A_545 = arith.constant 9.99999982E-14 : f32
    %add3A_546 = arith.addf %add3A_407, %add3A_545 : f32
    %div3A_547 = arith.divf %add3A_408, %add3A_546 : f32
    %div3A_548 = arith.divf %add3A_415, %add3A_546 : f32
    %sub3A_549 = arith.subf %div3A_547, %div3A_548 : f32
    %abs3A_550 = math.absf %sub3A_549 : f32
    %mul3A_551 = arith.mulf %abs3A_550, %abs3A_550 : f32
    %div3A_552 = arith.divf %add3A_407, %add3A_467 : f32
    %mul3A_553 = arith.mulf %mul3A_551, %div3A_552 : f32
    %add3A_554 = arith.addf %add3A_544, %mul3A_553 : f32
    %add3A_555 = arith.constant 9.99999982E-14 : f32
    %add3A_556 = arith.addf %add3A_450, %add3A_555 : f32
    %div3A_557 = arith.divf %add3A_451, %add3A_556 : f32
    %div3A_558 = arith.divf %add3A_458, %add3A_556 : f32
    %sub3A_559 = arith.subf %div3A_557, %div3A_558 : f32
    %abs3A_560 = math.absf %sub3A_559 : f32
    %mul3A_561 = arith.mulf %abs3A_560, %abs3A_560 : f32
    %div3A_562 = arith.divf %add3A_450, %add3A_467 : f32
    %mul3A_563 = arith.mulf %mul3A_561, %div3A_562 : f32
    %add3A_564 = arith.addf %add3A_554, %mul3A_563 : f32
    %swap3A = arith.constant 0 : index
    %swap3A_565 = arith.constant 0 : index
    %swap3A_566 = memref.load %arg6[%swap3A, %swap3A_565] : memref<1x1xf32, #tpu.memory_space<smem>>
    memref.store %add3A_564, %arg6[%swap3A, %swap3A_565] : memref<1x1xf32, #tpu.memory_space<smem>>
    return
  }
  func.func @transform_0(%arg0: i32) -> (i32, i32) {
    %c0_i32 = arith.constant 0 : i32
    %c0_i32_0 = arith.constant 0 : i32
    %c0_i32_1 = arith.constant 0 : i32
    return %c0_i32, %c0_i32_0 : i32, i32
  }
  func.func @transform_1(%arg0: i32) -> (i32, i32) {
    %c0_i32 = arith.constant 0 : i32
    %c0_i32_0 = arith.constant 0 : i32
    %c0_i32_1 = arith.constant 0 : i32
    return %c0_i32, %c0_i32_0 : i32, i32
  }
  func.func @transform_2(%arg0: i32) -> (i32, i32) {
    %c0_i32 = arith.constant 0 : i32
    %c0_i32_0 = arith.constant 0 : i32
    %c0_i32_1 = arith.constant 0 : i32
    return %c0_i32, %c0_i32_0 : i32, i32
  }
  func.func @transform_3(%arg0: i32) -> (i32, i32) {
    %c0_i32 = arith.constant 0 : i32
    %c0_i32_0 = arith.constant 0 : i32
    %c0_i32_1 = arith.constant 0 : i32
    return %c0_i32, %c0_i32_0 : i32, i32
  }
  func.func @transform_4(%arg0: i32) -> (i32, i32) {
    %c0_i32 = arith.constant 0 : i32
    %c0_i32_0 = arith.constant 0 : i32
    %c0_i32_1 = arith.constant 0 : i32
    return %c0_i32, %c0_i32_0 : i32, i32
  }
  func.func @transform_5(%arg0: i32) -> (i32, i32) {
    %c0_i32 = arith.constant 0 : i32
    %c0_i32_0 = arith.constant 0 : i32
    %c0_i32_1 = arith.constant 0 : i32
    return %c0_i32, %c0_i32_0 : i32, i32
  }
}

</mosaic_0001>

<sc_bundles>
// kernel: kernel.11.cloned.1.call-start
scs
__scs_entry_jumppad:
0x0: {  	(pc) =	sbr.rel $0x88, $3  }
0x1: {  	(tag) =	ssettag $0x0;
	lr =	simm.s32 $0x1  }
0x2: {  	[smem:$0x3F9F] =	sst lr;
	_ =	strace $0xD0000000  }
0x3: {  	_ = 	snop  }
0x4: {  	_ = 	snop  }
0x5: {  	_ = 	snop  }
0x6: {  	_ = 	snop  }
0x7: {  	_ = 	snop  }
__scs_overlays_trampoline_lowered:
0x8: {  	[smem:$0x3FAE] =	sst s0  }
0x9: {  	[smem:$0x3FAF] =	sst s1  }
0xa: {  	[smem:$0x3FB0] =	sst s2  }
0xb: {  	[smem:$0x3FB1] =	sst s3  }
0xc: {  	[smem:$0x3FB2] =	sst s4  }
0xd: {  	[smem:$0x3FB3] =	sst s5  }
0xe: {  	[smem:$0x3FB4] =	sst s6  }
0xf: {  	[smem:$0x3FB5] =	sst s7  }
0x10: {  	[smem:$0x3FB6] =	sst s8  }
0x11: {  	[smem:$0x3FB7] =	sst s9;
	s0 =	simm.s32 @!p0 $0x0  }
0x12: {  	s1 =	sld [smem:$0x3F9D];
	s0 =	simm.s32 @p0 $0x1  }
0x13: {  	[smem:$0x3FB8] =	sst s0;
	s0 =	simm.s32 @!p1 $0x0  }
0x14: {  	s2 =	sld [smem:$0x3F9C];
	s0 =	simm.s32 @p1 $0x1  }
0x15: {  	[smem:$0x3FB9] =	sst s0;
	s0 =	simm.s32 @!p2 $0x0  }
0x16: {  	s3 =	sld [smem:$0x3FDB];
	s0 =	simm.s32 @p2 $0x1  }
0x17: {  	s4 =	simm.s32 $0x1BF5;
	[smem:$0x3FBB] =	sst s0  }
0x18: {  	s0 =	sld [smem:$0x3F9E];
	_ =	swait.ge [sflag:s4], $0x0  }
0x19: {  	s7 =	sld [smem:$0x3F9F]  }
0x1a: {  	s8 =	sadd.s32 $0xFFFFE003, lr  }
0x1b: {  	s9 =	sadd.s32 $0xFFFFFEF7, lr;
	s5 =	simm.s32 $0xFFFFFFFF;
	p2 =	slt.u32 s8, $0xFFFFF086  }
0x1c: {  	p1 =	slt.u32 s9, $0xF7A;
	s5 =	simm.s32 @!p2 $0x0  }
0x1d: {  	s5 =	simm.s32 @p1 $0x1;
	p0 =	seq.s32 s7, s2  }
0x1e: {  	s7 =	smul.u32 @!p0 $0xF7A, s2;
	p2 =	seq.s32 @!p0 s5, $0x0  }
0x1f: {  	s9 =	smul.u32 $0xF7A, s1;
	s8 =	simm.s32 @!p0 $0x1BF5;
	p2 =	por !p2, p0  }
0x20: {  	[sflag:s8] =	ssyncset.s32 @!p0 $0xFFFFF086;
	s6 =	sadd.s32 @!p0 s3, s7;
	s7 =	simm.s32 @!p0 $0x108  }
0x21: {  	s3 =	sadd.s32 s3, s9;
	s6 =	sadd.s32 @!p0 $0x88, s6;
	s7 =	simm.s32 @p2 $0x1082  }
0x22: {  	[simem:s7], [sflag:s8] =	dma.local @!p0 [hbm:s6], $0xF7A  }
0x23: {  	s9 =	sor.u32 $0xD0000000, s2;
	s6 =	simm.s32 $0x108;
	_ =	swait.ge @!p0 [sflag:s8], $0x0  }
0x24: {  	s3 =	sadd.s32 $0x88, s3;
	s6 =	simm.s32 @!p1 $0x1082;
	[sflag:s4] =	ssyncset.s32 $0xFFFFF086  }
0x25: {  	[simem:s6], [sflag:s4] =	dma.local [hbm:s3], $0xF7A  }
0x26: {  	[smem:$0x3F9F] =	sst s1;
	(tag) =	ssettag s2;
	_ =	strace s9  }
0x27: {  	s1 =	sld [smem:$0x3FAF]  }
0x28: {  	s2 =	sld [smem:$0x3FB0]  }
0x29: {  	s4 =	sld [smem:$0x3FB2]  }
0x2a: {  	p0 =	seq.s32 s5, $0x0;
	s5 =	sld [smem:$0x3FB3]  }
0x2b: {  	s6 =	sld [smem:$0x3FB4]  }
0x2c: {  	s7 =	sld [smem:$0x3FB5]  }
0x2d: {  	s3 =	simm.s32 $0x108;
	s8 =	sld [smem:$0x3FB6]  }
0x2e: {  	s3 =	simm.s32 @!p0 $0x1082;
	s9 =	sld [smem:$0x3FB7]  }
0x2f: {  	lr =	sadd.s32 s0, s3;
	s0 =	sld [smem:$0x3FAE]  }
0x30: {  	s3 =	sld [smem:$0x3FB1]  }
0x31: {  	[smem:$0x3FBA] =	sst s10  }
0x32: {  	s10 =	sld [smem:$0x3FB8];
	_ =	sdelay $0x3  }
0x33: {  	p0 =	seq.s32 s10, $0x1;
	s10 =	sld [smem:$0x3FBA];
	_ =	sdelay $0x3  }
0x34: {  	[smem:$0x3FBA] =	sst s10  }
0x35: {  	s10 =	sld [smem:$0x3FB9];
	_ =	sdelay $0x3  }
0x36: {  	p1 =	seq.s32 s10, $0x1;
	s10 =	sld [smem:$0x3FBA];
	_ =	sdelay $0x3  }
0x37: {  	[smem:$0x3FBA] =	sst s10  }
0x38: {  	s10 =	sld [smem:$0x3FBB]  }
0x39: {  	_ = 	snop;
	(pc) =	sbr.ind lr, $3  }
0x3a: {  	_ = 	snop  }
0x3b: {  	_ = 	snop  }
0x3c: {  	p2 =	seq.s32 s10, $0x1;
	s10 =	sld [smem:$0x3FBA]  }
0x3d: {  	_ =	shalt  }
0x3e: {  	_ =	shalt  }
0x3f: {  	_ =	shalt  }
0x40: {  	_ =	shalt  }
0x41: {  	_ =	shalt  }
0x42: {  	_ =	shalt  }
0x43: {  	_ =	shalt  }
0x44: {  	_ =	shalt  }
0x45: {  	_ =	shalt  }
0x46: {  	_ =	shalt  }
0x47: {  	_ =	shalt  }
0x48: {  	_ =	shalt  }
0x49: {  	_ =	shalt  }
0x4a: {  	_ =	shalt  }
0x4b: {  	_ =	shalt  }
0x4c: {  	_ =	shalt  }
0x4d: {  	_ =	shalt  }
0x4e: {  	_ =	shalt  }
0x4f: {  	_ =	shalt  }
0x50: {  	_ =	shalt  }
0x51: {  	_ =	shalt  }
0x52: {  	_ =	shalt  }
0x53: {  	_ =	shalt  }
0x54: {  	_ =	shalt  }
0x55: {  	_ =	shalt  }
0x56: {  	_ =	shalt  }
0x57: {  	_ =	shalt  }
0x58: {  	_ =	shalt  }
0x59: {  	_ =	shalt  }
0x5a: {  	_ =	shalt  }
0x5b: {  	_ =	shalt  }
0x5c: {  	_ =	shalt  }
0x5d: {  	_ =	shalt  }
0x5e: {  	_ =	shalt  }
0x5f: {  	_ =	shalt  }
0x60: {  	_ =	shalt  }
0x61: {  	_ =	shalt  }
0x62: {  	_ =	shalt  }
0x63: {  	_ =	shalt  }
0x64: {  	_ =	shalt  }
0x65: {  	_ =	shalt  }
0x66: {  	_ =	shalt  }
0x67: {  	_ =	shalt  }
0x68: {  	_ =	shalt  }
0x69: {  	_ =	shalt  }
0x6a: {  	_ =	shalt  }
0x6b: {  	_ =	shalt  }
0x6c: {  	_ =	shalt  }
0x6d: {  	_ =	shalt  }
0x6e: {  	_ =	shalt  }
0x6f: {  	_ =	shalt  }
0x70: {  	_ =	shalt  }
0x71: {  	_ =	shalt  }
0x72: {  	_ =	shalt  }
0x73: {  	_ =	shalt  }
0x74: {  	_ =	shalt  }
0x75: {  	_ =	shalt  }
0x76: {  	_ =	shalt  }
0x77: {  	_ =	shalt  }
0x78: {  	_ =	shalt  }
0x79: {  	_ =	shalt  }
0x7a: {  	_ =	shalt  }
0x7b: {  	_ =	shalt  }
0x7c: {  	_ =	shalt  }
0x7d: {  	_ =	shalt  }
0x7e: {  	_ =	shalt  }
0x7f: {  	_ =	shalt  }
0x80: {  	_ =	shalt  }
0x81: {  	_ =	shalt  }
0x82: {  	_ =	shalt  }
0x83: {  	_ =	shalt  }
0x84: {  	_ =	shalt  }
0x85: {  	_ =	shalt  }
0x86: {  	_ =	shalt  }
0x87: {  	_ =	shalt  }
.Lfunc_end0:
.L_simem_size_0:
called_computation.1_lowered:
.L_overlay_start_0:
0x88: {  	s2 =	sld [smem:$0x3FD9]  }
0x89: {  	s3 =	sld [smem:$0x3FFE];
	_ =	sdelay $0x1  }
0x8a: {  	s1 =	srdreg.scid  }
0x8b: {  	s0 =	sand.u32 $0x1, s1  }
0x8c: {  	s17 =	sshll.u32 s0, $0xA;
	s2 =	sadd.s32 s3, s2  }
0x8d: {  	s2 =	sadd.s32 s2, s17  }
0x8e: {  	[smem:$0x3FC6] =	sst s2  }
0x8f: {  	_ = 	snop  }
0x90: {  	(tm) =	ssettm $0x1  }
0x91: {  	s18 =	sld [smem:$0x3FFB];
	_ =	sdelay $0x3  }
0x92: {  	_ =	strace s18  }
0x93: {  	s2 =	sld [smem:$0x3FFC];
	_ =	sdelay $0x3  }
0x94: {  	_ =	strace s2  }
0x95: {  	s2 =	sld [smem:$0x3FFD];
	_ =	sdelay $0x3  }
0x96: {  	_ =	strace s2  }
0x97: {  	_ =	strace $0x8FFFFFFF  }
0x98: {  	s19 =	sld [smem:$0x3FDB];
	_ =	sdelay $0x1  }
0x99: {  	s20 =	simm.s32 $_scs_section_size  }
0x9a: {  	s4 =	simm.s32 $_size__tile_overlayer_lowered;
	s5 =	simm.s32 $_tile_overlayer_lowered  }
0x9b: {  	s6 =	simm.s32 $0x1BFF;
	s21 =	sshll.u32 s5, $0x1;
	s3 =	sadd.s32 s20, s19  }
0x9c: {  	s22 =	simm.s32 $0x0;
	s4 =	sshll.u32 s4, $0x1;
	s5 =	sadd.s32 s21, s3  }
0x9d: {  	[timem:s22], [sflag:s6] =	dma.local [hbm:s5], s4  }
0x9e: {  	_ =	swait.ge [sflag:s6], s4  }
0x9f: {  	s4 =	ssub.s32 $0x0, s4;
	[sflag:s6] =	ssyncset.done $0x0  }
0xa0: {  	[sflag:s6] =	ssyncadd.s32 s4;
	_ =	sdelay $0x1  }
0xa1: {  	s23 =	simm.s32 $0x1B8B  }
0xa2: {  	_ =	swait.ge [sflag:s23], $0x1  }
0xa3: {  	[sflag:s23] =	ssyncset.done $0x0  }
0xa4: {  	[sflag:s23] =	ssyncadd.s32 $0xFFFFFFFF  }
0xa5: {  	s4 =	sld [smem:$0x0]  }
0xa6: {  	s5 =	sand.u32 $0xFFFFFFFE, s1  }
0xa7: {  	p0 =	sne.s32 s1, s5  }
0xa8: {  	s5 =	sshll.u32 @p0 s5, $0xE  }
0xa9: {  	s5 =	sadd.s32 @p0 $0x11B8D, s5;
	s6 =	sshll.u32 @p0 s4, $0x11  }
0xaa: {  	s5 =	sor.u32 @p0 s6, s5  }
0xab: {  	[sflag:s5] =	ssyncadd.remote.s32 @p0 $0x1;
	_ =	sdelay $0x1  }
0xac: {  	s5 =	simm.s32 @p0 $0x1B8D  }
0xad: {  	_ =	swait.eq @p0 [sflag:s5], $0x1  }
0xae: {  	[sflag:s5] =	ssyncadd.s32 @p0 $0xFFFFFFFF  }
0xaf: {  	s6 =	sshll.u32 @!p0 s1, $0xE  }
0xb0: {  	s6 =	sor.u32 @!p0 $0x4000, s6;
	s5 =	simm.s32 @!p0 $0x1B8D  }
0xb1: {  	s4 =	sshll.u32 @!p0 s4, $0x11;
	s6 =	sadd.s32 @!p0 $0x11B8D, s6;
	_ =	swait.eq @!p0 [sflag:s5], $0x1  }
0xb2: {  	s4 =	sor.u32 @!p0 s4, s6;
	[sflag:s5] =	ssyncadd.s32 @!p0 $0xFFFFFFFF  }
0xb3: {  	s25 =	simm.s32 $0x1B8E;
	s24 =	sld [smem:$0x3FFE];
	[sflag:s4] =	ssyncadd.remote.s32 @!p0 $0x1  }
0xb4: {  	s26 =	simm.s32 $execute0_lowered;
	[smem:$0x3FD2] =	sst s25  }
0xb5: {  	s5 =	sshll.u32 s26, $0x1;
	_ =	strace $0x80000049;
	[dreg:$0x1] =	wrdreg $0xFFFFFFFF  }
0xb6: {  	s28 =	simm.s32 $_size_execute0_lowered;
	s3 =	sadd.s32 s3, s5;
	[dreg:$0x0] =	wrdreg $0x0  }
0xb7: {  	s5 =	sshll.u32 s28, $0x1;
	[dreg:$0x2] =	wrdreg s3  }
0xb8: {  	[dreg:$0x3] =	wrdreg s5  }
0xb9: {  	[dreg:$0x4] =	wrdreg $0xC0  }
0xba: {  	_ =	task [dreg:s22], $0x5FFFF  }
0xbb: {  	[dreg:$0x1] =	wrdreg $0xFFFFFFFF  }
0xbc: {  	[dreg:$0x0] =	wrdreg $0x60  }
0xbd: {  	[dreg:$0x2] =	wrdreg s24  }
0xbe: {  	[dreg:$0x3] =	wrdreg $0xA  }
0xbf: {  	_ =	task.clear_ibuf [dreg:s22], $0x4FFFF;
	_ =	strace $0x90000049  }
0xc0: {  	s29 =	simm.s32 $0xA;
	_ =	strace $0x8000004B  }
0xc1: {  	_ =	swait.ge [sflag:s29], $0x1  }
0xc2: {  	[sflag:s29] =	ssyncadd.s32 $0xFFFFFFFF  }
0xc3: {  	_ =	strace $0x9000004B  }
0xc4: {  	_ =	sfence  }
0xc5: {  	s30 =	sld [smem:$0x0];
	_ =	sdelay $0x2  }
0xc6: {  	s31 =	sshll.u32 s1, $0xD;
	s1 =	sshrl.u32 s1, $0x2  }
0xc7: {  	s4 =	sand.u32 $0x4000, s31;
	s1 =	sadd.s32 s1, s30  }
0xc8: {  	s0 =	sor.u32 s4, s0;
	s1 =	sshll.u32 s1, $0x11  }
0xc9: {  	s0 =	sor.u32 s1, s0  }
0xca: {  	s0 =	sadd.s32 $0x8F2B, s0  }
0xcb: {  	[sflag:s0] =	ssyncadd.remote.s32 $0x1  }
0xcc: {  	_ =	sfence.sel $0xFFFF  }
0xcd: {  	[dreg:$0x0] =	wrdreg $0xFFFFFFFF;
	(pc) =	sbr.abs _section_cstart, $3  }
0xce: {  	[dreg:$0x1] =	wrdreg $0xFFFFFFFF  }
0xcf: {  	_ =	task.clear_ibuf [dreg:s22], $0x2FFFF;
	_ =	strace $0x9FFFFFFF  }
0xd0: {  	(tm) =	ssettm $0x7FFFFFFF  }
0xd1: {  	_ =	shalt  }
tec
execute0_lowered:
.L_overlay_start_1:
0x0: {  	(tag) =	ssettag $0x1  }
0x1: {  	s3 =	rddreg [dreg:$0x0]  }
0x2: {  	s0 =	rddreg [dreg:$0x1];
	s4 =	srdreg.scid  }
0x3: {  	s1 =	stileid.u32;
	s2 =	simm.s32 $0x0;
	s9 =	simm.s32 $0x3100  }
0x4: {  	s10 =	simm.s32 $0x80;
	s11 =	simm.s32 $0x400;
	s12 =	simm.s32 $0x0  }
0x5: {  	s4 =	sand.u32 $0x1, s4;
	s5 =	sshll.u32 s1, $0x1;
	s7 =	sshrl.u32 s1, $0x2  }
0x6: {  	s5 =	sor.u32 s4, s5;
	s8 =	sshll.u32 s7, $0xB;
	s7 =	smul.u32 $0xC00, s7  }
0x7: {  	[smem:$0x7FF] =	sst s2;
	s6 =	smul.u32 $0x600, s5;
	s5 =	sshll.u32 s5, $0x7  }
0x8: {  	_ =	strace $0x8000004A;
	s4 =	ssub.s32 $0x2, s4;
	s5 =	sand.u32 $0x380, s5  }
0x9: {  	s31 =	sshrl.u32 s4, $0x1;
	s8 =	sor.u32 s8, s5;
	s5 =	sor.u32 s7, s5  }
0xa: {  	s6 =	sadd.s32 s6, s3;
	s8 =	sshrl.u32 s8, $0x3;
	s5 =	sshrl.u32 s5, $0x3  }
0xb: {  	s7 =	simm.s32 $0x1;
	s30 =	sadd.s32 s8, s3;
	s5 =	sadd.s32 s5, s3  }
0xc: {  	s8 =	ssub.s32 s4, s31;
	s3 =	sadd.s32 $0x33000, s6;
	s4 =	sadd.s32 $0x3F600, s30  }
0xd: {  	v0 =	vimm.f32 $0.0e+00;
	v1 =	vlaneseq.u32;
	v2 =	vimm.f32 $1.000000000e+00;
	s5 =	sadd.s32 $0x3F000, s5;
	s6 =	smax.u32 s8, $0x1;
	s8 =	simm.s32 $0x3000  }
.LBB2_1:
0xe: {  	[tilespmem:$0x3000] =	vst v0  }
0xf: {  	[tilespmem:$0x3010] =	vst v0  }
0x10: {  	[tilespmem:$0x3020] =	vst v0  }
0x11: {  	[tilespmem:$0x3030] =	vst v0  }
0x12: {  	[tilespmem:$0x3040] =	vst v0  }
0x13: {  	[tilespmem:$0x3050] =	vst v0  }
0x14: {  	[tilespmem:$0x3060] =	vst v0  }
0x15: {  	[tilespmem:$0x3070] =	vst v0  }
0x16: {  	[tilespmem:$0x3080] =	vst v0  }
0x17: {  	[tilespmem:$0x3090] =	vst v0  }
0x18: {  	[tilespmem:$0x3100] =	vst v0  }
0x19: {  	[tilespmem:$0x3110] =	vst v0  }
0x1a: {  	[tilespmem:$0x3120] =	vst v0  }
0x1b: {  	[tilespmem:$0x3130] =	vst v0  }
0x1c: {  	[tilespmem:$0x3140] =	vst v0  }
0x1d: {  	[tilespmem:$0x3150] =	vst v0  }
0x1e: {  	[tilespmem:$0x3160] =	vst v0  }
0x1f: {  	[tilespmem:$0x3170] =	vst v0  }
0x20: {  	[tilespmem:$0x3180] =	vst v0  }
0x21: {  	[tilespmem:$0x3190] =	vst v0  }
0x22: {  	[tilespmem:$0x31A0] =	vst v0  }
0x23: {  	[tilespmem:$0x31B0] =	vst v0  }
0x24: {  	[tilespmem:$0x31C0] =	vst v0  }
0x25: {  	[tilespmem:$0x31D0] =	vst v0  }
0x26: {  	[tilespmem:$0x31E0] =	vst v0  }
0x27: {  	[tilespmem:$0x31F0] =	vst v0  }
0x28: {  	[tilespmem:$0x3200] =	vst v0  }
0x29: {  	[tilespmem:$0x3210] =	vst v0  }
0x2a: {  	[tilespmem:$0x3220] =	vst v0  }
0x2b: {  	[tilespmem:$0x3230] =	vst v0  }
0x2c: {  	[tilespmem:s2], [sflag:$0x1] =	stream.linear.gather [hbm4b:s3+s2], $0x3000, $0x38;
	[tilespmem:$0x3280] =	vst v63  }
0x2d: {  	s13 =	sand.u32 $0x3000, s2;
	s14 =	sand.u32 $0xC00, s2;
	_ =	swait.ge [sflag:s7], $0x3000  }
0x2e: {  	s15 =	sand.u32 $0x380, s2;
	s13 =	sor.u32 s14, s13;
	[sflag:s7] =	ssyncset.done $0x0  }
0x2f: {  	s13 =	sor.u32 s15, s13;
	[sflag:s7] =	ssyncadd.s32 $0xFFFFD000  }
0x30: {  	v3 =	vld [tilespmem:s13+$0x60]  }
0x31: {  	v4 =	vld [tilespmem:s13+$0x70];
	_ =	sdelay $0x1  }
0x32: {  	v6 =	vld [tilespmem:s13+$0x10]  }
0x33: {  	v11 =	vld [tilespmem:s13+$0x0]  }
0x34: {  	v5 =	vshll.u32 v3, $0x3  }
0x35: {  	v8 =	vshll.u32 v4, $0x3;
	v5 =	vand.u32 $0xF0, v5  }
0x36: {  	v8 =	vand.u32 $0xF0, v8;
	v5 =	vor.u32 v1, v5  }
0x37: {  	v9 =	vld [tilespmem:s13+$0x40];
	v10 =	vshll.u32 v6, $0x3;
	v8 =	vor.u32 v1, v8  }
0x38: {  	v12 =	vld [tilespmem:s13+$0x50];
	v20 =	vshll.u32 v11, $0x3;
	v10 =	vand.u32 $0xF0, v10  }
0x39: {  	s29 =	simm.s32 $0x400;
	s30 =	simm.s32 $0x80;
	v17 =	vld [tilespmem:s13+$0x30];
	v7 =	vand.u32 $0x1F, v3;
	v20 =	vand.u32 $0xF0, v20;
	v10 =	vor.u32 v1, v10  }
0x3a: {  	s31 =	simm.s32 $0x20;
	s14 =	sand.u32 $0x3000, s30;
	v13 =	vld [tilespmem:s13+$0x20];
	s13 =	sand.u32 $0xC00, s29;
	v7 =	vshll.u32 v7, $0x4;
	v20 =	vor.u32 v1, v20  }
0x3b: {  	s15 =	sand.u32 $0x380, s31;
	s13 =	sor.u32 s13, s14;
	v7 =	vor.u32 v1, v7;
	[tilespmem:v5+s8+$0x0] =	vst.idx.add.f32.msk $0xffff, v3  }
0x3c: {  	s13 =	sor.u32 s15, s13;
	[tilespmem:v8+s8+$0x0] =	vst.idx.add.f32.msk $0xffff, v4  }
0x3d: {  	v14 =	vand.u32 $0x1F, v4;
	v4 =	vld [tilespmem:s13+$0x10]  }
0x3e: {  	v15 =	vand.u32 $0x1F, v6;
	[tilespmem:v10+s8+$0x0] =	vst.idx.add.f32.msk $0xffff, v6  }
0x3f: {  	v3 =	vshll.u32 v14, $0x4;
	v5 =	vshll.u32 v9, $0x3;
	v14 =	vshll.u32 v12, $0x3;
	[tilespmem:v20+s8+$0x0] =	vst.idx.add.f32.msk $0xffff, v11  }
0x40: {  	v6 =	vshll.u32 v17, $0x3;
	[tilespmem:v7+s9+$0x0] =	vst.idx.add.f32.msk $0xffff, v2;
	v7 =	vor.u32 v1, v3;
	v3 =	vand.u32 $0xF0, v5  }
0x41: {  	v10 =	vshll.u32 v13, $0x3;
	v5 =	vld [tilespmem:s13+$0x70];
	v14 =	vand.u32 $0xF0, v14;
	v8 =	vor.u32 v1, v3  }
0x42: {  	v19 =	vand.u32 $0xF0, v6;
	v10 =	vand.u32 $0xF0, v10;
	v6 =	vld [tilespmem:s13+$0x40];
	v14 =	vor.u32 v1, v14  }
0x43: {  	v21 =	vor.u32 v1, v10;
	v10 =	vld [tilespmem:s13+$0x60]  }
0x44: {  	v3 =	vld [tilespmem:s13+$0x0];
	v19 =	vor.u32 v1, v19  }
0x45: {  	v16 =	vand.u32 $0x1F, v13;
	v18 =	vand.u32 $0x1F, v17;
	[tilespmem:v7+s9+$0x0] =	vst.idx.add.f32.msk $0xffff, v2;
	v7 =	vand.u32 $0x1F, v11  }
0x46: {  	v15 =	vshll.u32 v15, $0x4;
	[tilespmem:v8+s8+$0x0] =	vst.idx.add.f32.msk $0xffff, v9;
	v8 =	vand.u32 $0x1F, v12;
	v7 =	vshll.u32 v7, $0x4  }
0x47: {  	v9 =	vand.u32 $0x1F, v9;
	[tilespmem:v14+s8+$0x0] =	vst.idx.add.f32.msk $0xffff, v12;
	v12 =	vor.u32 v1, v15;
	v14 =	vshll.u32 v16, $0x4  }
0x48: {  	v16 =	vshll.u32 v18, $0x4;
	v18 =	vshll.u32 v10, $0x3;
	[tilespmem:v21+s8+$0x0] =	vst.idx.add.f32.msk $0xffff, v13;
	v13 =	vshll.u32 v5, $0x3  }
0x49: {  	[tilespmem:v19+s8+$0x0] =	vst.idx.add.f32.msk $0xffff, v17;
	v8 =	vshll.u32 v8, $0x4;
	v23 =	vor.u32 v1, v7;
	v14 =	vor.u32 v1, v14  }
0x4a: {  	v15 =	vshll.u32 v9, $0x4;
	v9 =	vld [tilespmem:s13+$0x20];
	v16 =	vor.u32 v1, v16;
	v22 =	vor.u32 v1, v8  }
0x4b: {  	v7 =	vld [tilespmem:s13+$0x30];
	v20 =	vand.u32 $0xF0, v13;
	v24 =	vor.u32 v1, v15;
	v15 =	vand.u32 $0x1F, v10  }
0x4c: {  	v8 =	vld [tilespmem:s13+$0x50];
	v21 =	vshll.u32 v15, $0x4;
	v15 =	vand.u32 $0xF0, v18;
	v18 =	vand.u32 $0x1F, v5  }
0x4d: {  	v19 =	vor.u32 v1, v20;
	v15 =	vor.u32 v1, v15;
	v18 =	vshll.u32 v18, $0x4;
	[tilespmem:v12+s9+$0x0] =	vst.idx.add.f32.msk $0xffff, v2  }
0x4e: {  	v11 =	vand.u32 $0x1F, v4;
	v12 =	vor.u32 v1, v18;
	v18 =	vor.u32 v1, v21;
	[tilespmem:v14+s9+$0x0] =	vst.idx.add.f32.msk $0xffff, v2  }
0x4f: {  	v21 =	vand.u32 $0x1F, v3;
	v13 =	vand.u32 $0x1F, v9;
	[tilespmem:v22+s9+$0x0] =	vst.idx.add.f32.msk $0xffff, v2;
	v22 =	vshll.u32 v4, $0x3  }
0x50: {  	s16 =	simm.s32 $0x100;
	v14 =	vshll.u32 v11, $0x4;
	[tilespmem:v23+s9+$0x0] =	vst.idx.add.f32.msk $0xffff, v2;
	v17 =	vand.u32 $0xF0, v22;
	v22 =	vshll.u32 v7, $0x3  }
0x51: {  	s14 =	simm.s32 $0x40;
	s15 =	simm.s32 $0x800;
	s13 =	simm.s32 $0x8;
	v11 =	vand.u32 $0x1F, v7;
	[tilespmem:v24+s9+$0x0] =	vst.idx.add.f32.msk $0xffff, v2;
	v17 =	vor.u32 v1, v17;
	v20 =	vand.u32 $0xF0, v22  }
.LBB2_2:
0x52: {  	s17 =	sand.u32 $0x3000, s16;
	s18 =	sand.u32 $0xC00, s15;
	s13 =	sadd.s32 $0x8, s13;
	v22 =	vshll.u32 v3, $0x3;
	v21 =	vshll.u32 v21, $0x4;
	v23 =	vshll.u32 v6, $0x3;
	[tilespmem:v16+s9+$0x0] =	vst.idx.add.f32.msk $0xffff, v2  }
0x53: {  	s19 =	sand.u32 $0x380, s14;
	v16 =	vand.u32 $0x1F, v6;
	v24 =	vand.u32 $0x1F, v8;
	s17 =	sor.u32 s18, s17;
	p0 =	slt.u32 s13, $0x2F8;
	v23 =	vand.u32 $0xF0, v23;
	[tilespmem:v15+s8+$0x0] =	vst.idx.add.f32.msk $0xffff, v10  }
0x54: {  	v20 =	vor.u32 v1, v20;
	v10 =	vand.u32 $0xF0, v22;
	v15 =	vshll.u32 v24, $0x4;
	s17 =	sor.u32 s19, s17;
	[tilespmem:v18+s9+$0x0] =	vst.idx.add.f32.msk $0xffff, v2  }
0x55: {  	v21 =	vor.u32 v1, v21;
	v16 =	vshll.u32 v16, $0x4;
	v18 =	vshll.u32 v8, $0x3;
	[tilespmem:v19+s8+$0x0] =	vst.idx.add.f32.msk $0xffff, v5  }
0x56: {  	v22 =	vor.u32 v1, v10;
	v10 =	vor.u32 v1, v23;
	v18 =	vand.u32 $0xF0, v18;
	v19 =	vld [tilespmem:s17+$0x10]  }
0x57: {  	v14 =	vor.u32 v1, v14;
	v23 =	vshll.u32 v9, $0x3;
	v18 =	vor.u32 v1, v18;
	v5 =	vld [tilespmem:s17+$0x70]  }
0x58: {  	v13 =	vshll.u32 v13, $0x4;
	v15 =	vor.u32 v1, v15;
	v23 =	vand.u32 $0xF0, v23;
	v24 =	vld [tilespmem:s17+$0x0]  }
0x59: {  	v11 =	vshll.u32 v11, $0x4;
	[tilespmem:v17+s8+$0x0] =	vst.idx.add.f32.msk $0xffff, v4  }
0x5a: {  	[tilespmem:v12+s9+$0x0] =	vst.idx.add.f32.msk $0xffff, v2  }
0x5b: {  	v25 =	vor.u32 v1, v16;
	[tilespmem:v10+s8+$0x0] =	vst.idx.add.f32.msk $0xffff, v6;
	v4 =	vmov v19  }
0x5c: {  	v12 =	vor.u32 v1, v23;
	v6 =	vld [tilespmem:s17+$0x40]  }
0x5d: {  	v10 =	vld [tilespmem:s17+$0x60]  }
0x5e: {  	v17 =	vld [tilespmem:s17+$0x50]  }
0x5f: {  	[tilespmem:v18+s8+$0x0] =	vst.idx.add.f32.msk $0xffff, v8  }
0x60: {  	v19 =	vld [tilespmem:s17+$0x30]  }
0x61: {  	v23 =	vor.u32 v1, v13;
	v18 =	vld [tilespmem:s17+$0x20]  }
0x62: {  	v26 =	vshll.u32 v5, $0x3;
	v28 =	vand.u32 $0x1F, v10;
	v13 =	vshll.u32 v10, $0x3;
	[tilespmem:v12+s8+$0x0] =	vst.idx.add.f32.msk $0xffff, v9  }
0x63: {  	v16 =	vor.u32 v1, v11;
	v27 =	vshll.u32 v28, $0x4;
	v9 =	vand.u32 $0xF0, v13;
	[tilespmem:v15+s9+$0x0] =	vst.idx.add.f32.msk $0xffff, v2;
	v8 =	vmovc v17  }
0x64: {  	v28 =	vand.u32 $0x1F, v5;
	v17 =	vand.u32 $0xF0, v26;
	v15 =	vor.u32 v1, v9;
	[tilespmem:v22+s8+$0x0] =	vst.idx.add.f32.msk $0xffff, v3;
	v3 =	vmovc v24  }
.Ltmp0:
0x65: {  	v11 =	vand.u32 $0x1F, v4;
	v24 =	vshll.u32 v28, $0x4;
	[tilespmem:v14+s9+$0x0] =	vst.idx.add.f32.msk $0xffff, v2;
	(pc) =	sbr.rel @p0 .LBB2_2-.Ltmp0, $4  }
0x66: {  	v22 =	vshll.u32 v4, $0x3;
	v12 =	vor.u32 v1, v24;
	v13 =	vand.u32 $0x1F, v18;
	[tilespmem:v23+s9+$0x0] =	vst.idx.add.f32.msk $0xffff, v2;
	v9 =	vmovc v18  }
0x67: {  	v14 =	vshll.u32 v11, $0x4;
	v11 =	vand.u32 $0x1F, v19;
	v18 =	vor.u32 v1, v27;
	[tilespmem:v20+s8+$0x0] =	vst.idx.add.f32.msk $0xffff, v7;
	v7 =	vmovc v19  }
0x68: {  	v20 =	vand.u32 $0xF0, v22;
	v19 =	vor.u32 v1, v17;
	v22 =	vshll.u32 v7, $0x3;
	[tilespmem:v21+s9+$0x0] =	vst.idx.add.f32.msk $0xffff, v2  }
0x69: {  	s14 =	sadd.s32 $0x20, s14;
	s15 =	sadd.s32 $0x400, s15;
	s16 =	sadd.s32 $0x80, s16;
	v21 =	vand.u32 $0x1F, v3;
	v17 =	vor.u32 v1, v20;
	v20 =	vand.u32 $0xF0, v22;
	[tilespmem:v25+s9+$0x0] =	vst.idx.add.f32.msk $0xffff, v2  }
0x6a: {  	_ =	sdelay $0x3  }
0x6b: {  	[tilespmem:v16+s9+$0x0] =	vst.idx.add.f32.msk $0xffff, v2  }
0x6c: {  	v22 =	vshll.u32 v6, $0x3;
	[tilespmem:v15+s8+$0x0] =	vst.idx.add.f32.msk $0xffff, v10;
	v57 =	vor.u32 v1, v14  }
0x6d: {  	v47 =	vshll.u32 v8, $0x3;
	[tilespmem:v19+s8+$0x0] =	vst.idx.add.f32.msk $0xffff, v5;
	v61 =	vor.u32 v1, v20;
	v46 =	vand.u32 $0xF0, v22  }
0x6e: {  	v52 =	vshll.u32 v3, $0x3;
	[tilespmem:v17+s8+$0x0] =	vst.idx.add.f32.msk $0xffff, v4;
	v49 =	vand.u32 $0xF0, v47;
	v48 =	vor.u32 v1, v46  }
0x6f: {  	v50 =	vshll.u32 v9, $0x3;
	[tilespmem:v18+s9+$0x0] =	vst.idx.add.f32.msk $0xffff, v2;
	v54 =	vand.u32 $0xF0, v52;
	v15 =	vor.u32 v1, v49  }
0x70: {  	v51 =	vand.u32 $0x1F, v8;
	v16 =	vand.u32 $0xF0, v50;
	[tilespmem:v12+s9+$0x0] =	vst.idx.add.f32.msk $0xffff, v2;
	v56 =	vor.u32 v1, v54  }
0x71: {  	v22 =	vshll.u32 v51, $0x4;
	v53 =	vor.u32 v1, v16;
	[tilespmem:v57+s9+$0x0] =	vst.idx.add.f32.msk $0xffff, v2  }
0x72: {  	v13 =	vshll.u32 v13, $0x4;
	v55 =	vor.u32 v1, v22;
	[tilespmem:v61+s8+$0x0] =	vst.idx.add.f32.msk $0xffff, v7  }
0x73: {  	v59 =	vshll.u32 v21, $0x4;
	v58 =	vor.u32 v1, v13;
	[tilespmem:v48+s8+$0x0] =	vst.idx.add.f32.msk $0xffff, v6  }
0x74: {  	v60 =	vand.u32 $0x1F, v6;
	v63 =	vshll.u32 v11, $0x4;
	v62 =	vor.u32 v1, v59;
	[tilespmem:v15+s8+$0x0] =	vst.idx.add.f32.msk $0xffff, v8  }
0x75: {  	v6 =	vshll.u32 v60, $0x4;
	[tilespmem:v56+s8+$0x0] =	vst.idx.add.f32.msk $0xffff, v3;
	v3 =	vor.u32 v1, v63  }
0x76: {  	[tilespmem:v53+s8+$0x0] =	vst.idx.add.f32.msk $0xffff, v9;
	v6 =	vor.u32 v1, v6  }
0x77: {  	[tilespmem:v55+s9+$0x0] =	vst.idx.add.f32.msk $0xffff, v2  }
0x78: {  	[tilespmem:v58+s9+$0x0] =	vst.idx.add.f32.msk $0xffff, v2  }
0x79: {  	[tilespmem:v62+s9+$0x0] =	vst.idx.add.f32.msk $0xffff, v2  }
0x7a: {  	[tilespmem:v3+s9+$0x0] =	vst.idx.add.f32.msk $0xffff, v2  }
0x7b: {  	[tilespmem:v6+s9+$0x0] =	vst.idx.add.f32.msk $0xffff, v2  }
0x7c: {  	[hbm4b:s4+s10] =	stream.strided.scatter [tilespmem:s8], [sflag:$0x1], $0x100, s11, s10, $0x38;
	[tilespmem:$0x3280] =	vst v63  }
0x7d: {  	s12 =	sadd.s32 $0x1, s12;
	_ =	swait.ge [sflag:s7], $0x100  }
0x7e: {  	p0 =	sne.s32 s12, s6;
	[sflag:s7] =	ssyncset.done $0x0  }
.Ltmp1:
0x7f: {  	[sflag:s7] =	ssyncadd.s32 $0xFFFFFF00;
	(pc) =	sbr.rel @p0 .LBB2_1-.Ltmp1, $4  }
0x80: {  	[hbm4b:s5+s10] =	stream.strided.scatter [tilespmem:s9], [sflag:$0x1], $0x180, s11, s10, $0x38;
	[tilespmem:$0x3280] =	vst v63  }
0x81: {  	_ =	swait.ge [sflag:s7], $0x180  }
0x82: {  	[sflag:s7] =	ssyncset.done $0x0  }
0x83: {  	[sflag:s7] =	ssyncadd.s32 $0xFFFFFE80  }
0x84: {  	_ =	sfence.sel $0x180000  }
0x85: {  	[bflag:$0x0] =	sbarrier.arrive $0xFFFF  }
0x86: {  	p0 =	sne.s32 s1, $0x0;
	_ =	strace $0x9000004A  }
0x87: {  	s0 =	sadd.s32 @!p0 $0x100000, s0;
	[bflag:$0x2] =	sbarrier.arrive $0xFFFF  }
0x88: {  	[sflag:s0] =	ssyncadd.tile.s32 @!p0 $0x1;
	_ =	shalt  }
.Lfunc_end2:
_tile_overlayer_lowered:
.L_overlay_start_2:
0x89: {  	(tag) =	ssettag $0x2  }
0x8a: {  	s0 =	rddreg [dreg:$0x0];
	s2 =	stileid.u32  }
0x8b: {  	s1 =	rddreg [dreg:$0x1];
	p0 =	sne.s32 s2, $0x0  }
0x8c: {  	s3 =	rddreg [dreg:$0x2];
	[bflag:$0x3] =	sbarrier.arrive $0xFFFF;
	s2 =	simm.s32 @!p0 $0x1C01  }
0x8d: {  	[timem:s3], [sflag:s2] =	dma.local @!p0 [hbm:s0], s1  }
0x8e: {  	s0 =	simm.s32 @!p0 $0x1  }
0x8f: {  	_ =	swait.ge @!p0 [sflag:s0], s1  }
0x90: {  	s1 =	ssub.s32 @!p0 $0x0, s1;
	[sflag:s0] =	ssyncset.done @!p0 $0x0  }
0x91: {  	[sflag:s0] =	ssyncadd.s32 @!p0 s1  }
0x92: {  	[bflag:$0x3] =	sbarrier.arrive $0xFFFF  }
0x93: {  	_ =	shalt  }

// kernel: kernel.8.cloned.1.call-start
scs
__scs_entry_jumppad:
0x0: {  	(pc) =	sbr.rel $0x88, $3  }
0x1: {  	(tag) =	ssettag $0x0;
	lr =	simm.s32 $0x1  }
0x2: {  	[smem:$0x3F9F] =	sst lr;
	_ =	strace $0xD0000000  }
0x3: {  	_ = 	snop  }
0x4: {  	_ = 	snop  }
0x5: {  	_ = 	snop  }
0x6: {  	_ = 	snop  }
0x7: {  	_ = 	snop  }
__scs_overlays_trampoline_lowered:
0x8: {  	[smem:$0x3FAE] =	sst s0  }
0x9: {  	[smem:$0x3FAF] =	sst s1  }
0xa: {  	[smem:$0x3FB0] =	sst s2  }
0xb: {  	[smem:$0x3FB1] =	sst s3  }
0xc: {  	[smem:$0x3FB2] =	sst s4  }
0xd: {  	[smem:$0x3FB3] =	sst s5  }
0xe: {  	[smem:$0x3FB4] =	sst s6  }
0xf: {  	[smem:$0x3FB5] =	sst s7  }
0x10: {  	[smem:$0x3FB6] =	sst s8  }
0x11: {  	[smem:$0x3FB7] =	sst s9;
	s0 =	simm.s32 @!p0 $0x0  }
0x12: {  	s1 =	sld [smem:$0x3F9D];
	s0 =	simm.s32 @p0 $0x1  }
0x13: {  	[smem:$0x3FB8] =	sst s0;
	s0 =	simm.s32 @!p1 $0x0  }
0x14: {  	s2 =	sld [smem:$0x3F9C];
	s0 =	simm.s32 @p1 $0x1  }
0x15: {  	[smem:$0x3FB9] =	sst s0;
	s0 =	simm.s32 @!p2 $0x0  }
0x16: {  	s3 =	sld [smem:$0x3FDB];
	s0 =	simm.s32 @p2 $0x1  }
0x17: {  	s4 =	simm.s32 $0x1BF5;
	[smem:$0x3FBB] =	sst s0  }
0x18: {  	s0 =	sld [smem:$0x3F9E];
	_ =	swait.ge [sflag:s4], $0x0  }
0x19: {  	s7 =	sld [smem:$0x3F9F]  }
0x1a: {  	s8 =	sadd.s32 $0xFFFFE003, lr  }
0x1b: {  	s9 =	sadd.s32 $0xFFFFFEF7, lr;
	s5 =	simm.s32 $0xFFFFFFFF;
	p2 =	slt.u32 s8, $0xFFFFF086  }
0x1c: {  	p1 =	slt.u32 s9, $0xF7A;
	s5 =	simm.s32 @!p2 $0x0  }
0x1d: {  	s5 =	simm.s32 @p1 $0x1;
	p0 =	seq.s32 s7, s2  }
0x1e: {  	s7 =	smul.u32 @!p0 $0xF7A, s2;
	p2 =	seq.s32 @!p0 s5, $0x0  }
0x1f: {  	s9 =	smul.u32 $0xF7A, s1;
	s8 =	simm.s32 @!p0 $0x1BF5;
	p2 =	por !p2, p0  }
0x20: {  	[sflag:s8] =	ssyncset.s32 @!p0 $0xFFFFF086;
	s6 =	sadd.s32 @!p0 s3, s7;
	s7 =	simm.s32 @!p0 $0x108  }
0x21: {  	s3 =	sadd.s32 s3, s9;
	s6 =	sadd.s32 @!p0 $0x88, s6;
	s7 =	simm.s32 @p2 $0x1082  }
0x22: {  	[simem:s7], [sflag:s8] =	dma.local @!p0 [hbm:s6], $0xF7A  }
0x23: {  	s9 =	sor.u32 $0xD0000000, s2;
	s6 =	simm.s32 $0x108;
	_ =	swait.ge @!p0 [sflag:s8], $0x0  }
0x24: {  	s3 =	sadd.s32 $0x88, s3;
	s6 =	simm.s32 @!p1 $0x1082;
	[sflag:s4] =	ssyncset.s32 $0xFFFFF086  }
0x25: {  	[simem:s6], [sflag:s4] =	dma.local [hbm:s3], $0xF7A  }
0x26: {  	[smem:$0x3F9F] =	sst s1;
	(tag) =	ssettag s2;
	_ =	strace s9  }
0x27: {  	s1 =	sld [smem:$0x3FAF]  }
0x28: {  	s2 =	sld [smem:$0x3FB0]  }
0x29: {  	s4 =	sld [smem:$0x3FB2]  }
0x2a: {  	p0 =	seq.s32 s5, $0x0;
	s5 =	sld [smem:$0x3FB3]  }
0x2b: {  	s6 =	sld [smem:$0x3FB4]  }
0x2c: {  	s7 =	sld [smem:$0x3FB5]  }
0x2d: {  	s3 =	simm.s32 $0x108;
	s8 =	sld [smem:$0x3FB6]  }
0x2e: {  	s3 =	simm.s32 @!p0 $0x1082;
	s9 =	sld [smem:$0x3FB7]  }
0x2f: {  	lr =	sadd.s32 s0, s3;
	s0 =	sld [smem:$0x3FAE]  }
0x30: {  	s3 =	sld [smem:$0x3FB1]  }
0x31: {  	[smem:$0x3FBA] =	sst s10  }
0x32: {  	s10 =	sld [smem:$0x3FB8];
	_ =	sdelay $0x3  }
0x33: {  	p0 =	seq.s32 s10, $0x1;
	s10 =	sld [smem:$0x3FBA];
	_ =	sdelay $0x3  }
0x34: {  	[smem:$0x3FBA] =	sst s10  }
0x35: {  	s10 =	sld [smem:$0x3FB9];
	_ =	sdelay $0x3  }
0x36: {  	p1 =	seq.s32 s10, $0x1;
	s10 =	sld [smem:$0x3FBA];
	_ =	sdelay $0x3  }
0x37: {  	[smem:$0x3FBA] =	sst s10  }
0x38: {  	s10 =	sld [smem:$0x3FBB]  }
0x39: {  	_ = 	snop;
	(pc) =	sbr.ind lr, $3  }
0x3a: {  	_ = 	snop  }
0x3b: {  	_ = 	snop  }
0x3c: {  	p2 =	seq.s32 s10, $0x1;
	s10 =	sld [smem:$0x3FBA]  }
0x3d: {  	_ =	shalt  }
0x3e: {  	_ =	shalt  }
0x3f: {  	_ =	shalt  }
0x40: {  	_ =	shalt  }
0x41: {  	_ =	shalt  }
0x42: {  	_ =	shalt  }
0x43: {  	_ =	shalt  }
0x44: {  	_ =	shalt  }
0x45: {  	_ =	shalt  }
0x46: {  	_ =	shalt  }
0x47: {  	_ =	shalt  }
0x48: {  	_ =	shalt  }
0x49: {  	_ =	shalt  }
0x4a: {  	_ =	shalt  }
0x4b: {  	_ =	shalt  }
0x4c: {  	_ =	shalt  }
0x4d: {  	_ =	shalt  }
0x4e: {  	_ =	shalt  }
0x4f: {  	_ =	shalt  }
0x50: {  	_ =	shalt  }
0x51: {  	_ =	shalt  }
0x52: {  	_ =	shalt  }
0x53: {  	_ =	shalt  }
0x54: {  	_ =	shalt  }
0x55: {  	_ =	shalt  }
0x56: {  	_ =	shalt  }
0x57: {  	_ =	shalt  }
0x58: {  	_ =	shalt  }
0x59: {  	_ =	shalt  }
0x5a: {  	_ =	shalt  }
0x5b: {  	_ =	shalt  }
0x5c: {  	_ =	shalt  }
0x5d: {  	_ =	shalt  }
0x5e: {  	_ =	shalt  }
0x5f: {  	_ =	shalt  }
0x60: {  	_ =	shalt  }
0x61: {  	_ =	shalt  }
0x62: {  	_ =	shalt  }
0x63: {  	_ =	shalt  }
0x64: {  	_ =	shalt  }
0x65: {  	_ =	shalt  }
0x66: {  	_ =	shalt  }
0x67: {  	_ =	shalt  }
0x68: {  	_ =	shalt  }
0x69: {  	_ =	shalt  }
0x6a: {  	_ =	shalt  }
0x6b: {  	_ =	shalt  }
0x6c: {  	_ =	shalt  }
0x6d: {  	_ =	shalt  }
0x6e: {  	_ =	shalt  }
0x6f: {  	_ =	shalt  }
0x70: {  	_ =	shalt  }
0x71: {  	_ =	shalt  }
0x72: {  	_ =	shalt  }
0x73: {  	_ =	shalt  }
0x74: {  	_ =	shalt  }
0x75: {  	_ =	shalt  }
0x76: {  	_ =	shalt  }
0x77: {  	_ =	shalt  }
0x78: {  	_ =	shalt  }
0x79: {  	_ =	shalt  }
0x7a: {  	_ =	shalt  }
0x7b: {  	_ =	shalt  }
0x7c: {  	_ =	shalt  }
0x7d: {  	_ =	shalt  }
0x7e: {  	_ =	shalt  }
0x7f: {  	_ =	shalt  }
0x80: {  	_ =	shalt  }
0x81: {  	_ =	shalt  }
0x82: {  	_ =	shalt  }
0x83: {  	_ =	shalt  }
0x84: {  	_ =	shalt  }
0x85: {  	_ =	shalt  }
0x86: {  	_ =	shalt  }
0x87: {  	_ =	shalt  }
.Lfunc_end0:
.L_simem_size_0:
called_computation_lowered:
.L_overlay_start_0:
0x88: {  	s2 =	sld [smem:$0x3FD9]  }
0x89: {  	s3 =	sld [smem:$0x3FFE];
	_ =	sdelay $0x1  }
0x8a: {  	s1 =	srdreg.scid  }
0x8b: {  	s0 =	sand.u32 $0x1, s1  }
0x8c: {  	s16 =	sshll.u32 s0, $0xA;
	s2 =	sadd.s32 s3, s2  }
0x8d: {  	s2 =	sadd.s32 s2, s16  }
0x8e: {  	[smem:$0x3FC6] =	sst s2  }
0x8f: {  	_ = 	snop  }
0x90: {  	(tm) =	ssettm $0x1  }
0x91: {  	s17 =	sld [smem:$0x3FFB];
	_ =	sdelay $0x3  }
0x92: {  	_ =	strace s17  }
0x93: {  	s2 =	sld [smem:$0x3FFC];
	_ =	sdelay $0x3  }
0x94: {  	_ =	strace s2  }
0x95: {  	s2 =	sld [smem:$0x3FFD];
	_ =	sdelay $0x3  }
0x96: {  	_ =	strace s2  }
0x97: {  	_ =	strace $0x8FFFFFFF  }
0x98: {  	s18 =	sld [smem:$0x3FDB];
	_ =	sdelay $0x1  }
0x99: {  	s19 =	simm.s32 $_scs_section_size  }
0x9a: {  	s4 =	simm.s32 $_size__tile_overlayer_lowered;
	s5 =	simm.s32 $_tile_overlayer_lowered  }
0x9b: {  	s22 =	simm.s32 $0x1BFF;
	s21 =	sshll.u32 s5, $0x1;
	s2 =	sadd.s32 s19, s18  }
0x9c: {  	s6 =	simm.s32 $0x0;
	s20 =	sshll.u32 s4, $0x1;
	s4 =	sadd.s32 s21, s2  }
0x9d: {  	[timem:s6], [sflag:s22] =	dma.local [hbm:s4], s20  }
0x9e: {  	_ =	swait.ge [sflag:s22], s20  }
0x9f: {  	s3 =	ssub.s32 $0x0, s20;
	[sflag:s22] =	ssyncset.done $0x0  }
0xa0: {  	[sflag:s22] =	ssyncadd.s32 s3;
	_ =	sdelay $0x1  }
0xa1: {  	s23 =	simm.s32 $0x1B8B  }
0xa2: {  	_ =	swait.ge [sflag:s23], $0x1  }
0xa3: {  	[sflag:s23] =	ssyncset.done $0x0  }
0xa4: {  	s25 =	simm.s32 $0x1B8E;
	s24 =	sld [smem:$0x3FFE];
	[sflag:s23] =	ssyncadd.s32 $0xFFFFFFFF  }
0xa5: {  	s26 =	simm.s32 $execute0_lowered;
	[smem:$0x3FD2] =	sst s25  }
0xa6: {  	s4 =	sshll.u32 s26, $0x1;
	_ =	strace $0x80000046;
	[dreg:$0x1] =	wrdreg $0xFFFFFFFF  }
0xa7: {  	s28 =	simm.s32 $_size_execute0_lowered;
	s2 =	sadd.s32 s2, s4;
	[dreg:$0x0] =	wrdreg $0x0  }
0xa8: {  	s4 =	sshll.u32 s28, $0x1;
	[dreg:$0x2] =	wrdreg s2  }
0xa9: {  	[dreg:$0x3] =	wrdreg s4  }
0xaa: {  	[dreg:$0x4] =	wrdreg $0xC0  }
0xab: {  	_ =	task [dreg:s6], $0x5FFFF  }
0xac: {  	[dreg:$0x1] =	wrdreg $0xFFFFFFFF  }
0xad: {  	[dreg:$0x0] =	wrdreg $0x60  }
0xae: {  	[dreg:$0x2] =	wrdreg s24  }
0xaf: {  	[dreg:$0x3] =	wrdreg $0x9  }
0xb0: {  	_ =	task.clear_ibuf [dreg:s6], $0x4FFFF;
	_ =	strace $0x90000046  }
0xb1: {  	s29 =	simm.s32 $0x9;
	_ =	strace $0x80000048  }
0xb2: {  	_ =	swait.ge [sflag:s29], $0x1  }
0xb3: {  	[sflag:s29] =	ssyncadd.s32 $0xFFFFFFFF  }
0xb4: {  	_ =	strace $0x90000048  }
0xb5: {  	_ =	sfence  }
0xb6: {  	s30 =	sld [smem:$0x0];
	_ =	sdelay $0x2  }
0xb7: {  	s31 =	sshll.u32 s1, $0xD;
	s1 =	sshrl.u32 s1, $0x2  }
0xb8: {  	s3 =	sand.u32 $0x4000, s31;
	s1 =	sadd.s32 s1, s30  }
0xb9: {  	s0 =	sor.u32 s3, s0;
	s1 =	sshll.u32 s1, $0x11  }
0xba: {  	s0 =	sor.u32 s1, s0  }
0xbb: {  	s0 =	sadd.s32 $0x8F2B, s0  }
0xbc: {  	[sflag:s0] =	ssyncadd.remote.s32 $0x1  }
0xbd: {  	_ =	sfence.sel $0xFFFF  }
0xbe: {  	[dreg:$0x0] =	wrdreg $0xFFFFFFFF;
	(pc) =	sbr.abs _section_cstart, $3  }
0xbf: {  	[dreg:$0x1] =	wrdreg $0xFFFFFFFF  }
0xc0: {  	_ =	task.clear_ibuf [dreg:s6], $0x2FFFF;
	_ =	strace $0x9FFFFFFF  }
0xc1: {  	(tm) =	ssettm $0x7FFFFFFF  }
tec
execute0_lowered:
.L_overlay_start_1:
0x0: {  	(tag) =	ssettag $0x1  }
0x1: {  	s3 =	rddreg [dreg:$0x0]  }
0x2: {  	s0 =	rddreg [dreg:$0x1];
	s4 =	srdreg.scid  }
0x3: {  	s1 =	stileid.u32;
	s2 =	simm.s32 $0x0;
	s9 =	simm.s32 $0xC100  }
0x4: {  	s10 =	simm.s32 $0x80;
	s11 =	simm.s32 $0x400;
	s12 =	simm.s32 $0x0  }
0x5: {  	s4 =	sand.u32 $0x1, s4;
	s5 =	sshll.u32 s1, $0x1;
	s7 =	sshrl.u32 s1, $0x2  }
0x6: {  	s5 =	sor.u32 s4, s5;
	s8 =	sshll.u32 s7, $0xB;
	s7 =	smul.u32 $0xC00, s7  }
0x7: {  	[smem:$0x7FF] =	sst s2;
	s6 =	smul.u32 $0x1800, s5;
	s5 =	sshll.u32 s5, $0x7  }
0x8: {  	_ =	strace $0x80000047;
	s4 =	ssub.s32 $0x2, s4;
	s5 =	sand.u32 $0x380, s5  }
0x9: {  	s31 =	sshrl.u32 s4, $0x1;
	s8 =	sor.u32 s8, s5;
	s5 =	sor.u32 s7, s5  }
0xa: {  	s6 =	sadd.s32 s6, s3;
	s8 =	sshrl.u32 s8, $0x3;
	s5 =	sshrl.u32 s5, $0x3  }
0xb: {  	s7 =	simm.s32 $0x1;
	s30 =	sadd.s32 s8, s3;
	s5 =	sadd.s32 s5, s3  }
0xc: {  	s8 =	ssub.s32 s4, s31;
	s3 =	sadd.s32 $0x2600, s6;
	s4 =	sadd.s32 $0x32C00, s30  }
0xd: {  	v0 =	vimm.f32 $0.0e+00;
	v1 =	vlaneseq.u32;
	v2 =	vimm.f32 $1.000000000e+00;
	s5 =	sadd.s32 $0x32600, s5;
	s6 =	smax.u32 s8, $0x1;
	s8 =	simm.s32 $0xC000  }
.LBB2_1:
0xe: {  	[tilespmem:$0xC000] =	vst v0  }
0xf: {  	[tilespmem:$0xC010] =	vst v0  }
0x10: {  	[tilespmem:$0xC020] =	vst v0  }
0x11: {  	[tilespmem:$0xC030] =	vst v0  }
0x12: {  	[tilespmem:$0xC040] =	vst v0  }
0x13: {  	[tilespmem:$0xC050] =	vst v0  }
0x14: {  	[tilespmem:$0xC060] =	vst v0  }
0x15: {  	[tilespmem:$0xC070] =	vst v0  }
0x16: {  	[tilespmem:$0xC080] =	vst v0  }
0x17: {  	[tilespmem:$0xC090] =	vst v0  }
0x18: {  	[tilespmem:$0xC100] =	vst v0  }
0x19: {  	[tilespmem:$0xC110] =	vst v0  }
0x1a: {  	[tilespmem:$0xC120] =	vst v0  }
0x1b: {  	[tilespmem:$0xC130] =	vst v0  }
0x1c: {  	[tilespmem:$0xC140] =	vst v0  }
0x1d: {  	[tilespmem:$0xC150] =	vst v0  }
0x1e: {  	[tilespmem:$0xC160] =	vst v0  }
0x1f: {  	[tilespmem:$0xC170] =	vst v0  }
0x20: {  	[tilespmem:$0xC180] =	vst v0  }
0x21: {  	[tilespmem:$0xC190] =	vst v0  }
0x22: {  	[tilespmem:$0xC1A0] =	vst v0  }
0x23: {  	[tilespmem:$0xC1B0] =	vst v0  }
0x24: {  	[tilespmem:$0xC1C0] =	vst v0  }
0x25: {  	[tilespmem:$0xC1D0] =	vst v0  }
0x26: {  	[tilespmem:$0xC1E0] =	vst v0  }
0x27: {  	[tilespmem:$0xC1F0] =	vst v0  }
0x28: {  	[tilespmem:$0xC200] =	vst v0  }
0x29: {  	[tilespmem:$0xC210] =	vst v0  }
0x2a: {  	[tilespmem:$0xC220] =	vst v0  }
0x2b: {  	[tilespmem:$0xC230] =	vst v0  }
0x2c: {  	[tilespmem:s2], [sflag:$0x1] =	stream.linear.gather [hbm4b:s3+s2], $0xC000, $0x38;
	[tilespmem:$0xC280] =	vst v63  }
0x2d: {  	s13 =	sand.u32 $0xF000, s2;
	s14 =	sand.u32 $0xC00, s2;
	_ =	swait.ge [sflag:s7], $0xC000  }
0x2e: {  	s15 =	sand.u32 $0x380, s2;
	s13 =	sor.u32 s14, s13;
	[sflag:s7] =	ssyncset.done $0x0  }
0x2f: {  	s13 =	sor.u32 s15, s13;
	[sflag:s7] =	ssyncadd.s32 $0xFFFF4000  }
0x30: {  	v3 =	vld [tilespmem:s13+$0x60]  }
0x31: {  	v4 =	vld [tilespmem:s13+$0x70];
	_ =	sdelay $0x1  }
0x32: {  	v6 =	vld [tilespmem:s13+$0x10]  }
0x33: {  	v11 =	vld [tilespmem:s13+$0x0]  }
0x34: {  	v5 =	vshll.u32 v3, $0x3  }
0x35: {  	v8 =	vshll.u32 v4, $0x3;
	v5 =	vand.u32 $0xF0, v5  }
0x36: {  	v8 =	vand.u32 $0xF0, v8;
	v5 =	vor.u32 v1, v5  }
0x37: {  	v9 =	vld [tilespmem:s13+$0x40];
	v10 =	vshll.u32 v6, $0x3;
	v8 =	vor.u32 v1, v8  }
0x38: {  	v12 =	vld [tilespmem:s13+$0x50];
	v20 =	vshll.u32 v11, $0x3;
	v10 =	vand.u32 $0xF0, v10  }
0x39: {  	s29 =	simm.s32 $0x400;
	s30 =	simm.s32 $0x80;
	v17 =	vld [tilespmem:s13+$0x30];
	v7 =	vand.u32 $0x1F, v3;
	v20 =	vand.u32 $0xF0, v20;
	v10 =	vor.u32 v1, v10  }
0x3a: {  	s31 =	simm.s32 $0x20;
	s14 =	sand.u32 $0xF000, s30;
	v13 =	vld [tilespmem:s13+$0x20];
	s13 =	sand.u32 $0xC00, s29;
	v7 =	vshll.u32 v7, $0x4;
	v20 =	vor.u32 v1, v20  }
0x3b: {  	s15 =	sand.u32 $0x380, s31;
	s13 =	sor.u32 s13, s14;
	v7 =	vor.u32 v1, v7;
	[tilespmem:v5+s8+$0x0] =	vst.idx.add.f32.msk $0xffff, v3  }
0x3c: {  	s13 =	sor.u32 s15, s13;
	[tilespmem:v8+s8+$0x0] =	vst.idx.add.f32.msk $0xffff, v4  }
0x3d: {  	v14 =	vand.u32 $0x1F, v4;
	v4 =	vld [tilespmem:s13+$0x10]  }
0x3e: {  	v15 =	vand.u32 $0x1F, v6;
	[tilespmem:v10+s8+$0x0] =	vst.idx.add.f32.msk $0xffff, v6  }
0x3f: {  	v3 =	vshll.u32 v14, $0x4;
	v5 =	vshll.u32 v9, $0x3;
	v14 =	vshll.u32 v12, $0x3;
	[tilespmem:v20+s8+$0x0] =	vst.idx.add.f32.msk $0xffff, v11  }
0x40: {  	v6 =	vshll.u32 v17, $0x3;
	[tilespmem:v7+s9+$0x0] =	vst.idx.add.f32.msk $0xffff, v2;
	v7 =	vor.u32 v1, v3;
	v3 =	vand.u32 $0xF0, v5  }
0x41: {  	v10 =	vshll.u32 v13, $0x3;
	v5 =	vld [tilespmem:s13+$0x70];
	v14 =	vand.u32 $0xF0, v14;
	v8 =	vor.u32 v1, v3  }
0x42: {  	v19 =	vand.u32 $0xF0, v6;
	v10 =	vand.u32 $0xF0, v10;
	v6 =	vld [tilespmem:s13+$0x40];
	v14 =	vor.u32 v1, v14  }
0x43: {  	v21 =	vor.u32 v1, v10;
	v10 =	vld [tilespmem:s13+$0x60]  }
0x44: {  	v3 =	vld [tilespmem:s13+$0x0];
	v19 =	vor.u32 v1, v19  }
0x45: {  	v16 =	vand.u32 $0x1F, v13;
	v18 =	vand.u32 $0x1F, v17;
	[tilespmem:v7+s9+$0x0] =	vst.idx.add.f32.msk $0xffff, v2;
	v7 =	vand.u32 $0x1F, v11  }
0x46: {  	v15 =	vshll.u32 v15, $0x4;
	[tilespmem:v8+s8+$0x0] =	vst.idx.add.f32.msk $0xffff, v9;
	v8 =	vand.u32 $0x1F, v12;
	v7 =	vshll.u32 v7, $0x4  }
0x47: {  	v9 =	vand.u32 $0x1F, v9;
	[tilespmem:v14+s8+$0x0] =	vst.idx.add.f32.msk $0xffff, v12;
	v12 =	vor.u32 v1, v15;
	v14 =	vshll.u32 v16, $0x4  }
0x48: {  	v16 =	vshll.u32 v18, $0x4;
	v18 =	vshll.u32 v10, $0x3;
	[tilespmem:v21+s8+$0x0] =	vst.idx.add.f32.msk $0xffff, v13;
	v13 =	vshll.u32 v5, $0x3  }
0x49: {  	[tilespmem:v19+s8+$0x0] =	vst.idx.add.f32.msk $0xffff, v17;
	v8 =	vshll.u32 v8, $0x4;
	v23 =	vor.u32 v1, v7;
	v14 =	vor.u32 v1, v14  }
0x4a: {  	v15 =	vshll.u32 v9, $0x4;
	v9 =	vld [tilespmem:s13+$0x20];
	v16 =	vor.u32 v1, v16;
	v22 =	vor.u32 v1, v8  }
0x4b: {  	v7 =	vld [tilespmem:s13+$0x30];
	v20 =	vand.u32 $0xF0, v13;
	v24 =	vor.u32 v1, v15;
	v15 =	vand.u32 $0x1F, v10  }
0x4c: {  	v8 =	vld [tilespmem:s13+$0x50];
	v21 =	vshll.u32 v15, $0x4;
	v15 =	vand.u32 $0xF0, v18;
	v18 =	vand.u32 $0x1F, v5  }
0x4d: {  	v19 =	vor.u32 v1, v20;
	v15 =	vor.u32 v1, v15;
	v18 =	vshll.u32 v18, $0x4;
	[tilespmem:v12+s9+$0x0] =	vst.idx.add.f32.msk $0xffff, v2  }
0x4e: {  	v11 =	vand.u32 $0x1F, v4;
	v12 =	vor.u32 v1, v18;
	v18 =	vor.u32 v1, v21;
	[tilespmem:v14+s9+$0x0] =	vst.idx.add.f32.msk $0xffff, v2  }
0x4f: {  	v21 =	vand.u32 $0x1F, v3;
	v13 =	vand.u32 $0x1F, v9;
	[tilespmem:v22+s9+$0x0] =	vst.idx.add.f32.msk $0xffff, v2;
	v22 =	vshll.u32 v4, $0x3  }
0x50: {  	s16 =	simm.s32 $0x100;
	v14 =	vshll.u32 v11, $0x4;
	[tilespmem:v23+s9+$0x0] =	vst.idx.add.f32.msk $0xffff, v2;
	v17 =	vand.u32 $0xF0, v22;
	v22 =	vshll.u32 v7, $0x3  }
0x51: {  	s14 =	simm.s32 $0x40;
	s15 =	simm.s32 $0x800;
	s13 =	simm.s32 $0x8;
	v11 =	vand.u32 $0x1F, v7;
	[tilespmem:v24+s9+$0x0] =	vst.idx.add.f32.msk $0xffff, v2;
	v17 =	vor.u32 v1, v17;
	v20 =	vand.u32 $0xF0, v22  }
.LBB2_2:
0x52: {  	s17 =	sand.u32 $0xF000, s16;
	s18 =	sand.u32 $0xC00, s15;
	s13 =	sadd.s32 $0x8, s13;
	v22 =	vshll.u32 v3, $0x3;
	v21 =	vshll.u32 v21, $0x4;
	v23 =	vshll.u32 v6, $0x3;
	[tilespmem:v16+s9+$0x0] =	vst.idx.add.f32.msk $0xffff, v2  }
0x53: {  	s19 =	sand.u32 $0x380, s14;
	v16 =	vand.u32 $0x1F, v6;
	v24 =	vand.u32 $0x1F, v8;
	s17 =	sor.u32 s18, s17;
	p0 =	slt.u32 s13, $0xBF8;
	v23 =	vand.u32 $0xF0, v23;
	[tilespmem:v15+s8+$0x0] =	vst.idx.add.f32.msk $0xffff, v10  }
0x54: {  	v20 =	vor.u32 v1, v20;
	v10 =	vand.u32 $0xF0, v22;
	v15 =	vshll.u32 v24, $0x4;
	s17 =	sor.u32 s19, s17;
	[tilespmem:v18+s9+$0x0] =	vst.idx.add.f32.msk $0xffff, v2  }
0x55: {  	v21 =	vor.u32 v1, v21;
	v16 =	vshll.u32 v16, $0x4;
	v18 =	vshll.u32 v8, $0x3;
	[tilespmem:v19+s8+$0x0] =	vst.idx.add.f32.msk $0xffff, v5  }
0x56: {  	v22 =	vor.u32 v1, v10;
	v10 =	vor.u32 v1, v23;
	v18 =	vand.u32 $0xF0, v18;
	v19 =	vld [tilespmem:s17+$0x10]  }
0x57: {  	v14 =	vor.u32 v1, v14;
	v23 =	vshll.u32 v9, $0x3;
	v18 =	vor.u32 v1, v18;
	v5 =	vld [tilespmem:s17+$0x70]  }
0x58: {  	v13 =	vshll.u32 v13, $0x4;
	v15 =	vor.u32 v1, v15;
	v23 =	vand.u32 $0xF0, v23;
	v24 =	vld [tilespmem:s17+$0x0]  }
0x59: {  	v11 =	vshll.u32 v11, $0x4;
	[tilespmem:v17+s8+$0x0] =	vst.idx.add.f32.msk $0xffff, v4  }
0x5a: {  	[tilespmem:v12+s9+$0x0] =	vst.idx.add.f32.msk $0xffff, v2  }
0x5b: {  	v25 =	vor.u32 v1, v16;
	[tilespmem:v10+s8+$0x0] =	vst.idx.add.f32.msk $0xffff, v6;
	v4 =	vmov v19  }
0x5c: {  	v12 =	vor.u32 v1, v23;
	v6 =	vld [tilespmem:s17+$0x40]  }
0x5d: {  	v10 =	vld [tilespmem:s17+$0x60]  }
0x5e: {  	v17 =	vld [tilespmem:s17+$0x50]  }
0x5f: {  	[tilespmem:v18+s8+$0x0] =	vst.idx.add.f32.msk $0xffff, v8  }
0x60: {  	v19 =	vld [tilespmem:s17+$0x30]  }
0x61: {  	v23 =	vor.u32 v1, v13;
	v18 =	vld [tilespmem:s17+$0x20]  }
0x62: {  	v26 =	vshll.u32 v5, $0x3;
	v28 =	vand.u32 $0x1F, v10;
	v13 =	vshll.u32 v10, $0x3;
	[tilespmem:v12+s8+$0x0] =	vst.idx.add.f32.msk $0xffff, v9  }
0x63: {  	v16 =	vor.u32 v1, v11;
	v27 =	vshll.u32 v28, $0x4;
	v9 =	vand.u32 $0xF0, v13;
	[tilespmem:v15+s9+$0x0] =	vst.idx.add.f32.msk $0xffff, v2;
	v8 =	vmovc v17  }
0x64: {  	v28 =	vand.u32 $0x1F, v5;
	v17 =	vand.u32 $0xF0, v26;
	v15 =	vor.u32 v1, v9;
	[tilespmem:v22+s8+$0x0] =	vst.idx.add.f32.msk $0xffff, v3;
	v3 =	vmovc v24  }
.Ltmp0:
0x65: {  	v11 =	vand.u32 $0x1F, v4;
	v24 =	vshll.u32 v28, $0x4;
	[tilespmem:v14+s9+$0x0] =	vst.idx.add.f32.msk $0xffff, v2;
	(pc) =	sbr.rel @p0 .LBB2_2-.Ltmp0, $4  }
0x66: {  	v22 =	vshll.u32 v4, $0x3;
	v12 =	vor.u32 v1, v24;
	v13 =	vand.u32 $0x1F, v18;
	[tilespmem:v23+s9+$0x0] =	vst.idx.add.f32.msk $0xffff, v2;
	v9 =	vmovc v18  }
0x67: {  	v14 =	vshll.u32 v11, $0x4;
	v11 =	vand.u32 $0x1F, v19;
	v18 =	vor.u32 v1, v27;
	[tilespmem:v20+s8+$0x0] =	vst.idx.add.f32.msk $0xffff, v7;
	v7 =	vmovc v19  }
0x68: {  	v20 =	vand.u32 $0xF0, v22;
	v19 =	vor.u32 v1, v17;
	v22 =	vshll.u32 v7, $0x3;
	[tilespmem:v21+s9+$0x0] =	vst.idx.add.f32.msk $0xffff, v2  }
0x69: {  	s14 =	sadd.s32 $0x20, s14;
	s15 =	sadd.s32 $0x400, s15;
	s16 =	sadd.s32 $0x80, s16;
	v21 =	vand.u32 $0x1F, v3;
	v17 =	vor.u32 v1, v20;
	v20 =	vand.u32 $0xF0, v22;
	[tilespmem:v25+s9+$0x0] =	vst.idx.add.f32.msk $0xffff, v2  }
0x6a: {  	_ =	sdelay $0x3  }
0x6b: {  	[tilespmem:v16+s9+$0x0] =	vst.idx.add.f32.msk $0xffff, v2  }
0x6c: {  	v22 =	vshll.u32 v6, $0x3;
	[tilespmem:v15+s8+$0x0] =	vst.idx.add.f32.msk $0xffff, v10;
	v57 =	vor.u32 v1, v14  }
0x6d: {  	v47 =	vshll.u32 v8, $0x3;
	[tilespmem:v19+s8+$0x0] =	vst.idx.add.f32.msk $0xffff, v5;
	v61 =	vor.u32 v1, v20;
	v46 =	vand.u32 $0xF0, v22  }
0x6e: {  	v52 =	vshll.u32 v3, $0x3;
	[tilespmem:v17+s8+$0x0] =	vst.idx.add.f32.msk $0xffff, v4;
	v49 =	vand.u32 $0xF0, v47;
	v48 =	vor.u32 v1, v46  }
0x6f: {  	v50 =	vshll.u32 v9, $0x3;
	[tilespmem:v18+s9+$0x0] =	vst.idx.add.f32.msk $0xffff, v2;
	v54 =	vand.u32 $0xF0, v52;
	v15 =	vor.u32 v1, v49  }
0x70: {  	v51 =	vand.u32 $0x1F, v8;
	v16 =	vand.u32 $0xF0, v50;
	[tilespmem:v12+s9+$0x0] =	vst.idx.add.f32.msk $0xffff, v2;
	v56 =	vor.u32 v1, v54  }
0x71: {  	v22 =	vshll.u32 v51, $0x4;
	v53 =	vor.u32 v1, v16;
	[tilespmem:v57+s9+$0x0] =	vst.idx.add.f32.msk $0xffff, v2  }
0x72: {  	v13 =	vshll.u32 v13, $0x4;
	v55 =	vor.u32 v1, v22;
	[tilespmem:v61+s8+$0x0] =	vst.idx.add.f32.msk $0xffff, v7  }
0x73: {  	v59 =	vshll.u32 v21, $0x4;
	v58 =	vor.u32 v1, v13;
	[tilespmem:v48+s8+$0x0] =	vst.idx.add.f32.msk $0xffff, v6  }
0x74: {  	v60 =	vand.u32 $0x1F, v6;
	v63 =	vshll.u32 v11, $0x4;
	v62 =	vor.u32 v1, v59;
	[tilespmem:v15+s8+$0x0] =	vst.idx.add.f32.msk $0xffff, v8  }
0x75: {  	v6 =	vshll.u32 v60, $0x4;
	[tilespmem:v56+s8+$0x0] =	vst.idx.add.f32.msk $0xffff, v3;
	v3 =	vor.u32 v1, v63  }
0x76: {  	[tilespmem:v53+s8+$0x0] =	vst.idx.add.f32.msk $0xffff, v9;
	v6 =	vor.u32 v1, v6  }
0x77: {  	[tilespmem:v55+s9+$0x0] =	vst.idx.add.f32.msk $0xffff, v2  }
0x78: {  	[tilespmem:v58+s9+$0x0] =	vst.idx.add.f32.msk $0xffff, v2  }
0x79: {  	[tilespmem:v62+s9+$0x0] =	vst.idx.add.f32.msk $0xffff, v2  }
0x7a: {  	[tilespmem:v3+s9+$0x0] =	vst.idx.add.f32.msk $0xffff, v2  }
0x7b: {  	[tilespmem:v6+s9+$0x0] =	vst.idx.add.f32.msk $0xffff, v2  }
0x7c: {  	[hbm4b:s4+s10] =	stream.strided.scatter [tilespmem:s8], [sflag:$0x1], $0x100, s11, s10, $0x38;
	[tilespmem:$0xC280] =	vst v63  }
0x7d: {  	s12 =	sadd.s32 $0x1, s12;
	_ =	swait.ge [sflag:s7], $0x100  }
0x7e: {  	p0 =	sne.s32 s12, s6;
	[sflag:s7] =	ssyncset.done $0x0  }
.Ltmp1:
0x7f: {  	[sflag:s7] =	ssyncadd.s32 $0xFFFFFF00;
	(pc) =	sbr.rel @p0 .LBB2_1-.Ltmp1, $4  }
0x80: {  	[hbm4b:s5+s10] =	stream.strided.scatter [tilespmem:s9], [sflag:$0x1], $0x180, s11, s10, $0x38;
	[tilespmem:$0xC280] =	vst v63  }
0x81: {  	_ =	swait.ge [sflag:s7], $0x180  }
0x82: {  	[sflag:s7] =	ssyncset.done $0x0  }
0x83: {  	[sflag:s7] =	ssyncadd.s32 $0xFFFFFE80  }
0x84: {  	_ =	sfence.sel $0x180000  }
0x85: {  	[bflag:$0x0] =	sbarrier.arrive $0xFFFF  }
0x86: {  	p0 =	sne.s32 s1, $0x0;
	_ =	strace $0x90000047  }
0x87: {  	s0 =	sadd.s32 @!p0 $0x100000, s0;
	[bflag:$0x2] =	sbarrier.arrive $0xFFFF  }
0x88: {  	[sflag:s0] =	ssyncadd.tile.s32 @!p0 $0x1;
	_ =	shalt  }
.Lfunc_end2:
_tile_overlayer_lowered:
.L_overlay_start_2:
0x89: {  	(tag) =	ssettag $0x2  }
0x8a: {  	s0 =	rddreg [dreg:$0x0];
	s2 =	stileid.u32  }
0x8b: {  	s1 =	rddreg [dreg:$0x1];
	p0 =	sne.s32 s2, $0x0  }
0x8c: {  	s3 =	rddreg [dreg:$0x2];
	[bflag:$0x3] =	sbarrier.arrive $0xFFFF;
	s2 =	simm.s32 @!p0 $0x1C01  }
0x8d: {  	[timem:s3], [sflag:s2] =	dma.local @!p0 [hbm:s0], s1  }
0x8e: {  	s0 =	simm.s32 @!p0 $0x1  }
0x8f: {  	_ =	swait.ge @!p0 [sflag:s0], s1  }
0x90: {  	s1 =	ssub.s32 @!p0 $0x0, s1;
	[sflag:s0] =	ssyncset.done @!p0 $0x0  }
0x91: {  	[sflag:s0] =	ssyncadd.s32 @!p0 s1  }
0x92: {  	[bflag:$0x3] =	sbarrier.arrive $0xFFFF  }
0x93: {  	_ =	shalt  }

</sc_bundles>
